<compile_context>
chip_gen: v7x
topology: tpu7x:2x2x1
jax: 0.10.2.dev20260603
libtpu: 0.0.44.dev20260713+nightly
codegen_flags: <defaults>
</compile_context>

<pallas_src>
import functools

import numpy as np
import jax
import jax.numpy as jnp
from jax import lax
from jax.experimental import pallas as pl
from jax.experimental.pallas import tpu as pltpu
from jax.experimental.pallas import tpu_sc as plsc

N = 4096
NUM_FERNS = 16
K = 16
D_OUT = 32
TABLE = 2 ** K
REP = 8
RW = NUM_FERNS * REP

NC = 2
NS = 16
NW = NC * NS
SPW = N // NW
FPC = 4
NCH = NUM_FERNS // FPC
JQ = FPC * D_OUT
CHUNK = SPW * JQ
IBUF = 3
DBUF = 3
_JOBS = [(0, 0, SPW // 2), (0, SPW // 2, SPW),
         (1, 0, SPW), (2, 0, SPW),
         (3, 0, SPW // 2), (3, SPW // 2, SPW)]

_pack_np = np.zeros((NUM_FERNS * K, RW), np.float32)
for _m in range(NUM_FERNS):
    _pack_np[_m * K:(_m + 1) * K, _m * REP:(_m + 1) * REP] = (
        2.0 ** np.arange(K - 1, -1, -1)
    )[:, None]
_PACK_W = _pack_np

_IDX_BLOCKS = 4


def _idx_body(b_ref, w_ref, o_ref):
    acc = jnp.dot(b_ref[...], w_ref[...], preferred_element_type=jnp.float32)
    o_ref[...] = acc.astype(jnp.int32)


def _compute_codes(B2):
    blk = N // _IDX_BLOCKS
    return pl.pallas_call(
        _idx_body,
        out_shape=jax.ShapeDtypeStruct((N, RW), jnp.int32),
        grid=(_IDX_BLOCKS,),
        in_specs=[
            pl.BlockSpec((blk, NUM_FERNS * K), lambda i: (i, 0)),
            pl.BlockSpec((NUM_FERNS * K, RW), lambda i: (0, 0)),
        ],
        out_specs=pl.BlockSpec((blk, RW), lambda i: (i, 0)),
    )(B2, _PACK_W)


@functools.cache
def _build_sc_gather_reduce():
    mesh = plsc.VectorSubcoreMesh(core_axis_name="c", subcore_axis_name="s")

    @functools.partial(
        pl.kernel,
        out_type=jax.ShapeDtypeStruct((N, D_OUT), jnp.float32),
        mesh=mesh,
        scratch_types=[
            pltpu.VMEM((SPW * RW,), jnp.int32),
            pltpu.VMEM((IBUF, CHUNK), jnp.int32),
            pltpu.VMEM((DBUF, CHUNK), jnp.float32),
            pltpu.VMEM((SPW, D_OUT), jnp.float32),
            pltpu.VMEM((D_OUT,), jnp.float32),
            pltpu.SemaphoreType.DMA,
            pltpu.SemaphoreType.DMA,
        ],
        compiler_params=pltpu.CompilerParams(use_tc_tiling_on_sc=False,
                                             needs_layout_passes=False),
    )
    def _sc_gather_reduce(codes_hbm, table_hbm, bias_hbm, out_hbm,
                          r_v, idx_v, dst_v, out_v, bias_v, sem, isem):
        wid = lax.axis_index("s") * NC + lax.axis_index("c")
        rcopy = pltpu.async_copy(
            codes_hbm.at[pl.ds(wid * SPW * RW, SPW * RW)], r_v, isem)
        pltpu.sync_copy(bias_hbm, bias_v)

        def init(n, carry):
            out_v[n, pl.ds(0, 16)] = bias_v[pl.ds(0, 16)]
            out_v[n, pl.ds(16, 16)] = bias_v[pl.ds(16, 16)]
            return carry

        lax.fori_loop(0, SPW, init, 0)
        rcopy.wait()

        d16 = lax.iota(jnp.int32, 16)
        cbase = (d16 >> 3) * 524288 + (d16 & 7) * 128

        def build(j, buf):
            q, i0, i1 = _JOBS[j]

            def bld(i, carry):
                for mm in range(FPC):
                    m = q * FPC + mm
                    rv = plsc.load_gather(
                        r_v, [jnp.full((16,), i * RW + m * REP, jnp.int32)])
                    lo = (cbase + m * 2097152
                          + ((rv >> 7) * 1024 + (rv & 127)))
                    idx_v[buf, pl.ds((i - i0) * JQ + mm * D_OUT, 16)] = lo
                    idx_v[buf, pl.ds((i - i0) * JQ + mm * D_OUT + 16, 16)] = (
                        lo + 2 * 524288)
                return carry

            lax.fori_loop(i0, i1, bld, 0)

        def fire(j, buf, dbuf):
            q, i0, i1 = _JOBS[j]
            size = (i1 - i0) * JQ
            return pltpu.async_copy(
                table_hbm.at[idx_v.at[buf, pl.ds(0, size)]],
                dst_v.at[dbuf, pl.ds(0, size)], sem)

        njobs = len(_JOBS)
        copies = []
        for p in range(2):
            build(p, p)
            copies.append(fire(p, p, p))

        for j in range(njobs):
            if j + 2 < njobs:
                build(j + 2, (j + 2) % IBUF)
                copies.append(fire(j + 2, (j + 2) % IBUF, (j + 2) % DBUF))
            copies[j].wait()

            def red(i, carry, j=j):
                i0 = _JOBS[j][1]
                dbuf = j % DBUF
                lo = out_v[i, pl.ds(0, 16)]
                hi = out_v[i, pl.ds(16, 16)]
                for mm in range(FPC):
                    off = (i - i0) * JQ + mm * D_OUT
                    lo = lo + dst_v[dbuf, pl.ds(off, 16)]
                    hi = hi + dst_v[dbuf, pl.ds(off + 16, 16)]
                out_v[i, pl.ds(0, 16)] = lo
                out_v[i, pl.ds(16, 16)] = hi
                return carry

            lax.fori_loop(_JOBS[j][1], _JOBS[j][2], red, 0)

        pltpu.sync_copy(out_v, out_hbm.at[pl.ds(wid * SPW, SPW)])

    return _sc_gather_reduce


def kernel(B, weights, bias):
    B2 = B.reshape(N, NUM_FERNS * K)
    codes = _compute_codes(B2)
    table = (weights.reshape(NUM_FERNS, 512, 128, 4, 8)
             .transpose(0, 3, 1, 4, 2)
             .reshape(NUM_FERNS * D_OUT * TABLE))
    return _build_sc_gather_reduce()(codes.reshape(N * RW), table, bias)

# --- scband reference (transcript-rebuilt; emitter-appended) ---
"""Pipeline reference for scband-fern-sparse-table-tabular-44779329028745 (READ-ONLY COPY).

The authoritative reference and input builder live on the scoring server;
editing this copy changes nothing except your own understanding.
"""

import jax, jax.numpy as jnp
import numpy as np

N = 4096
NUM_FERNS = 16
K = 16
NUM_ACTIVE = 4
D_OUT = 32
TABLE = 2 ** K


def setup_inputs(seed: int = 0) -> dict:
    key = jax.random.key(seed)
    k1, k2 = jax.random.split(key)
    # B holds binary bit-function values (0/1 floats) so forward takes the
    # integer-valued branch of the original torch module.
    B = jax.random.randint(k1, (N, NUM_FERNS, K), 0, 2).astype(jnp.float32)
    # learned parameters per init_kwargs
    weights = jax.random.uniform(k2, (NUM_FERNS, TABLE, D_OUT), dtype=jnp.float32)
    bias = jnp.zeros((D_OUT,), dtype=jnp.float32)
    return {"B": B, "weights": weights, "bias": bias}


def reference(B, weights, bias):
    n = B.shape[0]
    # indices_help_tensor equivalent: exponents K-1 .. 0
    pow2 = jnp.power(2.0, jnp.arange(K - 1, -1, -1, dtype=jnp.float32))  # [K]
    output = jnp.zeros((n, D_OUT), dtype=jnp.float32)
    for m in range(NUM_FERNS):
        current_fern = B[:, m, :]  # [N, K]
        # integer-valued branch: single active word with activation 1
        words0 = jnp.sum(current_fern * pow2[None, :], axis=1)  # [N]
        words = jnp.zeros((n, NUM_ACTIVE), dtype=jnp.float32).at[:, 0].set(words0)
        activity = jnp.zeros((n, NUM_ACTIVE), dtype=jnp.float32).at[:, 0].set(1.0)
        IT = words.astype(jnp.int32)  # [N, P] word indices into 2^K table
        AT = activity  # [N, P]
        # sparse_coo(Votes) @ weights[m]  ==  sum_p AT[:,p] * weights[m][IT[:,p]]
        gathered = jnp.take(weights[m], IT, axis=0)  # [N, P, D_OUT]
        sparse_vote = jnp.sum(AT[:, :, None] * gathered, axis=1)  # [N, D_OUT]
        output = output + sparse_vote
    output = output + bias[None, :]
    return output

if __name__ == "__main__":
    import jax
    _d = setup_inputs()
    print(jax.jit(kernel)(*tuple(_d.values())))

</pallas_src>

<mosaic_0001>
#map = affine_map<(d0, d1) -> (0)>
#map1 = affine_map<(d0, d1) -> (0, 0)>
module attributes {stable_mosaic.version = 14 : i64} {
  func.func @_sc_gather_reduce(%arg0: i32, %arg1: i32, %arg2: memref<524288xi32, #tpu.memory_space<hbm>>, %arg3: memref<33554432xf32, #tpu.memory_space<hbm>>, %arg4: memref<32xf32, #tpu.memory_space<hbm>>, %arg5: memref<4096x32xf32, #tpu.memory_space<hbm>>, %arg6: memref<16384xi32, #tpu.memory_space<vmem>>, %arg7: memref<3x16384xi32, #tpu.memory_space<vmem>>, %arg8: memref<3x16384xf32, #tpu.memory_space<vmem>>, %arg9: memref<128x32xf32, #tpu.memory_space<vmem>>, %arg10: memref<32xf32, #tpu.memory_space<vmem>>, %arg11: memref<!tpu.dma_semaphore, #tpu.memory_space<semaphore_mem>>, %arg12: memref<!tpu.dma_semaphore, #tpu.memory_space<semaphore_mem>>) attributes {dimension_semantics = [#tpu.dimension_semantics<core_parallel>, #tpu.dimension_semantics<subcore_parallel>], iteration_bounds = array<i64: 2, 16>, scalar_prefetch = 0 : i64, scratch_operands = 7 : i64, tpu.core_type = #tpu.core_type<sc_vector_subcore>, window_params = [{transform_indices = #map}, {transform_indices = #map}, {transform_indices = #map}, {transform_indices = #map1}]} {
    %mul3A = arith.constant 2 : i32
    %mul3A_0 = arith.muli %arg1, %mul3A : i32
    %add3A = arith.addi %mul3A_0, %arg0 : i32
    %mul3A_1 = arith.constant 128 : i32
    %mul3A_2 = arith.muli %add3A, %mul3A_1 : i32
    %mul3A_3 = arith.constant 128 : i32
    %mul3A_4 = arith.muli %mul3A_2, %mul3A_3 : i32
    %dma_start3A = tpu.memref_slice %arg2[%mul3A_4] : memref<524288xi32, #tpu.memory_space<hbm>> -> memref<16384xi32, #tpu.memory_space<hbm>>
    %dma_start3A_5 = tpu.memref_slice %arg2[%mul3A_4] : memref<524288xi32, #tpu.memory_space<hbm>> -> memref<16384xi32, #tpu.memory_space<hbm>>
    tpu.enqueue_dma source(%dma_start3A_5 : memref<16384xi32, #tpu.memory_space<hbm>>) target(%arg6 : memref<16384xi32, #tpu.memory_space<vmem>>) target_semaphore(%arg12 : memref<!tpu.dma_semaphore, #tpu.memory_space<semaphore_mem>>)
    "tpu.region"() ({
      %run_scoped3A = tpu.sem_alloc : memref<!tpu.dma_semaphore, #tpu.memory_space<semaphore_mem>>
      tpu.enqueue_dma source(%arg4 : memref<32xf32, #tpu.memory_space<hbm>>) target(%arg10 : memref<32xf32, #tpu.memory_space<vmem>>) target_semaphore(%run_scoped3A : memref<!tpu.dma_semaphore, #tpu.memory_space<semaphore_mem>>)
      tpu.wait_dma2 semaphore(%run_scoped3A : memref<!tpu.dma_semaphore, #tpu.memory_space<semaphore_mem>>) src(%arg4 : memref<32xf32, #tpu.memory_space<hbm>>) dst(%arg10 : memref<32xf32, #tpu.memory_space<vmem>>)
      tpu.yield
    }) : () -> ()
    %scan3A = arith.constant 0 : i32
    %scan3A_6 = arith.constant 0 : i32
    %scan3A_7 = arith.constant 128 : i32
    %scan3A_8 = arith.addi %scan3A_6, %scan3A_7 : i32
    %scan3A_9 = arith.constant 1 : i32
    scf.for %scan3A_217 = %scan3A_6 to %scan3A_8 step %scan3A_9  : i32 {
      %get3A = arith.constant 0 : index
      %get3A_218 = tpu.vector_load %arg10[%get3A] {strides = array<i32>} : memref<32xf32, #tpu.memory_space<vmem>>, vector<16xf32>,
      %swap3A = arith.index_cast %scan3A_217 : i32 to index
      %swap3A_219 = arith.constant 0 : index
      %swap3A_220 = tpu.vector_load %arg9[%swap3A, %swap3A_219] {strides = array<i32>} : memref<128x32xf32, #tpu.memory_space<vmem>>, vector<16xf32>,
      tpu.vector_store %arg9[%swap3A, %swap3A_219], %get3A_218 {strides = array<i32>} : memref<128x32xf32, #tpu.memory_space<vmem>>, vector<16xf32>,
      %get3A_221 = arith.constant 16 : index
      %get3A_222 = tpu.vector_load %arg10[%get3A_221] {strides = array<i32>} : memref<32xf32, #tpu.memory_space<vmem>>, vector<16xf32>,
      %swap3A_223 = arith.index_cast %scan3A_217 : i32 to index
      %swap3A_224 = arith.constant 16 : index
      %swap3A_225 = tpu.vector_load %arg9[%swap3A_223, %swap3A_224] {strides = array<i32>} : memref<128x32xf32, #tpu.memory_space<vmem>>, vector<16xf32>,
      tpu.vector_store %arg9[%swap3A_223, %swap3A_224], %get3A_222 {strides = array<i32>} : memref<128x32xf32, #tpu.memory_space<vmem>>, vector<16xf32>,
    }
    %scan3A_10 = arith.constant 128 : i32
    %dma_wait3A = tpu.memref_slice %arg2[%mul3A_4] : memref<524288xi32, #tpu.memory_space<hbm>> -> memref<16384xi32, #tpu.memory_space<hbm>>
    %dma_wait3A_11 = tpu.memref_slice %arg2[%mul3A_4] : memref<524288xi32, #tpu.memory_space<hbm>> -> memref<16384xi32, #tpu.memory_space<hbm>>
    tpu.wait_dma2 semaphore(%arg12 : memref<!tpu.dma_semaphore, #tpu.memory_space<semaphore_mem>>) src(%dma_wait3A_11 : memref<16384xi32, #tpu.memory_space<hbm>>) dst(%arg6 : memref<16384xi32, #tpu.memory_space<vmem>>)
    %iota3A = tpu.iota {dimensions = array<i32: 0>} : vector<16xi32>
    %shift_right_arithmetic3A = arith.constant 3 : i32
    %shift_right_arithmetic3A_12 = vector.broadcast %shift_right_arithmetic3A : i32 to vector<16xi32>
    %shift_right_arithmetic3A_13 = arith.shrsi %iota3A, %shift_right_arithmetic3A_12 : vector<16xi32>
    %mul3A_14 = arith.constant 524288 : i32
    %mul3A_15 = vector.broadcast %mul3A_14 : i32 to vector<16xi32>
    %mul3A_16 = arith.muli %shift_right_arithmetic3A_13, %mul3A_15 : vector<16xi32>
    %and3A = arith.constant 7 : i32
    %and3A_17 = vector.broadcast %and3A : i32 to vector<16xi32>
    %and3A_18 = arith.andi %iota3A, %and3A_17 : vector<16xi32>
    %mul3A_19 = arith.constant 128 : i32
    %mul3A_20 = vector.broadcast %mul3A_19 : i32 to vector<16xi32>
    %mul3A_21 = arith.muli %and3A_18, %mul3A_20 : vector<16xi32>
    %add3A_22 = arith.addi %mul3A_16, %mul3A_21 : vector<16xi32>
    %scan3A_23 = arith.constant 0 : i32
    %scan3A_24 = arith.constant 0 : i32
    %scan3A_25 = arith.constant 64 : i32
    %scan3A_26 = arith.addi %scan3A_24, %scan3A_25 : i32
    %scan3A_27 = arith.constant 1 : i32
    scf.for %scan3A_217 = %scan3A_24 to %scan3A_26 step %scan3A_27  : i32 {
      %mul3A_218 = arith.constant 128 : i32
      %mul3A_219 = arith.muli %scan3A_217, %mul3A_218 : i32
      %add3A_220 = arith.constant 0 : i32
      %add3A_221 = arith.addi %mul3A_219, %add3A_220 : i32
      %broadcast_in_dim3A = vector.broadcast %add3A_221 : i32 to vector<16xi32>
      %gather3A = tpu.vector_load_idx %arg6[%broadcast_in_dim3A] : memref<16384xi32, #tpu.memory_space<vmem>>[vector<16xi32>], vector<16xi32>,
      %add3A_222 = arith.constant 0 : i32
      %add3A_223 = vector.broadcast %add3A_222 : i32 to vector<16xi32>
      %add3A_224 = arith.addi %add3A_22, %add3A_223 : vector<16xi32>
      %shift_right_arithmetic3A_225 = arith.constant 7 : i32
      %shift_right_arithmetic3A_226 = vector.broadcast %shift_right_arithmetic3A_225 : i32 to vector<16xi32>
      %shift_right_arithmetic3A_227 = arith.shrsi %gather3A, %shift_right_arithmetic3A_226 : vector<16xi32>
      %mul3A_228 = arith.constant 1024 : i32
      %mul3A_229 = vector.broadcast %mul3A_228 : i32 to vector<16xi32>
      %mul3A_230 = arith.muli %shift_right_arithmetic3A_227, %mul3A_229 : vector<16xi32>
      %and3A_231 = arith.constant 127 : i32
      %and3A_232 = vector.broadcast %and3A_231 : i32 to vector<16xi32>
      %and3A_233 = arith.andi %gather3A, %and3A_232 : vector<16xi32>
      %add3A_234 = arith.addi %mul3A_230, %and3A_233 : vector<16xi32>
      %add3A_235 = arith.addi %add3A_224, %add3A_234 : vector<16xi32>
      %sub3A = arith.constant 0 : i32
      %sub3A_236 = arith.subi %scan3A_217, %sub3A : i32
      %mul3A_237 = arith.constant 128 : i32
      %mul3A_238 = arith.muli %sub3A_236, %mul3A_237 : i32
      %add3A_239 = arith.constant 0 : i32
      %add3A_240 = arith.addi %mul3A_238, %add3A_239 : i32
      %swap3A = arith.constant 0 : i32
      %swap3A_241 = arith.index_cast %swap3A : i32 to index
      %swap3A_242 = arith.index_cast %add3A_240 : i32 to index
      %swap3A_243 = tpu.vector_load %arg7[%swap3A_241, %swap3A_242] {strides = array<i32>} : memref<3x16384xi32, #tpu.memory_space<vmem>>, vector<16xi32>,
      tpu.vector_store %arg7[%swap3A_241, %swap3A_242], %add3A_235 {strides = array<i32>} : memref<3x16384xi32, #tpu.memory_space<vmem>>, vector<16xi32>,
      %add3A_244 = arith.constant 1048576 : i32
      %add3A_245 = vector.broadcast %add3A_244 : i32 to vector<16xi32>
      %add3A_246 = arith.addi %add3A_235, %add3A_245 : vector<16xi32>
      %sub3A_247 = arith.constant 0 : i32
      %sub3A_248 = arith.subi %scan3A_217, %sub3A_247 : i32
      %mul3A_249 = arith.constant 128 : i32
      %mul3A_250 = arith.muli %sub3A_248, %mul3A_249 : i32
      %add3A_251 = arith.constant 0 : i32
      %add3A_252 = arith.addi %mul3A_250, %add3A_251 : i32
      %add3A_253 = arith.constant 16 : i32
      %add3A_254 = arith.addi %add3A_252, %add3A_253 : i32
      %swap3A_255 = arith.constant 0 : i32
      %swap3A_256 = arith.index_cast %swap3A_255 : i32 to index
      %swap3A_257 = arith.index_cast %add3A_254 : i32 to index
      %swap3A_258 = tpu.vector_load %arg7[%swap3A_256, %swap3A_257] {strides = array<i32>} : memref<3x16384xi32, #tpu.memory_space<vmem>>, vector<16xi32>,
      tpu.vector_store %arg7[%swap3A_256, %swap3A_257], %add3A_246 {strides = array<i32>} : memref<3x16384xi32, #tpu.memory_space<vmem>>, vector<16xi32>,
      %mul3A_259 = arith.constant 128 : i32
      %mul3A_260 = arith.muli %scan3A_217, %mul3A_259 : i32
      %add3A_261 = arith.constant 8 : i32
      %add3A_262 = arith.addi %mul3A_260, %add3A_261 : i32
      %broadcast_in_dim3A_263 = vector.broadcast %add3A_262 : i32 to vector<16xi32>
      %gather3A_264 = tpu.vector_load_idx %arg6[%broadcast_in_dim3A_263] : memref<16384xi32, #tpu.memory_space<vmem>>[vector<16xi32>], vector<16xi32>,
      %add3A_265 = arith.constant 2097152 : i32
      %add3A_266 = vector.broadcast %add3A_265 : i32 to vector<16xi32>
      %add3A_267 = arith.addi %add3A_22, %add3A_266 : vector<16xi32>
      %shift_right_arithmetic3A_268 = arith.constant 7 : i32
      %shift_right_arithmetic3A_269 = vector.broadcast %shift_right_arithmetic3A_268 : i32 to vector<16xi32>
      %shift_right_arithmetic3A_270 = arith.shrsi %gather3A_264, %shift_right_arithmetic3A_269 : vector<16xi32>
      %mul3A_271 = arith.constant 1024 : i32
      %mul3A_272 = vector.broadcast %mul3A_271 : i32 to vector<16xi32>
      %mul3A_273 = arith.muli %shift_right_arithmetic3A_270, %mul3A_272 : vector<16xi32>
      %and3A_274 = arith.constant 127 : i32
      %and3A_275 = vector.broadcast %and3A_274 : i32 to vector<16xi32>
      %and3A_276 = arith.andi %gather3A_264, %and3A_275 : vector<16xi32>
      %add3A_277 = arith.addi %mul3A_273, %and3A_276 : vector<16xi32>
      %add3A_278 = arith.addi %add3A_267, %add3A_277 : vector<16xi32>
      %sub3A_279 = arith.constant 0 : i32
      %sub3A_280 = arith.subi %scan3A_217, %sub3A_279 : i32
      %mul3A_281 = arith.constant 128 : i32
      %mul3A_282 = arith.muli %sub3A_280, %mul3A_281 : i32
      %add3A_283 = arith.constant 32 : i32
      %add3A_284 = arith.addi %mul3A_282, %add3A_283 : i32
      %swap3A_285 = arith.constant 0 : i32
      %swap3A_286 = arith.index_cast %swap3A_285 : i32 to index
      %swap3A_287 = arith.index_cast %add3A_284 : i32 to index
      %swap3A_288 = tpu.vector_load %arg7[%swap3A_286, %swap3A_287] {strides = array<i32>} : memref<3x16384xi32, #tpu.memory_space<vmem>>, vector<16xi32>,
      tpu.vector_store %arg7[%swap3A_286, %swap3A_287], %add3A_278 {strides = array<i32>} : memref<3x16384xi32, #tpu.memory_space<vmem>>, vector<16xi32>,
      %add3A_289 = arith.constant 1048576 : i32
      %add3A_290 = vector.broadcast %add3A_289 : i32 to vector<16xi32>
      %add3A_291 = arith.addi %add3A_278, %add3A_290 : vector<16xi32>
      %sub3A_292 = arith.constant 0 : i32
      %sub3A_293 = arith.subi %scan3A_217, %sub3A_292 : i32
      %mul3A_294 = arith.constant 128 : i32
      %mul3A_295 = arith.muli %sub3A_293, %mul3A_294 : i32
      %add3A_296 = arith.constant 32 : i32
      %add3A_297 = arith.addi %mul3A_295, %add3A_296 : i32
      %add3A_298 = arith.constant 16 : i32
      %add3A_299 = arith.addi %add3A_297, %add3A_298 : i32
      %swap3A_300 = arith.constant 0 : i32
      %swap3A_301 = arith.index_cast %swap3A_300 : i32 to index
      %swap3A_302 = arith.index_cast %add3A_299 : i32 to index
      %swap3A_303 = tpu.vector_load %arg7[%swap3A_301, %swap3A_302] {strides = array<i32>} : memref<3x16384xi32, #tpu.memory_space<vmem>>, vector<16xi32>,
      tpu.vector_store %arg7[%swap3A_301, %swap3A_302], %add3A_291 {strides = array<i32>} : memref<3x16384xi32, #tpu.memory_space<vmem>>, vector<16xi32>,
      %mul3A_304 = arith.constant 128 : i32
      %mul3A_305 = arith.muli %scan3A_217, %mul3A_304 : i32
      %add3A_306 = arith.constant 16 : i32
      %add3A_307 = arith.addi %mul3A_305, %add3A_306 : i32
      %broadcast_in_dim3A_308 = vector.broadcast %add3A_307 : i32 to vector<16xi32>
      %gather3A_309 = tpu.vector_load_idx %arg6[%broadcast_in_dim3A_308] : memref<16384xi32, #tpu.memory_space<vmem>>[vector<16xi32>], vector<16xi32>,
      %add3A_310 = arith.constant 4194304 : i32
      %add3A_311 = vector.broadcast %add3A_310 : i32 to vector<16xi32>
      %add3A_312 = arith.addi %add3A_22, %add3A_311 : vector<16xi32>
      %shift_right_arithmetic3A_313 = arith.constant 7 : i32
      %shift_right_arithmetic3A_314 = vector.broadcast %shift_right_arithmetic3A_313 : i32 to vector<16xi32>
      %shift_right_arithmetic3A_315 = arith.shrsi %gather3A_309, %shift_right_arithmetic3A_314 : vector<16xi32>
      %mul3A_316 = arith.constant 1024 : i32
      %mul3A_317 = vector.broadcast %mul3A_316 : i32 to vector<16xi32>
      %mul3A_318 = arith.muli %shift_right_arithmetic3A_315, %mul3A_317 : vector<16xi32>
      %and3A_319 = arith.constant 127 : i32
      %and3A_320 = vector.broadcast %and3A_319 : i32 to vector<16xi32>
      %and3A_321 = arith.andi %gather3A_309, %and3A_320 : vector<16xi32>
      %add3A_322 = arith.addi %mul3A_318, %and3A_321 : vector<16xi32>
      %add3A_323 = arith.addi %add3A_312, %add3A_322 : vector<16xi32>
      %sub3A_324 = arith.constant 0 : i32
      %sub3A_325 = arith.subi %scan3A_217, %sub3A_324 : i32
      %mul3A_326 = arith.constant 128 : i32
      %mul3A_327 = arith.muli %sub3A_325, %mul3A_326 : i32
      %add3A_328 = arith.constant 64 : i32
      %add3A_329 = arith.addi %mul3A_327, %add3A_328 : i32
      %swap3A_330 = arith.constant 0 : i32
      %swap3A_331 = arith.index_cast %swap3A_330 : i32 to index
      %swap3A_332 = arith.index_cast %add3A_329 : i32 to index
      %swap3A_333 = tpu.vector_load %arg7[%swap3A_331, %swap3A_332] {strides = array<i32>} : memref<3x16384xi32, #tpu.memory_space<vmem>>, vector<16xi32>,
      tpu.vector_store %arg7[%swap3A_331, %swap3A_332], %add3A_323 {strides = array<i32>} : memref<3x16384xi32, #tpu.memory_space<vmem>>, vector<16xi32>,
      %add3A_334 = arith.constant 1048576 : i32
      %add3A_335 = vector.broadcast %add3A_334 : i32 to vector<16xi32>
      %add3A_336 = arith.addi %add3A_323, %add3A_335 : vector<16xi32>
      %sub3A_337 = arith.constant 0 : i32
      %sub3A_338 = arith.subi %scan3A_217, %sub3A_337 : i32
      %mul3A_339 = arith.constant 128 : i32
      %mul3A_340 = arith.muli %sub3A_338, %mul3A_339 : i32
      %add3A_341 = arith.constant 64 : i32
      %add3A_342 = arith.addi %mul3A_340, %add3A_341 : i32
      %add3A_343 = arith.constant 16 : i32
      %add3A_344 = arith.addi %add3A_342, %add3A_343 : i32
      %swap3A_345 = arith.constant 0 : i32
      %swap3A_346 = arith.index_cast %swap3A_345 : i32 to index
      %swap3A_347 = arith.index_cast %add3A_344 : i32 to index
      %swap3A_348 = tpu.vector_load %arg7[%swap3A_346, %swap3A_347] {strides = array<i32>} : memref<3x16384xi32, #tpu.memory_space<vmem>>, vector<16xi32>,
      tpu.vector_store %arg7[%swap3A_346, %swap3A_347], %add3A_336 {strides = array<i32>} : memref<3x16384xi32, #tpu.memory_space<vmem>>, vector<16xi32>,
      %mul3A_349 = arith.constant 128 : i32
      %mul3A_350 = arith.muli %scan3A_217, %mul3A_349 : i32
      %add3A_351 = arith.constant 24 : i32
      %add3A_352 = arith.addi %mul3A_350, %add3A_351 : i32
      %broadcast_in_dim3A_353 = vector.broadcast %add3A_352 : i32 to vector<16xi32>
      %gather3A_354 = tpu.vector_load_idx %arg6[%broadcast_in_dim3A_353] : memref<16384xi32, #tpu.memory_space<vmem>>[vector<16xi32>], vector<16xi32>,
      %add3A_355 = arith.constant 6291456 : i32
      %add3A_356 = vector.broadcast %add3A_355 : i32 to vector<16xi32>
      %add3A_357 = arith.addi %add3A_22, %add3A_356 : vector<16xi32>
      %shift_right_arithmetic3A_358 = arith.constant 7 : i32
      %shift_right_arithmetic3A_359 = vector.broadcast %shift_right_arithmetic3A_358 : i32 to vector<16xi32>
      %shift_right_arithmetic3A_360 = arith.shrsi %gather3A_354, %shift_right_arithmetic3A_359 : vector<16xi32>
      %mul3A_361 = arith.constant 1024 : i32
      %mul3A_362 = vector.broadcast %mul3A_361 : i32 to vector<16xi32>
      %mul3A_363 = arith.muli %shift_right_arithmetic3A_360, %mul3A_362 : vector<16xi32>
      %and3A_364 = arith.constant 127 : i32
      %and3A_365 = vector.broadcast %and3A_364 : i32 to vector<16xi32>
      %and3A_366 = arith.andi %gather3A_354, %and3A_365 : vector<16xi32>
      %add3A_367 = arith.addi %mul3A_363, %and3A_366 : vector<16xi32>
      %add3A_368 = arith.addi %add3A_357, %add3A_367 : vector<16xi32>
      %sub3A_369 = arith.constant 0 : i32
      %sub3A_370 = arith.subi %scan3A_217, %sub3A_369 : i32
      %mul3A_371 = arith.constant 128 : i32
      %mul3A_372 = arith.muli %sub3A_370, %mul3A_371 : i32
      %add3A_373 = arith.constant 96 : i32
      %add3A_374 = arith.addi %mul3A_372, %add3A_373 : i32
      %swap3A_375 = arith.constant 0 : i32
      %swap3A_376 = arith.index_cast %swap3A_375 : i32 to index
      %swap3A_377 = arith.index_cast %add3A_374 : i32 to index
      %swap3A_378 = tpu.vector_load %arg7[%swap3A_376, %swap3A_377] {strides = array<i32>} : memref<3x16384xi32, #tpu.memory_space<vmem>>, vector<16xi32>,
      tpu.vector_store %arg7[%swap3A_376, %swap3A_377], %add3A_368 {strides = array<i32>} : memref<3x16384xi32, #tpu.memory_space<vmem>>, vector<16xi32>,
      %add3A_379 = arith.constant 1048576 : i32
      %add3A_380 = vector.broadcast %add3A_379 : i32 to vector<16xi32>
      %add3A_381 = arith.addi %add3A_368, %add3A_380 : vector<16xi32>
      %sub3A_382 = arith.constant 0 : i32
      %sub3A_383 = arith.subi %scan3A_217, %sub3A_382 : i32
      %mul3A_384 = arith.constant 128 : i32
      %mul3A_385 = arith.muli %sub3A_383, %mul3A_384 : i32
      %add3A_386 = arith.constant 96 : i32
      %add3A_387 = arith.addi %mul3A_385, %add3A_386 : i32
      %add3A_388 = arith.constant 16 : i32
      %add3A_389 = arith.addi %add3A_387, %add3A_388 : i32
      %swap3A_390 = arith.constant 0 : i32
      %swap3A_391 = arith.index_cast %swap3A_390 : i32 to index
      %swap3A_392 = arith.index_cast %add3A_389 : i32 to index
      %swap3A_393 = tpu.vector_load %arg7[%swap3A_391, %swap3A_392] {strides = array<i32>} : memref<3x16384xi32, #tpu.memory_space<vmem>>, vector<16xi32>,
      tpu.vector_store %arg7[%swap3A_391, %swap3A_392], %add3A_381 {strides = array<i32>} : memref<3x16384xi32, #tpu.memory_space<vmem>>, vector<16xi32>,
    }
    %scan3A_28 = arith.constant 64 : i32
    %dma_start3A_29 = arith.constant 0 : i32
    %dma_start3A_30 = arith.constant 0 : i32
    %dma_start3A_31 = arith.constant 0 : i32
    %dma_start3A_32 = tpu.memref_slice %arg8[%dma_start3A_30, %dma_start3A_31] : memref<3x16384xf32, #tpu.memory_space<vmem>> -> memref<1x8192xf32, #tpu.memory_space<vmem>>
    %dma_start3A_33 = tpu.memref_squeeze %dma_start3A_32 : memref<1x8192xf32, #tpu.memory_space<vmem>> -> memref<8192xf32, #tpu.memory_space<vmem>>
    %dma_start3A_34 = arith.constant 0 : i32
    %dma_start3A_35 = tpu.memref_slice %arg7[%dma_start3A_29, %dma_start3A_34] : memref<3x16384xi32, #tpu.memory_space<vmem>> -> memref<1x8192xi32, #tpu.memory_space<vmem>>
    %dma_start3A_36 = tpu.memref_squeeze %dma_start3A_35 : memref<1x8192xi32, #tpu.memory_space<vmem>> -> memref<8192xi32, #tpu.memory_space<vmem>>
    %dma_start3A_37 = arith.constant 0 : i32
    %dma_start3A_38 = tpu.memref_slice %arg3[%dma_start3A_37] : memref<33554432xf32, #tpu.memory_space<hbm>> -> memref<33554432xf32, #tpu.memory_space<hbm>>
    tpu.enqueue_indirect_dma source(%dma_start3A_38 : memref<33554432xf32, #tpu.memory_space<hbm>>) target(%dma_start3A_33 : memref<8192xf32, #tpu.memory_space<vmem>>) offsets(%dma_start3A_36 : memref<8192xi32, #tpu.memory_space<vmem>>) semaphore(%arg11 : memref<!tpu.dma_semaphore, #tpu.memory_space<semaphore_mem>>)
    %scan3A_39 = arith.constant 0 : i32
    %scan3A_40 = arith.constant 64 : i32
    %scan3A_41 = arith.constant 64 : i32
    %scan3A_42 = arith.addi %scan3A_40, %scan3A_41 : i32
    %scan3A_43 = arith.constant 1 : i32
    scf.for %scan3A_217 = %scan3A_40 to %scan3A_42 step %scan3A_43  : i32 {
      %mul3A_218 = arith.constant 128 : i32
      %mul3A_219 = arith.muli %scan3A_217, %mul3A_218 : i32
      %add3A_220 = arith.constant 0 : i32
      %add3A_221 = arith.addi %mul3A_219, %add3A_220 : i32
      %broadcast_in_dim3A = vector.broadcast %add3A_221 : i32 to vector<16xi32>
      %gather3A = tpu.vector_load_idx %arg6[%broadcast_in_dim3A] : memref<16384xi32, #tpu.memory_space<vmem>>[vector<16xi32>], vector<16xi32>,
      %add3A_222 = arith.constant 0 : i32
      %add3A_223 = vector.broadcast %add3A_222 : i32 to vector<16xi32>
      %add3A_224 = arith.addi %add3A_22, %add3A_223 : vector<16xi32>
      %shift_right_arithmetic3A_225 = arith.constant 7 : i32
      %shift_right_arithmetic3A_226 = vector.broadcast %shift_right_arithmetic3A_225 : i32 to vector<16xi32>
      %shift_right_arithmetic3A_227 = arith.shrsi %gather3A, %shift_right_arithmetic3A_226 : vector<16xi32>
      %mul3A_228 = arith.constant 1024 : i32
      %mul3A_229 = vector.broadcast %mul3A_228 : i32 to vector<16xi32>
      %mul3A_230 = arith.muli %shift_right_arithmetic3A_227, %mul3A_229 : vector<16xi32>
      %and3A_231 = arith.constant 127 : i32
      %and3A_232 = vector.broadcast %and3A_231 : i32 to vector<16xi32>
      %and3A_233 = arith.andi %gather3A, %and3A_232 : vector<16xi32>
      %add3A_234 = arith.addi %mul3A_230, %and3A_233 : vector<16xi32>
      %add3A_235 = arith.addi %add3A_224, %add3A_234 : vector<16xi32>
      %sub3A = arith.constant 64 : i32
      %sub3A_236 = arith.subi %scan3A_217, %sub3A : i32
      %mul3A_237 = arith.constant 128 : i32
      %mul3A_238 = arith.muli %sub3A_236, %mul3A_237 : i32
      %add3A_239 = arith.constant 0 : i32
      %add3A_240 = arith.addi %mul3A_238, %add3A_239 : i32
      %swap3A = arith.constant 1 : i32
      %swap3A_241 = arith.index_cast %swap3A : i32 to index
      %swap3A_242 = arith.index_cast %add3A_240 : i32 to index
      %swap3A_243 = tpu.vector_load %arg7[%swap3A_241, %swap3A_242] {strides = array<i32>} : memref<3x16384xi32, #tpu.memory_space<vmem>>, vector<16xi32>,
      tpu.vector_store %arg7[%swap3A_241, %swap3A_242], %add3A_235 {strides = array<i32>} : memref<3x16384xi32, #tpu.memory_space<vmem>>, vector<16xi32>,
      %add3A_244 = arith.constant 1048576 : i32
      %add3A_245 = vector.broadcast %add3A_244 : i32 to vector<16xi32>
      %add3A_246 = arith.addi %add3A_235, %add3A_245 : vector<16xi32>
      %sub3A_247 = arith.constant 64 : i32
      %sub3A_248 = arith.subi %scan3A_217, %sub3A_247 : i32
      %mul3A_249 = arith.constant 128 : i32
      %mul3A_250 = arith.muli %sub3A_248, %mul3A_249 : i32
      %add3A_251 = arith.constant 0 : i32
      %add3A_252 = arith.addi %mul3A_250, %add3A_251 : i32
      %add3A_253 = arith.constant 16 : i32
      %add3A_254 = arith.addi %add3A_252, %add3A_253 : i32
      %swap3A_255 = arith.constant 1 : i32
      %swap3A_256 = arith.index_cast %swap3A_255 : i32 to index
      %swap3A_257 = arith.index_cast %add3A_254 : i32 to index
      %swap3A_258 = tpu.vector_load %arg7[%swap3A_256, %swap3A_257] {strides = array<i32>} : memref<3x16384xi32, #tpu.memory_space<vmem>>, vector<16xi32>,
      tpu.vector_store %arg7[%swap3A_256, %swap3A_257], %add3A_246 {strides = array<i32>} : memref<3x16384xi32, #tpu.memory_space<vmem>>, vector<16xi32>,
      %mul3A_259 = arith.constant 128 : i32
      %mul3A_260 = arith.muli %scan3A_217, %mul3A_259 : i32
      %add3A_261 = arith.constant 8 : i32
      %add3A_262 = arith.addi %mul3A_260, %add3A_261 : i32
      %broadcast_in_dim3A_263 = vector.broadcast %add3A_262 : i32 to vector<16xi32>
      %gather3A_264 = tpu.vector_load_idx %arg6[%broadcast_in_dim3A_263] : memref<16384xi32, #tpu.memory_space<vmem>>[vector<16xi32>], vector<16xi32>,
      %add3A_265 = arith.constant 2097152 : i32
      %add3A_266 = vector.broadcast %add3A_265 : i32 to vector<16xi32>
      %add3A_267 = arith.addi %add3A_22, %add3A_266 : vector<16xi32>
      %shift_right_arithmetic3A_268 = arith.constant 7 : i32
      %shift_right_arithmetic3A_269 = vector.broadcast %shift_right_arithmetic3A_268 : i32 to vector<16xi32>
      %shift_right_arithmetic3A_270 = arith.shrsi %gather3A_264, %shift_right_arithmetic3A_269 : vector<16xi32>
      %mul3A_271 = arith.constant 1024 : i32
      %mul3A_272 = vector.broadcast %mul3A_271 : i32 to vector<16xi32>
      %mul3A_273 = arith.muli %shift_right_arithmetic3A_270, %mul3A_272 : vector<16xi32>
      %and3A_274 = arith.constant 127 : i32
      %and3A_275 = vector.broadcast %and3A_274 : i32 to vector<16xi32>
      %and3A_276 = arith.andi %gather3A_264, %and3A_275 : vector<16xi32>
      %add3A_277 = arith.addi %mul3A_273, %and3A_276 : vector<16xi32>
      %add3A_278 = arith.addi %add3A_267, %add3A_277 : vector<16xi32>
      %sub3A_279 = arith.constant 64 : i32
      %sub3A_280 = arith.subi %scan3A_217, %sub3A_279 : i32
      %mul3A_281 = arith.constant 128 : i32
      %mul3A_282 = arith.muli %sub3A_280, %mul3A_281 : i32
      %add3A_283 = arith.constant 32 : i32
      %add3A_284 = arith.addi %mul3A_282, %add3A_283 : i32
      %swap3A_285 = arith.constant 1 : i32
      %swap3A_286 = arith.index_cast %swap3A_285 : i32 to index
      %swap3A_287 = arith.index_cast %add3A_284 : i32 to index
      %swap3A_288 = tpu.vector_load %arg7[%swap3A_286, %swap3A_287] {strides = array<i32>} : memref<3x16384xi32, #tpu.memory_space<vmem>>, vector<16xi32>,
      tpu.vector_store %arg7[%swap3A_286, %swap3A_287], %add3A_278 {strides = array<i32>} : memref<3x16384xi32, #tpu.memory_space<vmem>>, vector<16xi32>,
      %add3A_289 = arith.constant 1048576 : i32
      %add3A_290 = vector.broadcast %add3A_289 : i32 to vector<16xi32>
      %add3A_291 = arith.addi %add3A_278, %add3A_290 : vector<16xi32>
      %sub3A_292 = arith.constant 64 : i32
      %sub3A_293 = arith.subi %scan3A_217, %sub3A_292 : i32
      %mul3A_294 = arith.constant 128 : i32
      %mul3A_295 = arith.muli %sub3A_293, %mul3A_294 : i32
      %add3A_296 = arith.constant 32 : i32
      %add3A_297 = arith.addi %mul3A_295, %add3A_296 : i32
      %add3A_298 = arith.constant 16 : i32
      %add3A_299 = arith.addi %add3A_297, %add3A_298 : i32
      %swap3A_300 = arith.constant 1 : i32
      %swap3A_301 = arith.index_cast %swap3A_300 : i32 to index
      %swap3A_302 = arith.index_cast %add3A_299 : i32 to index
      %swap3A_303 = tpu.vector_load %arg7[%swap3A_301, %swap3A_302] {strides = array<i32>} : memref<3x16384xi32, #tpu.memory_space<vmem>>, vector<16xi32>,
      tpu.vector_store %arg7[%swap3A_301, %swap3A_302], %add3A_291 {strides = array<i32>} : memref<3x16384xi32, #tpu.memory_space<vmem>>, vector<16xi32>,
      %mul3A_304 = arith.constant 128 : i32
      %mul3A_305 = arith.muli %scan3A_217, %mul3A_304 : i32
      %add3A_306 = arith.constant 16 : i32
      %add3A_307 = arith.addi %mul3A_305, %add3A_306 : i32
      %broadcast_in_dim3A_308 = vector.broadcast %add3A_307 : i32 to vector<16xi32>
      %gather3A_309 = tpu.vector_load_idx %arg6[%broadcast_in_dim3A_308] : memref<16384xi32, #tpu.memory_space<vmem>>[vector<16xi32>], vector<16xi32>,
      %add3A_310 = arith.constant 4194304 : i32
      %add3A_311 = vector.broadcast %add3A_310 : i32 to vector<16xi32>
      %add3A_312 = arith.addi %add3A_22, %add3A_311 : vector<16xi32>
      %shift_right_arithmetic3A_313 = arith.constant 7 : i32
      %shift_right_arithmetic3A_314 = vector.broadcast %shift_right_arithmetic3A_313 : i32 to vector<16xi32>
      %shift_right_arithmetic3A_315 = arith.shrsi %gather3A_309, %shift_right_arithmetic3A_314 : vector<16xi32>
      %mul3A_316 = arith.constant 1024 : i32
      %mul3A_317 = vector.broadcast %mul3A_316 : i32 to vector<16xi32>
      %mul3A_318 = arith.muli %shift_right_arithmetic3A_315, %mul3A_317 : vector<16xi32>
      %and3A_319 = arith.constant 127 : i32
      %and3A_320 = vector.broadcast %and3A_319 : i32 to vector<16xi32>
      %and3A_321 = arith.andi %gather3A_309, %and3A_320 : vector<16xi32>
      %add3A_322 = arith.addi %mul3A_318, %and3A_321 : vector<16xi32>
      %add3A_323 = arith.addi %add3A_312, %add3A_322 : vector<16xi32>
      %sub3A_324 = arith.constant 64 : i32
      %sub3A_325 = arith.subi %scan3A_217, %sub3A_324 : i32
      %mul3A_326 = arith.constant 128 : i32
      %mul3A_327 = arith.muli %sub3A_325, %mul3A_326 : i32
      %add3A_328 = arith.constant 64 : i32
      %add3A_329 = arith.addi %mul3A_327, %add3A_328 : i32
      %swap3A_330 = arith.constant 1 : i32
      %swap3A_331 = arith.index_cast %swap3A_330 : i32 to index
      %swap3A_332 = arith.index_cast %add3A_329 : i32 to index
      %swap3A_333 = tpu.vector_load %arg7[%swap3A_331, %swap3A_332] {strides = array<i32>} : memref<3x16384xi32, #tpu.memory_space<vmem>>, vector<16xi32>,
      tpu.vector_store %arg7[%swap3A_331, %swap3A_332], %add3A_323 {strides = array<i32>} : memref<3x16384xi32, #tpu.memory_space<vmem>>, vector<16xi32>,
      %add3A_334 = arith.constant 1048576 : i32
      %add3A_335 = vector.broadcast %add3A_334 : i32 to vector<16xi32>
      %add3A_336 = arith.addi %add3A_323, %add3A_335 : vector<16xi32>
      %sub3A_337 = arith.constant 64 : i32
      %sub3A_338 = arith.subi %scan3A_217, %sub3A_337 : i32
      %mul3A_339 = arith.constant 128 : i32
      %mul3A_340 = arith.muli %sub3A_338, %mul3A_339 : i32
      %add3A_341 = arith.constant 64 : i32
      %add3A_342 = arith.addi %mul3A_340, %add3A_341 : i32
      %add3A_343 = arith.constant 16 : i32
      %add3A_344 = arith.addi %add3A_342, %add3A_343 : i32
      %swap3A_345 = arith.constant 1 : i32
      %swap3A_346 = arith.index_cast %swap3A_345 : i32 to index
      %swap3A_347 = arith.index_cast %add3A_344 : i32 to index
      %swap3A_348 = tpu.vector_load %arg7[%swap3A_346, %swap3A_347] {strides = array<i32>} : memref<3x16384xi32, #tpu.memory_space<vmem>>, vector<16xi32>,
      tpu.vector_store %arg7[%swap3A_346, %swap3A_347], %add3A_336 {strides = array<i32>} : memref<3x16384xi32, #tpu.memory_space<vmem>>, vector<16xi32>,
      %mul3A_349 = arith.constant 128 : i32
      %mul3A_350 = arith.muli %scan3A_217, %mul3A_349 : i32
      %add3A_351 = arith.constant 24 : i32
      %add3A_352 = arith.addi %mul3A_350, %add3A_351 : i32
      %broadcast_in_dim3A_353 = vector.broadcast %add3A_352 : i32 to vector<16xi32>
      %gather3A_354 = tpu.vector_load_idx %arg6[%broadcast_in_dim3A_353] : memref<16384xi32, #tpu.memory_space<vmem>>[vector<16xi32>], vector<16xi32>,
      %add3A_355 = arith.constant 6291456 : i32
      %add3A_356 = vector.broadcast %add3A_355 : i32 to vector<16xi32>
      %add3A_357 = arith.addi %add3A_22, %add3A_356 : vector<16xi32>
      %shift_right_arithmetic3A_358 = arith.constant 7 : i32
      %shift_right_arithmetic3A_359 = vector.broadcast %shift_right_arithmetic3A_358 : i32 to vector<16xi32>
      %shift_right_arithmetic3A_360 = arith.shrsi %gather3A_354, %shift_right_arithmetic3A_359 : vector<16xi32>
      %mul3A_361 = arith.constant 1024 : i32
      %mul3A_362 = vector.broadcast %mul3A_361 : i32 to vector<16xi32>
      %mul3A_363 = arith.muli %shift_right_arithmetic3A_360, %mul3A_362 : vector<16xi32>
      %and3A_364 = arith.constant 127 : i32
      %and3A_365 = vector.broadcast %and3A_364 : i32 to vector<16xi32>
      %and3A_366 = arith.andi %gather3A_354, %and3A_365 : vector<16xi32>
      %add3A_367 = arith.addi %mul3A_363, %and3A_366 : vector<16xi32>
      %add3A_368 = arith.addi %add3A_357, %add3A_367 : vector<16xi32>
      %sub3A_369 = arith.constant 64 : i32
      %sub3A_370 = arith.subi %scan3A_217, %sub3A_369 : i32
      %mul3A_371 = arith.constant 128 : i32
      %mul3A_372 = arith.muli %sub3A_370, %mul3A_371 : i32
      %add3A_373 = arith.constant 96 : i32
      %add3A_374 = arith.addi %mul3A_372, %add3A_373 : i32
      %swap3A_375 = arith.constant 1 : i32
      %swap3A_376 = arith.index_cast %swap3A_375 : i32 to index
      %swap3A_377 = arith.index_cast %add3A_374 : i32 to index
      %swap3A_378 = tpu.vector_load %arg7[%swap3A_376, %swap3A_377] {strides = array<i32>} : memref<3x16384xi32, #tpu.memory_space<vmem>>, vector<16xi32>,
      tpu.vector_store %arg7[%swap3A_376, %swap3A_377], %add3A_368 {strides = array<i32>} : memref<3x16384xi32, #tpu.memory_space<vmem>>, vector<16xi32>,
      %add3A_379 = arith.constant 1048576 : i32
      %add3A_380 = vector.broadcast %add3A_379 : i32 to vector<16xi32>
      %add3A_381 = arith.addi %add3A_368, %add3A_380 : vector<16xi32>
      %sub3A_382 = arith.constant 64 : i32
      %sub3A_383 = arith.subi %scan3A_217, %sub3A_382 : i32
      %mul3A_384 = arith.constant 128 : i32
      %mul3A_385 = arith.muli %sub3A_383, %mul3A_384 : i32
      %add3A_386 = arith.constant 96 : i32
      %add3A_387 = arith.addi %mul3A_385, %add3A_386 : i32
      %add3A_388 = arith.constant 16 : i32
      %add3A_389 = arith.addi %add3A_387, %add3A_388 : i32
      %swap3A_390 = arith.constant 1 : i32
      %swap3A_391 = arith.index_cast %swap3A_390 : i32 to index
      %swap3A_392 = arith.index_cast %add3A_389 : i32 to index
      %swap3A_393 = tpu.vector_load %arg7[%swap3A_391, %swap3A_392] {strides = array<i32>} : memref<3x16384xi32, #tpu.memory_space<vmem>>, vector<16xi32>,
      tpu.vector_store %arg7[%swap3A_391, %swap3A_392], %add3A_381 {strides = array<i32>} : memref<3x16384xi32, #tpu.memory_space<vmem>>, vector<16xi32>,
    }
    %scan3A_44 = arith.constant 64 : i32
    %dma_start3A_45 = arith.constant 1 : i32
    %dma_start3A_46 = arith.constant 1 : i32
    %dma_start3A_47 = arith.constant 0 : i32
    %dma_start3A_48 = tpu.memref_slice %arg8[%dma_start3A_46, %dma_start3A_47] : memref<3x16384xf32, #tpu.memory_space<vmem>> -> memref<1x8192xf32, #tpu.memory_space<vmem>>
    %dma_start3A_49 = tpu.memref_squeeze %dma_start3A_48 : memref<1x8192xf32, #tpu.memory_space<vmem>> -> memref<8192xf32, #tpu.memory_space<vmem>>
    %dma_start3A_50 = arith.constant 0 : i32
    %dma_start3A_51 = tpu.memref_slice %arg7[%dma_start3A_45, %dma_start3A_50] : memref<3x16384xi32, #tpu.memory_space<vmem>> -> memref<1x8192xi32, #tpu.memory_space<vmem>>
    %dma_start3A_52 = tpu.memref_squeeze %dma_start3A_51 : memref<1x8192xi32, #tpu.memory_space<vmem>> -> memref<8192xi32, #tpu.memory_space<vmem>>
    %dma_start3A_53 = arith.constant 0 : i32
    %dma_start3A_54 = tpu.memref_slice %arg3[%dma_start3A_53] : memref<33554432xf32, #tpu.memory_space<hbm>> -> memref<33554432xf32, #tpu.memory_space<hbm>>
    tpu.enqueue_indirect_dma source(%dma_start3A_54 : memref<33554432xf32, #tpu.memory_space<hbm>>) target(%dma_start3A_49 : memref<8192xf32, #tpu.memory_space<vmem>>) offsets(%dma_start3A_52 : memref<8192xi32, #tpu.memory_space<vmem>>) semaphore(%arg11 : memref<!tpu.dma_semaphore, #tpu.memory_space<semaphore_mem>>)
    %scan3A_55 = arith.constant 0 : i32
    %scan3A_56 = arith.constant 0 : i32
    %scan3A_57 = arith.constant 128 : i32
    %scan3A_58 = arith.addi %scan3A_56, %scan3A_57 : i32
    %scan3A_59 = arith.constant 1 : i32
    scf.for %scan3A_217 = %scan3A_56 to %scan3A_58 step %scan3A_59  : i32 {
      %mul3A_218 = arith.constant 128 : i32
      %mul3A_219 = arith.muli %scan3A_217, %mul3A_218 : i32
      %add3A_220 = arith.constant 32 : i32
      %add3A_221 = arith.addi %mul3A_219, %add3A_220 : i32
      %broadcast_in_dim3A = vector.broadcast %add3A_221 : i32 to vector<16xi32>
      %gather3A = tpu.vector_load_idx %arg6[%broadcast_in_dim3A] : memref<16384xi32, #tpu.memory_space<vmem>>[vector<16xi32>], vector<16xi32>,
      %add3A_222 = arith.constant 8388608 : i32
      %add3A_223 = vector.broadcast %add3A_222 : i32 to vector<16xi32>
      %add3A_224 = arith.addi %add3A_22, %add3A_223 : vector<16xi32>
      %shift_right_arithmetic3A_225 = arith.constant 7 : i32
      %shift_right_arithmetic3A_226 = vector.broadcast %shift_right_arithmetic3A_225 : i32 to vector<16xi32>
      %shift_right_arithmetic3A_227 = arith.shrsi %gather3A, %shift_right_arithmetic3A_226 : vector<16xi32>
      %mul3A_228 = arith.constant 1024 : i32
      %mul3A_229 = vector.broadcast %mul3A_228 : i32 to vector<16xi32>
      %mul3A_230 = arith.muli %shift_right_arithmetic3A_227, %mul3A_229 : vector<16xi32>
      %and3A_231 = arith.constant 127 : i32
      %and3A_232 = vector.broadcast %and3A_231 : i32 to vector<16xi32>
      %and3A_233 = arith.andi %gather3A, %and3A_232 : vector<16xi32>
      %add3A_234 = arith.addi %mul3A_230, %and3A_233 : vector<16xi32>
      %add3A_235 = arith.addi %add3A_224, %add3A_234 : vector<16xi32>
      %sub3A = arith.constant 0 : i32
      %sub3A_236 = arith.subi %scan3A_217, %sub3A : i32
      %mul3A_237 = arith.constant 128 : i32
      %mul3A_238 = arith.muli %sub3A_236, %mul3A_237 : i32
      %add3A_239 = arith.constant 0 : i32
      %add3A_240 = arith.addi %mul3A_238, %add3A_239 : i32
      %swap3A = arith.constant 2 : i32
      %swap3A_241 = arith.index_cast %swap3A : i32 to index
      %swap3A_242 = arith.index_cast %add3A_240 : i32 to index
      %swap3A_243 = tpu.vector_load %arg7[%swap3A_241, %swap3A_242] {strides = array<i32>} : memref<3x16384xi32, #tpu.memory_space<vmem>>, vector<16xi32>,
      tpu.vector_store %arg7[%swap3A_241, %swap3A_242], %add3A_235 {strides = array<i32>} : memref<3x16384xi32, #tpu.memory_space<vmem>>, vector<16xi32>,
      %add3A_244 = arith.constant 1048576 : i32
      %add3A_245 = vector.broadcast %add3A_244 : i32 to vector<16xi32>
      %add3A_246 = arith.addi %add3A_235, %add3A_245 : vector<16xi32>
      %sub3A_247 = arith.constant 0 : i32
      %sub3A_248 = arith.subi %scan3A_217, %sub3A_247 : i32
      %mul3A_249 = arith.constant 128 : i32
      %mul3A_250 = arith.muli %sub3A_248, %mul3A_249 : i32
      %add3A_251 = arith.constant 0 : i32
      %add3A_252 = arith.addi %mul3A_250, %add3A_251 : i32
      %add3A_253 = arith.constant 16 : i32
      %add3A_254 = arith.addi %add3A_252, %add3A_253 : i32
      %swap3A_255 = arith.constant 2 : i32
      %swap3A_256 = arith.index_cast %swap3A_255 : i32 to index
      %swap3A_257 = arith.index_cast %add3A_254 : i32 to index
      %swap3A_258 = tpu.vector_load %arg7[%swap3A_256, %swap3A_257] {strides = array<i32>} : memref<3x16384xi32, #tpu.memory_space<vmem>>, vector<16xi32>,
      tpu.vector_store %arg7[%swap3A_256, %swap3A_257], %add3A_246 {strides = array<i32>} : memref<3x16384xi32, #tpu.memory_space<vmem>>, vector<16xi32>,
      %mul3A_259 = arith.constant 128 : i32
      %mul3A_260 = arith.muli %scan3A_217, %mul3A_259 : i32
      %add3A_261 = arith.constant 40 : i32
      %add3A_262 = arith.addi %mul3A_260, %add3A_261 : i32
      %broadcast_in_dim3A_263 = vector.broadcast %add3A_262 : i32 to vector<16xi32>
      %gather3A_264 = tpu.vector_load_idx %arg6[%broadcast_in_dim3A_263] : memref<16384xi32, #tpu.memory_space<vmem>>[vector<16xi32>], vector<16xi32>,
      %add3A_265 = arith.constant 10485760 : i32
      %add3A_266 = vector.broadcast %add3A_265 : i32 to vector<16xi32>
      %add3A_267 = arith.addi %add3A_22, %add3A_266 : vector<16xi32>
      %shift_right_arithmetic3A_268 = arith.constant 7 : i32
      %shift_right_arithmetic3A_269 = vector.broadcast %shift_right_arithmetic3A_268 : i32 to vector<16xi32>
      %shift_right_arithmetic3A_270 = arith.shrsi %gather3A_264, %shift_right_arithmetic3A_269 : vector<16xi32>
      %mul3A_271 = arith.constant 1024 : i32
      %mul3A_272 = vector.broadcast %mul3A_271 : i32 to vector<16xi32>
      %mul3A_273 = arith.muli %shift_right_arithmetic3A_270, %mul3A_272 : vector<16xi32>
      %and3A_274 = arith.constant 127 : i32
      %and3A_275 = vector.broadcast %and3A_274 : i32 to vector<16xi32>
      %and3A_276 = arith.andi %gather3A_264, %and3A_275 : vector<16xi32>
      %add3A_277 = arith.addi %mul3A_273, %and3A_276 : vector<16xi32>
      %add3A_278 = arith.addi %add3A_267, %add3A_277 : vector<16xi32>
      %sub3A_279 = arith.constant 0 : i32
      %sub3A_280 = arith.subi %scan3A_217, %sub3A_279 : i32
      %mul3A_281 = arith.constant 128 : i32
      %mul3A_282 = arith.muli %sub3A_280, %mul3A_281 : i32
      %add3A_283 = arith.constant 32 : i32
      %add3A_284 = arith.addi %mul3A_282, %add3A_283 : i32
      %swap3A_285 = arith.constant 2 : i32
      %swap3A_286 = arith.index_cast %swap3A_285 : i32 to index
      %swap3A_287 = arith.index_cast %add3A_284 : i32 to index
      %swap3A_288 = tpu.vector_load %arg7[%swap3A_286, %swap3A_287] {strides = array<i32>} : memref<3x16384xi32, #tpu.memory_space<vmem>>, vector<16xi32>,
      tpu.vector_store %arg7[%swap3A_286, %swap3A_287], %add3A_278 {strides = array<i32>} : memref<3x16384xi32, #tpu.memory_space<vmem>>, vector<16xi32>,
      %add3A_289 = arith.constant 1048576 : i32
      %add3A_290 = vector.broadcast %add3A_289 : i32 to vector<16xi32>
      %add3A_291 = arith.addi %add3A_278, %add3A_290 : vector<16xi32>
      %sub3A_292 = arith.constant 0 : i32
      %sub3A_293 = arith.subi %scan3A_217, %sub3A_292 : i32
      %mul3A_294 = arith.constant 128 : i32
      %mul3A_295 = arith.muli %sub3A_293, %mul3A_294 : i32
      %add3A_296 = arith.constant 32 : i32
      %add3A_297 = arith.addi %mul3A_295, %add3A_296 : i32
      %add3A_298 = arith.constant 16 : i32
      %add3A_299 = arith.addi %add3A_297, %add3A_298 : i32
      %swap3A_300 = arith.constant 2 : i32
      %swap3A_301 = arith.index_cast %swap3A_300 : i32 to index
      %swap3A_302 = arith.index_cast %add3A_299 : i32 to index
      %swap3A_303 = tpu.vector_load %arg7[%swap3A_301, %swap3A_302] {strides = array<i32>} : memref<3x16384xi32, #tpu.memory_space<vmem>>, vector<16xi32>,
      tpu.vector_store %arg7[%swap3A_301, %swap3A_302], %add3A_291 {strides = array<i32>} : memref<3x16384xi32, #tpu.memory_space<vmem>>, vector<16xi32>,
      %mul3A_304 = arith.constant 128 : i32
      %mul3A_305 = arith.muli %scan3A_217, %mul3A_304 : i32
      %add3A_306 = arith.constant 48 : i32
      %add3A_307 = arith.addi %mul3A_305, %add3A_306 : i32
      %broadcast_in_dim3A_308 = vector.broadcast %add3A_307 : i32 to vector<16xi32>
      %gather3A_309 = tpu.vector_load_idx %arg6[%broadcast_in_dim3A_308] : memref<16384xi32, #tpu.memory_space<vmem>>[vector<16xi32>], vector<16xi32>,
      %add3A_310 = arith.constant 12582912 : i32
      %add3A_311 = vector.broadcast %add3A_310 : i32 to vector<16xi32>
      %add3A_312 = arith.addi %add3A_22, %add3A_311 : vector<16xi32>
      %shift_right_arithmetic3A_313 = arith.constant 7 : i32
      %shift_right_arithmetic3A_314 = vector.broadcast %shift_right_arithmetic3A_313 : i32 to vector<16xi32>
      %shift_right_arithmetic3A_315 = arith.shrsi %gather3A_309, %shift_right_arithmetic3A_314 : vector<16xi32>
      %mul3A_316 = arith.constant 1024 : i32
      %mul3A_317 = vector.broadcast %mul3A_316 : i32 to vector<16xi32>
      %mul3A_318 = arith.muli %shift_right_arithmetic3A_315, %mul3A_317 : vector<16xi32>
      %and3A_319 = arith.constant 127 : i32
      %and3A_320 = vector.broadcast %and3A_319 : i32 to vector<16xi32>
      %and3A_321 = arith.andi %gather3A_309, %and3A_320 : vector<16xi32>
      %add3A_322 = arith.addi %mul3A_318, %and3A_321 : vector<16xi32>
      %add3A_323 = arith.addi %add3A_312, %add3A_322 : vector<16xi32>
      %sub3A_324 = arith.constant 0 : i32
      %sub3A_325 = arith.subi %scan3A_217, %sub3A_324 : i32
      %mul3A_326 = arith.constant 128 : i32
      %mul3A_327 = arith.muli %sub3A_325, %mul3A_326 : i32
      %add3A_328 = arith.constant 64 : i32
      %add3A_329 = arith.addi %mul3A_327, %add3A_328 : i32
      %swap3A_330 = arith.constant 2 : i32
      %swap3A_331 = arith.index_cast %swap3A_330 : i32 to index
      %swap3A_332 = arith.index_cast %add3A_329 : i32 to index
      %swap3A_333 = tpu.vector_load %arg7[%swap3A_331, %swap3A_332] {strides = array<i32>} : memref<3x16384xi32, #tpu.memory_space<vmem>>, vector<16xi32>,
      tpu.vector_store %arg7[%swap3A_331, %swap3A_332], %add3A_323 {strides = array<i32>} : memref<3x16384xi32, #tpu.memory_space<vmem>>, vector<16xi32>,
      %add3A_334 = arith.constant 1048576 : i32
      %add3A_335 = vector.broadcast %add3A_334 : i32 to vector<16xi32>
      %add3A_336 = arith.addi %add3A_323, %add3A_335 : vector<16xi32>
      %sub3A_337 = arith.constant 0 : i32
      %sub3A_338 = arith.subi %scan3A_217, %sub3A_337 : i32
      %mul3A_339 = arith.constant 128 : i32
      %mul3A_340 = arith.muli %sub3A_338, %mul3A_339 : i32
      %add3A_341 = arith.constant 64 : i32
      %add3A_342 = arith.addi %mul3A_340, %add3A_341 : i32
      %add3A_343 = arith.constant 16 : i32
      %add3A_344 = arith.addi %add3A_342, %add3A_343 : i32
      %swap3A_345 = arith.constant 2 : i32
      %swap3A_346 = arith.index_cast %swap3A_345 : i32 to index
      %swap3A_347 = arith.index_cast %add3A_344 : i32 to index
      %swap3A_348 = tpu.vector_load %arg7[%swap3A_346, %swap3A_347] {strides = array<i32>} : memref<3x16384xi32, #tpu.memory_space<vmem>>, vector<16xi32>,
      tpu.vector_store %arg7[%swap3A_346, %swap3A_347], %add3A_336 {strides = array<i32>} : memref<3x16384xi32, #tpu.memory_space<vmem>>, vector<16xi32>,
      %mul3A_349 = arith.constant 128 : i32
      %mul3A_350 = arith.muli %scan3A_217, %mul3A_349 : i32
      %add3A_351 = arith.constant 56 : i32
      %add3A_352 = arith.addi %mul3A_350, %add3A_351 : i32
      %broadcast_in_dim3A_353 = vector.broadcast %add3A_352 : i32 to vector<16xi32>
      %gather3A_354 = tpu.vector_load_idx %arg6[%broadcast_in_dim3A_353] : memref<16384xi32, #tpu.memory_space<vmem>>[vector<16xi32>], vector<16xi32>,
      %add3A_355 = arith.constant 14680064 : i32
      %add3A_356 = vector.broadcast %add3A_355 : i32 to vector<16xi32>
      %add3A_357 = arith.addi %add3A_22, %add3A_356 : vector<16xi32>
      %shift_right_arithmetic3A_358 = arith.constant 7 : i32
      %shift_right_arithmetic3A_359 = vector.broadcast %shift_right_arithmetic3A_358 : i32 to vector<16xi32>
      %shift_right_arithmetic3A_360 = arith.shrsi %gather3A_354, %shift_right_arithmetic3A_359 : vector<16xi32>
      %mul3A_361 = arith.constant 1024 : i32
      %mul3A_362 = vector.broadcast %mul3A_361 : i32 to vector<16xi32>
      %mul3A_363 = arith.muli %shift_right_arithmetic3A_360, %mul3A_362 : vector<16xi32>
      %and3A_364 = arith.constant 127 : i32
      %and3A_365 = vector.broadcast %and3A_364 : i32 to vector<16xi32>
      %and3A_366 = arith.andi %gather3A_354, %and3A_365 : vector<16xi32>
      %add3A_367 = arith.addi %mul3A_363, %and3A_366 : vector<16xi32>
      %add3A_368 = arith.addi %add3A_357, %add3A_367 : vector<16xi32>
      %sub3A_369 = arith.constant 0 : i32
      %sub3A_370 = arith.subi %scan3A_217, %sub3A_369 : i32
      %mul3A_371 = arith.constant 128 : i32
      %mul3A_372 = arith.muli %sub3A_370, %mul3A_371 : i32
      %add3A_373 = arith.constant 96 : i32
      %add3A_374 = arith.addi %mul3A_372, %add3A_373 : i32
      %swap3A_375 = arith.constant 2 : i32
      %swap3A_376 = arith.index_cast %swap3A_375 : i32 to index
      %swap3A_377 = arith.index_cast %add3A_374 : i32 to index
      %swap3A_378 = tpu.vector_load %arg7[%swap3A_376, %swap3A_377] {strides = array<i32>} : memref<3x16384xi32, #tpu.memory_space<vmem>>, vector<16xi32>,
      tpu.vector_store %arg7[%swap3A_376, %swap3A_377], %add3A_368 {strides = array<i32>} : memref<3x16384xi32, #tpu.memory_space<vmem>>, vector<16xi32>,
      %add3A_379 = arith.constant 1048576 : i32
      %add3A_380 = vector.broadcast %add3A_379 : i32 to vector<16xi32>
      %add3A_381 = arith.addi %add3A_368, %add3A_380 : vector<16xi32>
      %sub3A_382 = arith.constant 0 : i32
      %sub3A_383 = arith.subi %scan3A_217, %sub3A_382 : i32
      %mul3A_384 = arith.constant 128 : i32
      %mul3A_385 = arith.muli %sub3A_383, %mul3A_384 : i32
      %add3A_386 = arith.constant 96 : i32
      %add3A_387 = arith.addi %mul3A_385, %add3A_386 : i32
      %add3A_388 = arith.constant 16 : i32
      %add3A_389 = arith.addi %add3A_387, %add3A_388 : i32
      %swap3A_390 = arith.constant 2 : i32
      %swap3A_391 = arith.index_cast %swap3A_390 : i32 to index
      %swap3A_392 = arith.index_cast %add3A_389 : i32 to index
      %swap3A_393 = tpu.vector_load %arg7[%swap3A_391, %swap3A_392] {strides = array<i32>} : memref<3x16384xi32, #tpu.memory_space<vmem>>, vector<16xi32>,
      tpu.vector_store %arg7[%swap3A_391, %swap3A_392], %add3A_381 {strides = array<i32>} : memref<3x16384xi32, #tpu.memory_space<vmem>>, vector<16xi32>,
    }
    %scan3A_60 = arith.constant 128 : i32
    %dma_start3A_61 = arith.constant 2 : i32
    %dma_start3A_62 = arith.constant 2 : i32
    %dma_start3A_63 = arith.constant 0 : i32
    %dma_start3A_64 = tpu.memref_slice %arg8[%dma_start3A_62, %dma_start3A_63] : memref<3x16384xf32, #tpu.memory_space<vmem>> -> memref<1x16384xf32, #tpu.memory_space<vmem>>
    %dma_start3A_65 = tpu.memref_squeeze %dma_start3A_64 : memref<1x16384xf32, #tpu.memory_space<vmem>> -> memref<16384xf32, #tpu.memory_space<vmem>>
    %dma_start3A_66 = arith.constant 0 : i32
    %dma_start3A_67 = tpu.memref_slice %arg7[%dma_start3A_61, %dma_start3A_66] : memref<3x16384xi32, #tpu.memory_space<vmem>> -> memref<1x16384xi32, #tpu.memory_space<vmem>>
    %dma_start3A_68 = tpu.memref_squeeze %dma_start3A_67 : memref<1x16384xi32, #tpu.memory_space<vmem>> -> memref<16384xi32, #tpu.memory_space<vmem>>
    %dma_start3A_69 = arith.constant 0 : i32
    %dma_start3A_70 = tpu.memref_slice %arg3[%dma_start3A_69] : memref<33554432xf32, #tpu.memory_space<hbm>> -> memref<33554432xf32, #tpu.memory_space<hbm>>
    tpu.enqueue_indirect_dma source(%dma_start3A_70 : memref<33554432xf32, #tpu.memory_space<hbm>>) target(%dma_start3A_65 : memref<16384xf32, #tpu.memory_space<vmem>>) offsets(%dma_start3A_68 : memref<16384xi32, #tpu.memory_space<vmem>>) semaphore(%arg11 : memref<!tpu.dma_semaphore, #tpu.memory_space<semaphore_mem>>)
    %dma_wait3A_71 = arith.constant 0 : i32
    %dma_wait3A_72 = arith.constant 0 : i32
    %dma_wait3A_73 = arith.constant 0 : i32
    %dma_wait3A_74 = tpu.memref_slice %arg8[%dma_wait3A_72, %dma_wait3A_73] : memref<3x16384xf32, #tpu.memory_space<vmem>> -> memref<1x8192xf32, #tpu.memory_space<vmem>>
    %dma_wait3A_75 = tpu.memref_squeeze %dma_wait3A_74 : memref<1x8192xf32, #tpu.memory_space<vmem>> -> memref<8192xf32, #tpu.memory_space<vmem>>
    %dma_wait3A_76 = arith.constant 0 : i32
    %dma_wait3A_77 = tpu.memref_slice %arg7[%dma_wait3A_71, %dma_wait3A_76] : memref<3x16384xi32, #tpu.memory_space<vmem>> -> memref<1x8192xi32, #tpu.memory_space<vmem>>
    %dma_wait3A_78 = tpu.memref_squeeze %dma_wait3A_77 : memref<1x8192xi32, #tpu.memory_space<vmem>> -> memref<8192xi32, #tpu.memory_space<vmem>>
    %dma_wait3A_79 = arith.constant 0 : i32
    %dma_wait3A_80 = tpu.memref_slice %arg3[%dma_wait3A_79] : memref<33554432xf32, #tpu.memory_space<hbm>> -> memref<33554432xf32, #tpu.memory_space<hbm>>
    tpu.wait_indirect_dma semaphore(%arg11 : memref<!tpu.dma_semaphore, #tpu.memory_space<semaphore_mem>>) src(%dma_wait3A_80 : memref<33554432xf32, #tpu.memory_space<hbm>>) dst(%dma_wait3A_75 : memref<8192xf32, #tpu.memory_space<vmem>>)
    %scan3A_81 = arith.constant 0 : i32
    %scan3A_82 = arith.constant 0 : i32
    %scan3A_83 = arith.constant 64 : i32
    %scan3A_84 = arith.addi %scan3A_82, %scan3A_83 : i32
    %scan3A_85 = arith.constant 1 : i32
    scf.for %scan3A_217 = %scan3A_82 to %scan3A_84 step %scan3A_85  : i32 {
      %get3A = arith.index_cast %scan3A_217 : i32 to index
      %get3A_218 = arith.constant 0 : index
      %get3A_219 = tpu.vector_load %arg9[%get3A, %get3A_218] {strides = array<i32>} : memref<128x32xf32, #tpu.memory_space<vmem>>, vector<16xf32>,
      %get3A_220 = arith.index_cast %scan3A_217 : i32 to index
      %get3A_221 = arith.constant 16 : index
      %get3A_222 = tpu.vector_load %arg9[%get3A_220, %get3A_221] {strides = array<i32>} : memref<128x32xf32, #tpu.memory_space<vmem>>, vector<16xf32>,
      %sub3A = arith.constant 0 : i32
      %sub3A_223 = arith.subi %scan3A_217, %sub3A : i32
      %mul3A_224 = arith.constant 128 : i32
      %mul3A_225 = arith.muli %sub3A_223, %mul3A_224 : i32
      %add3A_226 = arith.constant 0 : i32
      %add3A_227 = arith.addi %mul3A_225, %add3A_226 : i32
      %get3A_228 = arith.constant 0 : i32
      %get3A_229 = arith.index_cast %get3A_228 : i32 to index
      %get3A_230 = arith.index_cast %add3A_227 : i32 to index
      %get3A_231 = tpu.vector_load %arg8[%get3A_229, %get3A_230] {strides = array<i32>} : memref<3x16384xf32, #tpu.memory_space<vmem>>, vector<16xf32>,
      %add3A_232 = arith.addf %get3A_219, %get3A_231 : vector<16xf32>
      %add3A_233 = arith.constant 16 : i32
      %add3A_234 = arith.addi %add3A_227, %add3A_233 : i32
      %get3A_235 = arith.constant 0 : i32
      %get3A_236 = arith.index_cast %get3A_235 : i32 to index
      %get3A_237 = arith.index_cast %add3A_234 : i32 to index
      %get3A_238 = tpu.vector_load %arg8[%get3A_236, %get3A_237] {strides = array<i32>} : memref<3x16384xf32, #tpu.memory_space<vmem>>, vector<16xf32>,
      %add3A_239 = arith.addf %get3A_222, %get3A_238 : vector<16xf32>
      %sub3A_240 = arith.constant 0 : i32
      %sub3A_241 = arith.subi %scan3A_217, %sub3A_240 : i32
      %mul3A_242 = arith.constant 128 : i32
      %mul3A_243 = arith.muli %sub3A_241, %mul3A_242 : i32
      %add3A_244 = arith.constant 32 : i32
      %add3A_245 = arith.addi %mul3A_243, %add3A_244 : i32
      %get3A_246 = arith.constant 0 : i32
      %get3A_247 = arith.index_cast %get3A_246 : i32 to index
      %get3A_248 = arith.index_cast %add3A_245 : i32 to index
      %get3A_249 = tpu.vector_load %arg8[%get3A_247, %get3A_248] {strides = array<i32>} : memref<3x16384xf32, #tpu.memory_space<vmem>>, vector<16xf32>,
      %add3A_250 = arith.addf %add3A_232, %get3A_249 : vector<16xf32>
      %add3A_251 = arith.constant 16 : i32
      %add3A_252 = arith.addi %add3A_245, %add3A_251 : i32
      %get3A_253 = arith.constant 0 : i32
      %get3A_254 = arith.index_cast %get3A_253 : i32 to index
      %get3A_255 = arith.index_cast %add3A_252 : i32 to index
      %get3A_256 = tpu.vector_load %arg8[%get3A_254, %get3A_255] {strides = array<i32>} : memref<3x16384xf32, #tpu.memory_space<vmem>>, vector<16xf32>,
      %add3A_257 = arith.addf %add3A_239, %get3A_256 : vector<16xf32>
      %sub3A_258 = arith.constant 0 : i32
      %sub3A_259 = arith.subi %scan3A_217, %sub3A_258 : i32
      %mul3A_260 = arith.constant 128 : i32
      %mul3A_261 = arith.muli %sub3A_259, %mul3A_260 : i32
      %add3A_262 = arith.constant 64 : i32
      %add3A_263 = arith.addi %mul3A_261, %add3A_262 : i32
      %get3A_264 = arith.constant 0 : i32
      %get3A_265 = arith.index_cast %get3A_264 : i32 to index
      %get3A_266 = arith.index_cast %add3A_263 : i32 to index
      %get3A_267 = tpu.vector_load %arg8[%get3A_265, %get3A_266] {strides = array<i32>} : memref<3x16384xf32, #tpu.memory_space<vmem>>, vector<16xf32>,
      %add3A_268 = arith.addf %add3A_250, %get3A_267 : vector<16xf32>
      %add3A_269 = arith.constant 16 : i32
      %add3A_270 = arith.addi %add3A_263, %add3A_269 : i32
      %get3A_271 = arith.constant 0 : i32
      %get3A_272 = arith.index_cast %get3A_271 : i32 to index
      %get3A_273 = arith.index_cast %add3A_270 : i32 to index
      %get3A_274 = tpu.vector_load %arg8[%get3A_272, %get3A_273] {strides = array<i32>} : memref<3x16384xf32, #tpu.memory_space<vmem>>, vector<16xf32>,
      %add3A_275 = arith.addf %add3A_257, %get3A_274 : vector<16xf32>
      %sub3A_276 = arith.constant 0 : i32
      %sub3A_277 = arith.subi %scan3A_217, %sub3A_276 : i32
      %mul3A_278 = arith.constant 128 : i32
      %mul3A_279 = arith.muli %sub3A_277, %mul3A_278 : i32
      %add3A_280 = arith.constant 96 : i32
      %add3A_281 = arith.addi %mul3A_279, %add3A_280 : i32
      %get3A_282 = arith.constant 0 : i32
      %get3A_283 = arith.index_cast %get3A_282 : i32 to index
      %get3A_284 = arith.index_cast %add3A_281 : i32 to index
      %get3A_285 = tpu.vector_load %arg8[%get3A_283, %get3A_284] {strides = array<i32>} : memref<3x16384xf32, #tpu.memory_space<vmem>>, vector<16xf32>,
      %add3A_286 = arith.addf %add3A_268, %get3A_285 : vector<16xf32>
      %add3A_287 = arith.constant 16 : i32
      %add3A_288 = arith.addi %add3A_281, %add3A_287 : i32
      %get3A_289 = arith.constant 0 : i32
      %get3A_290 = arith.index_cast %get3A_289 : i32 to index
      %get3A_291 = arith.index_cast %add3A_288 : i32 to index
      %get3A_292 = tpu.vector_load %arg8[%get3A_290, %get3A_291] {strides = array<i32>} : memref<3x16384xf32, #tpu.memory_space<vmem>>, vector<16xf32>,
      %add3A_293 = arith.addf %add3A_275, %get3A_292 : vector<16xf32>
      %swap3A = arith.index_cast %scan3A_217 : i32 to index
      %swap3A_294 = arith.constant 0 : index
      %swap3A_295 = tpu.vector_load %arg9[%swap3A, %swap3A_294] {strides = array<i32>} : memref<128x32xf32, #tpu.memory_space<vmem>>, vector<16xf32>,
      tpu.vector_store %arg9[%swap3A, %swap3A_294], %add3A_286 {strides = array<i32>} : memref<128x32xf32, #tpu.memory_space<vmem>>, vector<16xf32>,
      %swap3A_296 = arith.index_cast %scan3A_217 : i32 to index
      %swap3A_297 = arith.constant 16 : index
      %swap3A_298 = tpu.vector_load %arg9[%swap3A_296, %swap3A_297] {strides = array<i32>} : memref<128x32xf32, #tpu.memory_space<vmem>>, vector<16xf32>,
      tpu.vector_store %arg9[%swap3A_296, %swap3A_297], %add3A_293 {strides = array<i32>} : memref<128x32xf32, #tpu.memory_space<vmem>>, vector<16xf32>,
    }
    %scan3A_86 = arith.constant 64 : i32
    %scan3A_87 = arith.constant 0 : i32
    %scan3A_88 = arith.constant 0 : i32
    %scan3A_89 = arith.constant 128 : i32
    %scan3A_90 = arith.addi %scan3A_88, %scan3A_89 : i32
    %scan3A_91 = arith.constant 1 : i32
    scf.for %scan3A_217 = %scan3A_88 to %scan3A_90 step %scan3A_91  : i32 {
      %mul3A_218 = arith.constant 128 : i32
      %mul3A_219 = arith.muli %scan3A_217, %mul3A_218 : i32
      %add3A_220 = arith.constant 64 : i32
      %add3A_221 = arith.addi %mul3A_219, %add3A_220 : i32
      %broadcast_in_dim3A = vector.broadcast %add3A_221 : i32 to vector<16xi32>
      %gather3A = tpu.vector_load_idx %arg6[%broadcast_in_dim3A] : memref<16384xi32, #tpu.memory_space<vmem>>[vector<16xi32>], vector<16xi32>,
      %add3A_222 = arith.constant 16777216 : i32
      %add3A_223 = vector.broadcast %add3A_222 : i32 to vector<16xi32>
      %add3A_224 = arith.addi %add3A_22, %add3A_223 : vector<16xi32>
      %shift_right_arithmetic3A_225 = arith.constant 7 : i32
      %shift_right_arithmetic3A_226 = vector.broadcast %shift_right_arithmetic3A_225 : i32 to vector<16xi32>
      %shift_right_arithmetic3A_227 = arith.shrsi %gather3A, %shift_right_arithmetic3A_226 : vector<16xi32>
      %mul3A_228 = arith.constant 1024 : i32
      %mul3A_229 = vector.broadcast %mul3A_228 : i32 to vector<16xi32>
      %mul3A_230 = arith.muli %shift_right_arithmetic3A_227, %mul3A_229 : vector<16xi32>
      %and3A_231 = arith.constant 127 : i32
      %and3A_232 = vector.broadcast %and3A_231 : i32 to vector<16xi32>
      %and3A_233 = arith.andi %gather3A, %and3A_232 : vector<16xi32>
      %add3A_234 = arith.addi %mul3A_230, %and3A_233 : vector<16xi32>
      %add3A_235 = arith.addi %add3A_224, %add3A_234 : vector<16xi32>
      %sub3A = arith.constant 0 : i32
      %sub3A_236 = arith.subi %scan3A_217, %sub3A : i32
      %mul3A_237 = arith.constant 128 : i32
      %mul3A_238 = arith.muli %sub3A_236, %mul3A_237 : i32
      %add3A_239 = arith.constant 0 : i32
      %add3A_240 = arith.addi %mul3A_238, %add3A_239 : i32
      %swap3A = arith.constant 0 : i32
      %swap3A_241 = arith.index_cast %swap3A : i32 to index
      %swap3A_242 = arith.index_cast %add3A_240 : i32 to index
      %swap3A_243 = tpu.vector_load %arg7[%swap3A_241, %swap3A_242] {strides = array<i32>} : memref<3x16384xi32, #tpu.memory_space<vmem>>, vector<16xi32>,
      tpu.vector_store %arg7[%swap3A_241, %swap3A_242], %add3A_235 {strides = array<i32>} : memref<3x16384xi32, #tpu.memory_space<vmem>>, vector<16xi32>,
      %add3A_244 = arith.constant 1048576 : i32
      %add3A_245 = vector.broadcast %add3A_244 : i32 to vector<16xi32>
      %add3A_246 = arith.addi %add3A_235, %add3A_245 : vector<16xi32>
      %sub3A_247 = arith.constant 0 : i32
      %sub3A_248 = arith.subi %scan3A_217, %sub3A_247 : i32
      %mul3A_249 = arith.constant 128 : i32
      %mul3A_250 = arith.muli %sub3A_248, %mul3A_249 : i32
      %add3A_251 = arith.constant 0 : i32
      %add3A_252 = arith.addi %mul3A_250, %add3A_251 : i32
      %add3A_253 = arith.constant 16 : i32
      %add3A_254 = arith.addi %add3A_252, %add3A_253 : i32
      %swap3A_255 = arith.constant 0 : i32
      %swap3A_256 = arith.index_cast %swap3A_255 : i32 to index
      %swap3A_257 = arith.index_cast %add3A_254 : i32 to index
      %swap3A_258 = tpu.vector_load %arg7[%swap3A_256, %swap3A_257] {strides = array<i32>} : memref<3x16384xi32, #tpu.memory_space<vmem>>, vector<16xi32>,
      tpu.vector_store %arg7[%swap3A_256, %swap3A_257], %add3A_246 {strides = array<i32>} : memref<3x16384xi32, #tpu.memory_space<vmem>>, vector<16xi32>,
      %mul3A_259 = arith.constant 128 : i32
      %mul3A_260 = arith.muli %scan3A_217, %mul3A_259 : i32
      %add3A_261 = arith.constant 72 : i32
      %add3A_262 = arith.addi %mul3A_260, %add3A_261 : i32
      %broadcast_in_dim3A_263 = vector.broadcast %add3A_262 : i32 to vector<16xi32>
      %gather3A_264 = tpu.vector_load_idx %arg6[%broadcast_in_dim3A_263] : memref<16384xi32, #tpu.memory_space<vmem>>[vector<16xi32>], vector<16xi32>,
      %add3A_265 = arith.constant 18874368 : i32
      %add3A_266 = vector.broadcast %add3A_265 : i32 to vector<16xi32>
      %add3A_267 = arith.addi %add3A_22, %add3A_266 : vector<16xi32>
      %shift_right_arithmetic3A_268 = arith.constant 7 : i32
      %shift_right_arithmetic3A_269 = vector.broadcast %shift_right_arithmetic3A_268 : i32 to vector<16xi32>
      %shift_right_arithmetic3A_270 = arith.shrsi %gather3A_264, %shift_right_arithmetic3A_269 : vector<16xi32>
      %mul3A_271 = arith.constant 1024 : i32
      %mul3A_272 = vector.broadcast %mul3A_271 : i32 to vector<16xi32>
      %mul3A_273 = arith.muli %shift_right_arithmetic3A_270, %mul3A_272 : vector<16xi32>
      %and3A_274 = arith.constant 127 : i32
      %and3A_275 = vector.broadcast %and3A_274 : i32 to vector<16xi32>
      %and3A_276 = arith.andi %gather3A_264, %and3A_275 : vector<16xi32>
      %add3A_277 = arith.addi %mul3A_273, %and3A_276 : vector<16xi32>
      %add3A_278 = arith.addi %add3A_267, %add3A_277 : vector<16xi32>
      %sub3A_279 = arith.constant 0 : i32
      %sub3A_280 = arith.subi %scan3A_217, %sub3A_279 : i32
      %mul3A_281 = arith.constant 128 : i32
      %mul3A_282 = arith.muli %sub3A_280, %mul3A_281 : i32
      %add3A_283 = arith.constant 32 : i32
      %add3A_284 = arith.addi %mul3A_282, %add3A_283 : i32
      %swap3A_285 = arith.constant 0 : i32
      %swap3A_286 = arith.index_cast %swap3A_285 : i32 to index
      %swap3A_287 = arith.index_cast %add3A_284 : i32 to index
      %swap3A_288 = tpu.vector_load %arg7[%swap3A_286, %swap3A_287] {strides = array<i32>} : memref<3x16384xi32, #tpu.memory_space<vmem>>, vector<16xi32>,
      tpu.vector_store %arg7[%swap3A_286, %swap3A_287], %add3A_278 {strides = array<i32>} : memref<3x16384xi32, #tpu.memory_space<vmem>>, vector<16xi32>,
      %add3A_289 = arith.constant 1048576 : i32
      %add3A_290 = vector.broadcast %add3A_289 : i32 to vector<16xi32>
      %add3A_291 = arith.addi %add3A_278, %add3A_290 : vector<16xi32>
      %sub3A_292 = arith.constant 0 : i32
      %sub3A_293 = arith.subi %scan3A_217, %sub3A_292 : i32
      %mul3A_294 = arith.constant 128 : i32
      %mul3A_295 = arith.muli %sub3A_293, %mul3A_294 : i32
      %add3A_296 = arith.constant 32 : i32
      %add3A_297 = arith.addi %mul3A_295, %add3A_296 : i32
      %add3A_298 = arith.constant 16 : i32
      %add3A_299 = arith.addi %add3A_297, %add3A_298 : i32
      %swap3A_300 = arith.constant 0 : i32
      %swap3A_301 = arith.index_cast %swap3A_300 : i32 to index
      %swap3A_302 = arith.index_cast %add3A_299 : i32 to index
      %swap3A_303 = tpu.vector_load %arg7[%swap3A_301, %swap3A_302] {strides = array<i32>} : memref<3x16384xi32, #tpu.memory_space<vmem>>, vector<16xi32>,
      tpu.vector_store %arg7[%swap3A_301, %swap3A_302], %add3A_291 {strides = array<i32>} : memref<3x16384xi32, #tpu.memory_space<vmem>>, vector<16xi32>,
      %mul3A_304 = arith.constant 128 : i32
      %mul3A_305 = arith.muli %scan3A_217, %mul3A_304 : i32
      %add3A_306 = arith.constant 80 : i32
      %add3A_307 = arith.addi %mul3A_305, %add3A_306 : i32
      %broadcast_in_dim3A_308 = vector.broadcast %add3A_307 : i32 to vector<16xi32>
      %gather3A_309 = tpu.vector_load_idx %arg6[%broadcast_in_dim3A_308] : memref<16384xi32, #tpu.memory_space<vmem>>[vector<16xi32>], vector<16xi32>,
      %add3A_310 = arith.constant 20971520 : i32
      %add3A_311 = vector.broadcast %add3A_310 : i32 to vector<16xi32>
      %add3A_312 = arith.addi %add3A_22, %add3A_311 : vector<16xi32>
      %shift_right_arithmetic3A_313 = arith.constant 7 : i32
      %shift_right_arithmetic3A_314 = vector.broadcast %shift_right_arithmetic3A_313 : i32 to vector<16xi32>
      %shift_right_arithmetic3A_315 = arith.shrsi %gather3A_309, %shift_right_arithmetic3A_314 : vector<16xi32>
      %mul3A_316 = arith.constant 1024 : i32
      %mul3A_317 = vector.broadcast %mul3A_316 : i32 to vector<16xi32>
      %mul3A_318 = arith.muli %shift_right_arithmetic3A_315, %mul3A_317 : vector<16xi32>
      %and3A_319 = arith.constant 127 : i32
      %and3A_320 = vector.broadcast %and3A_319 : i32 to vector<16xi32>
      %and3A_321 = arith.andi %gather3A_309, %and3A_320 : vector<16xi32>
      %add3A_322 = arith.addi %mul3A_318, %and3A_321 : vector<16xi32>
      %add3A_323 = arith.addi %add3A_312, %add3A_322 : vector<16xi32>
      %sub3A_324 = arith.constant 0 : i32
      %sub3A_325 = arith.subi %scan3A_217, %sub3A_324 : i32
      %mul3A_326 = arith.constant 128 : i32
      %mul3A_327 = arith.muli %sub3A_325, %mul3A_326 : i32
      %add3A_328 = arith.constant 64 : i32
      %add3A_329 = arith.addi %mul3A_327, %add3A_328 : i32
      %swap3A_330 = arith.constant 0 : i32
      %swap3A_331 = arith.index_cast %swap3A_330 : i32 to index
      %swap3A_332 = arith.index_cast %add3A_329 : i32 to index
      %swap3A_333 = tpu.vector_load %arg7[%swap3A_331, %swap3A_332] {strides = array<i32>} : memref<3x16384xi32, #tpu.memory_space<vmem>>, vector<16xi32>,
      tpu.vector_store %arg7[%swap3A_331, %swap3A_332], %add3A_323 {strides = array<i32>} : memref<3x16384xi32, #tpu.memory_space<vmem>>, vector<16xi32>,
      %add3A_334 = arith.constant 1048576 : i32
      %add3A_335 = vector.broadcast %add3A_334 : i32 to vector<16xi32>
      %add3A_336 = arith.addi %add3A_323, %add3A_335 : vector<16xi32>
      %sub3A_337 = arith.constant 0 : i32
      %sub3A_338 = arith.subi %scan3A_217, %sub3A_337 : i32
      %mul3A_339 = arith.constant 128 : i32
      %mul3A_340 = arith.muli %sub3A_338, %mul3A_339 : i32
      %add3A_341 = arith.constant 64 : i32
      %add3A_342 = arith.addi %mul3A_340, %add3A_341 : i32
      %add3A_343 = arith.constant 16 : i32
      %add3A_344 = arith.addi %add3A_342, %add3A_343 : i32
      %swap3A_345 = arith.constant 0 : i32
      %swap3A_346 = arith.index_cast %swap3A_345 : i32 to index
      %swap3A_347 = arith.index_cast %add3A_344 : i32 to index
      %swap3A_348 = tpu.vector_load %arg7[%swap3A_346, %swap3A_347] {strides = array<i32>} : memref<3x16384xi32, #tpu.memory_space<vmem>>, vector<16xi32>,
      tpu.vector_store %arg7[%swap3A_346, %swap3A_347], %add3A_336 {strides = array<i32>} : memref<3x16384xi32, #tpu.memory_space<vmem>>, vector<16xi32>,
      %mul3A_349 = arith.constant 128 : i32
      %mul3A_350 = arith.muli %scan3A_217, %mul3A_349 : i32
      %add3A_351 = arith.constant 88 : i32
      %add3A_352 = arith.addi %mul3A_350, %add3A_351 : i32
      %broadcast_in_dim3A_353 = vector.broadcast %add3A_352 : i32 to vector<16xi32>
      %gather3A_354 = tpu.vector_load_idx %arg6[%broadcast_in_dim3A_353] : memref<16384xi32, #tpu.memory_space<vmem>>[vector<16xi32>], vector<16xi32>,
      %add3A_355 = arith.constant 23068672 : i32
      %add3A_356 = vector.broadcast %add3A_355 : i32 to vector<16xi32>
      %add3A_357 = arith.addi %add3A_22, %add3A_356 : vector<16xi32>
      %shift_right_arithmetic3A_358 = arith.constant 7 : i32
      %shift_right_arithmetic3A_359 = vector.broadcast %shift_right_arithmetic3A_358 : i32 to vector<16xi32>
      %shift_right_arithmetic3A_360 = arith.shrsi %gather3A_354, %shift_right_arithmetic3A_359 : vector<16xi32>
      %mul3A_361 = arith.constant 1024 : i32
      %mul3A_362 = vector.broadcast %mul3A_361 : i32 to vector<16xi32>
      %mul3A_363 = arith.muli %shift_right_arithmetic3A_360, %mul3A_362 : vector<16xi32>
      %and3A_364 = arith.constant 127 : i32
      %and3A_365 = vector.broadcast %and3A_364 : i32 to vector<16xi32>
      %and3A_366 = arith.andi %gather3A_354, %and3A_365 : vector<16xi32>
      %add3A_367 = arith.addi %mul3A_363, %and3A_366 : vector<16xi32>
      %add3A_368 = arith.addi %add3A_357, %add3A_367 : vector<16xi32>
      %sub3A_369 = arith.constant 0 : i32
      %sub3A_370 = arith.subi %scan3A_217, %sub3A_369 : i32
      %mul3A_371 = arith.constant 128 : i32
      %mul3A_372 = arith.muli %sub3A_370, %mul3A_371 : i32
      %add3A_373 = arith.constant 96 : i32
      %add3A_374 = arith.addi %mul3A_372, %add3A_373 : i32
      %swap3A_375 = arith.constant 0 : i32
      %swap3A_376 = arith.index_cast %swap3A_375 : i32 to index
      %swap3A_377 = arith.index_cast %add3A_374 : i32 to index
      %swap3A_378 = tpu.vector_load %arg7[%swap3A_376, %swap3A_377] {strides = array<i32>} : memref<3x16384xi32, #tpu.memory_space<vmem>>, vector<16xi32>,
      tpu.vector_store %arg7[%swap3A_376, %swap3A_377], %add3A_368 {strides = array<i32>} : memref<3x16384xi32, #tpu.memory_space<vmem>>, vector<16xi32>,
      %add3A_379 = arith.constant 1048576 : i32
      %add3A_380 = vector.broadcast %add3A_379 : i32 to vector<16xi32>
      %add3A_381 = arith.addi %add3A_368, %add3A_380 : vector<16xi32>
      %sub3A_382 = arith.constant 0 : i32
      %sub3A_383 = arith.subi %scan3A_217, %sub3A_382 : i32
      %mul3A_384 = arith.constant 128 : i32
      %mul3A_385 = arith.muli %sub3A_383, %mul3A_384 : i32
      %add3A_386 = arith.constant 96 : i32
      %add3A_387 = arith.addi %mul3A_385, %add3A_386 : i32
      %add3A_388 = arith.constant 16 : i32
      %add3A_389 = arith.addi %add3A_387, %add3A_388 : i32
      %swap3A_390 = arith.constant 0 : i32
      %swap3A_391 = arith.index_cast %swap3A_390 : i32 to index
      %swap3A_392 = arith.index_cast %add3A_389 : i32 to index
      %swap3A_393 = tpu.vector_load %arg7[%swap3A_391, %swap3A_392] {strides = array<i32>} : memref<3x16384xi32, #tpu.memory_space<vmem>>, vector<16xi32>,
      tpu.vector_store %arg7[%swap3A_391, %swap3A_392], %add3A_381 {strides = array<i32>} : memref<3x16384xi32, #tpu.memory_space<vmem>>, vector<16xi32>,
    }
    %scan3A_92 = arith.constant 128 : i32
    %dma_start3A_93 = arith.constant 0 : i32
    %dma_start3A_94 = arith.constant 0 : i32
    %dma_start3A_95 = arith.constant 0 : i32
    %dma_start3A_96 = tpu.memref_slice %arg8[%dma_start3A_94, %dma_start3A_95] : memref<3x16384xf32, #tpu.memory_space<vmem>> -> memref<1x16384xf32, #tpu.memory_space<vmem>>
    %dma_start3A_97 = tpu.memref_squeeze %dma_start3A_96 : memref<1x16384xf32, #tpu.memory_space<vmem>> -> memref<16384xf32, #tpu.memory_space<vmem>>
    %dma_start3A_98 = arith.constant 0 : i32
    %dma_start3A_99 = tpu.memref_slice %arg7[%dma_start3A_93, %dma_start3A_98] : memref<3x16384xi32, #tpu.memory_space<vmem>> -> memref<1x16384xi32, #tpu.memory_space<vmem>>
    %dma_start3A_100 = tpu.memref_squeeze %dma_start3A_99 : memref<1x16384xi32, #tpu.memory_space<vmem>> -> memref<16384xi32, #tpu.memory_space<vmem>>
    %dma_start3A_101 = arith.constant 0 : i32
    %dma_start3A_102 = tpu.memref_slice %arg3[%dma_start3A_101] : memref<33554432xf32, #tpu.memory_space<hbm>> -> memref<33554432xf32, #tpu.memory_space<hbm>>
    tpu.enqueue_indirect_dma source(%dma_start3A_102 : memref<33554432xf32, #tpu.memory_space<hbm>>) target(%dma_start3A_97 : memref<16384xf32, #tpu.memory_space<vmem>>) offsets(%dma_start3A_100 : memref<16384xi32, #tpu.memory_space<vmem>>) semaphore(%arg11 : memref<!tpu.dma_semaphore, #tpu.memory_space<semaphore_mem>>)
    %dma_wait3A_103 = arith.constant 1 : i32
    %dma_wait3A_104 = arith.constant 1 : i32
    %dma_wait3A_105 = arith.constant 0 : i32
    %dma_wait3A_106 = tpu.memref_slice %arg8[%dma_wait3A_104, %dma_wait3A_105] : memref<3x16384xf32, #tpu.memory_space<vmem>> -> memref<1x8192xf32, #tpu.memory_space<vmem>>
    %dma_wait3A_107 = tpu.memref_squeeze %dma_wait3A_106 : memref<1x8192xf32, #tpu.memory_space<vmem>> -> memref<8192xf32, #tpu.memory_space<vmem>>
    %dma_wait3A_108 = arith.constant 0 : i32
    %dma_wait3A_109 = tpu.memref_slice %arg7[%dma_wait3A_103, %dma_wait3A_108] : memref<3x16384xi32, #tpu.memory_space<vmem>> -> memref<1x8192xi32, #tpu.memory_space<vmem>>
    %dma_wait3A_110 = tpu.memref_squeeze %dma_wait3A_109 : memref<1x8192xi32, #tpu.memory_space<vmem>> -> memref<8192xi32, #tpu.memory_space<vmem>>
    %dma_wait3A_111 = arith.constant 0 : i32
    %dma_wait3A_112 = tpu.memref_slice %arg3[%dma_wait3A_111] : memref<33554432xf32, #tpu.memory_space<hbm>> -> memref<33554432xf32, #tpu.memory_space<hbm>>
    tpu.wait_indirect_dma semaphore(%arg11 : memref<!tpu.dma_semaphore, #tpu.memory_space<semaphore_mem>>) src(%dma_wait3A_112 : memref<33554432xf32, #tpu.memory_space<hbm>>) dst(%dma_wait3A_107 : memref<8192xf32, #tpu.memory_space<vmem>>)
    %scan3A_113 = arith.constant 0 : i32
    %scan3A_114 = arith.constant 64 : i32
    %scan3A_115 = arith.constant 64 : i32
    %scan3A_116 = arith.addi %scan3A_114, %scan3A_115 : i32
    %scan3A_117 = arith.constant 1 : i32
    scf.for %scan3A_217 = %scan3A_114 to %scan3A_116 step %scan3A_117  : i32 {
      %get3A = arith.index_cast %scan3A_217 : i32 to index
      %get3A_218 = arith.constant 0 : index
      %get3A_219 = tpu.vector_load %arg9[%get3A, %get3A_218] {strides = array<i32>} : memref<128x32xf32, #tpu.memory_space<vmem>>, vector<16xf32>,
      %get3A_220 = arith.index_cast %scan3A_217 : i32 to index
      %get3A_221 = arith.constant 16 : index
      %get3A_222 = tpu.vector_load %arg9[%get3A_220, %get3A_221] {strides = array<i32>} : memref<128x32xf32, #tpu.memory_space<vmem>>, vector<16xf32>,
      %sub3A = arith.constant 64 : i32
      %sub3A_223 = arith.subi %scan3A_217, %sub3A : i32
      %mul3A_224 = arith.constant 128 : i32
      %mul3A_225 = arith.muli %sub3A_223, %mul3A_224 : i32
      %add3A_226 = arith.constant 0 : i32
      %add3A_227 = arith.addi %mul3A_225, %add3A_226 : i32
      %get3A_228 = arith.constant 1 : i32
      %get3A_229 = arith.index_cast %get3A_228 : i32 to index
      %get3A_230 = arith.index_cast %add3A_227 : i32 to index
      %get3A_231 = tpu.vector_load %arg8[%get3A_229, %get3A_230] {strides = array<i32>} : memref<3x16384xf32, #tpu.memory_space<vmem>>, vector<16xf32>,
      %add3A_232 = arith.addf %get3A_219, %get3A_231 : vector<16xf32>
      %add3A_233 = arith.constant 16 : i32
      %add3A_234 = arith.addi %add3A_227, %add3A_233 : i32
      %get3A_235 = arith.constant 1 : i32
      %get3A_236 = arith.index_cast %get3A_235 : i32 to index
      %get3A_237 = arith.index_cast %add3A_234 : i32 to index
      %get3A_238 = tpu.vector_load %arg8[%get3A_236, %get3A_237] {strides = array<i32>} : memref<3x16384xf32, #tpu.memory_space<vmem>>, vector<16xf32>,
      %add3A_239 = arith.addf %get3A_222, %get3A_238 : vector<16xf32>
      %sub3A_240 = arith.constant 64 : i32
      %sub3A_241 = arith.subi %scan3A_217, %sub3A_240 : i32
      %mul3A_242 = arith.constant 128 : i32
      %mul3A_243 = arith.muli %sub3A_241, %mul3A_242 : i32
      %add3A_244 = arith.constant 32 : i32
      %add3A_245 = arith.addi %mul3A_243, %add3A_244 : i32
      %get3A_246 = arith.constant 1 : i32
      %get3A_247 = arith.index_cast %get3A_246 : i32 to index
      %get3A_248 = arith.index_cast %add3A_245 : i32 to index
      %get3A_249 = tpu.vector_load %arg8[%get3A_247, %get3A_248] {strides = array<i32>} : memref<3x16384xf32, #tpu.memory_space<vmem>>, vector<16xf32>,
      %add3A_250 = arith.addf %add3A_232, %get3A_249 : vector<16xf32>
      %add3A_251 = arith.constant 16 : i32
      %add3A_252 = arith.addi %add3A_245, %add3A_251 : i32
      %get3A_253 = arith.constant 1 : i32
      %get3A_254 = arith.index_cast %get3A_253 : i32 to index
      %get3A_255 = arith.index_cast %add3A_252 : i32 to index
      %get3A_256 = tpu.vector_load %arg8[%get3A_254, %get3A_255] {strides = array<i32>} : memref<3x16384xf32, #tpu.memory_space<vmem>>, vector<16xf32>,
      %add3A_257 = arith.addf %add3A_239, %get3A_256 : vector<16xf32>
      %sub3A_258 = arith.constant 64 : i32
      %sub3A_259 = arith.subi %scan3A_217, %sub3A_258 : i32
      %mul3A_260 = arith.constant 128 : i32
      %mul3A_261 = arith.muli %sub3A_259, %mul3A_260 : i32
      %add3A_262 = arith.constant 64 : i32
      %add3A_263 = arith.addi %mul3A_261, %add3A_262 : i32
      %get3A_264 = arith.constant 1 : i32
      %get3A_265 = arith.index_cast %get3A_264 : i32 to index
      %get3A_266 = arith.index_cast %add3A_263 : i32 to index
      %get3A_267 = tpu.vector_load %arg8[%get3A_265, %get3A_266] {strides = array<i32>} : memref<3x16384xf32, #tpu.memory_space<vmem>>, vector<16xf32>,
      %add3A_268 = arith.addf %add3A_250, %get3A_267 : vector<16xf32>
      %add3A_269 = arith.constant 16 : i32
      %add3A_270 = arith.addi %add3A_263, %add3A_269 : i32
      %get3A_271 = arith.constant 1 : i32
      %get3A_272 = arith.index_cast %get3A_271 : i32 to index
      %get3A_273 = arith.index_cast %add3A_270 : i32 to index
      %get3A_274 = tpu.vector_load %arg8[%get3A_272, %get3A_273] {strides = array<i32>} : memref<3x16384xf32, #tpu.memory_space<vmem>>, vector<16xf32>,
      %add3A_275 = arith.addf %add3A_257, %get3A_274 : vector<16xf32>
      %sub3A_276 = arith.constant 64 : i32
      %sub3A_277 = arith.subi %scan3A_217, %sub3A_276 : i32
      %mul3A_278 = arith.constant 128 : i32
      %mul3A_279 = arith.muli %sub3A_277, %mul3A_278 : i32
      %add3A_280 = arith.constant 96 : i32
      %add3A_281 = arith.addi %mul3A_279, %add3A_280 : i32
      %get3A_282 = arith.constant 1 : i32
      %get3A_283 = arith.index_cast %get3A_282 : i32 to index
      %get3A_284 = arith.index_cast %add3A_281 : i32 to index
      %get3A_285 = tpu.vector_load %arg8[%get3A_283, %get3A_284] {strides = array<i32>} : memref<3x16384xf32, #tpu.memory_space<vmem>>, vector<16xf32>,
      %add3A_286 = arith.addf %add3A_268, %get3A_285 : vector<16xf32>
      %add3A_287 = arith.constant 16 : i32
      %add3A_288 = arith.addi %add3A_281, %add3A_287 : i32
      %get3A_289 = arith.constant 1 : i32
      %get3A_290 = arith.index_cast %get3A_289 : i32 to index
      %get3A_291 = arith.index_cast %add3A_288 : i32 to index
      %get3A_292 = tpu.vector_load %arg8[%get3A_290, %get3A_291] {strides = array<i32>} : memref<3x16384xf32, #tpu.memory_space<vmem>>, vector<16xf32>,
      %add3A_293 = arith.addf %add3A_275, %get3A_292 : vector<16xf32>
      %swap3A = arith.index_cast %scan3A_217 : i32 to index
      %swap3A_294 = arith.constant 0 : index
      %swap3A_295 = tpu.vector_load %arg9[%swap3A, %swap3A_294] {strides = array<i32>} : memref<128x32xf32, #tpu.memory_space<vmem>>, vector<16xf32>,
      tpu.vector_store %arg9[%swap3A, %swap3A_294], %add3A_286 {strides = array<i32>} : memref<128x32xf32, #tpu.memory_space<vmem>>, vector<16xf32>,
      %swap3A_296 = arith.index_cast %scan3A_217 : i32 to index
      %swap3A_297 = arith.constant 16 : index
      %swap3A_298 = tpu.vector_load %arg9[%swap3A_296, %swap3A_297] {strides = array<i32>} : memref<128x32xf32, #tpu.memory_space<vmem>>, vector<16xf32>,
      tpu.vector_store %arg9[%swap3A_296, %swap3A_297], %add3A_293 {strides = array<i32>} : memref<128x32xf32, #tpu.memory_space<vmem>>, vector<16xf32>,
    }
    %scan3A_118 = arith.constant 64 : i32
    %scan3A_119 = arith.constant 0 : i32
    %scan3A_120 = arith.constant 0 : i32
    %scan3A_121 = arith.constant 64 : i32
    %scan3A_122 = arith.addi %scan3A_120, %scan3A_121 : i32
    %scan3A_123 = arith.constant 1 : i32
    scf.for %scan3A_217 = %scan3A_120 to %scan3A_122 step %scan3A_123  : i32 {
      %mul3A_218 = arith.constant 128 : i32
      %mul3A_219 = arith.muli %scan3A_217, %mul3A_218 : i32
      %add3A_220 = arith.constant 96 : i32
      %add3A_221 = arith.addi %mul3A_219, %add3A_220 : i32
      %broadcast_in_dim3A = vector.broadcast %add3A_221 : i32 to vector<16xi32>
      %gather3A = tpu.vector_load_idx %arg6[%broadcast_in_dim3A] : memref<16384xi32, #tpu.memory_space<vmem>>[vector<16xi32>], vector<16xi32>,
      %add3A_222 = arith.constant 25165824 : i32
      %add3A_223 = vector.broadcast %add3A_222 : i32 to vector<16xi32>
      %add3A_224 = arith.addi %add3A_22, %add3A_223 : vector<16xi32>
      %shift_right_arithmetic3A_225 = arith.constant 7 : i32
      %shift_right_arithmetic3A_226 = vector.broadcast %shift_right_arithmetic3A_225 : i32 to vector<16xi32>
      %shift_right_arithmetic3A_227 = arith.shrsi %gather3A, %shift_right_arithmetic3A_226 : vector<16xi32>
      %mul3A_228 = arith.constant 1024 : i32
      %mul3A_229 = vector.broadcast %mul3A_228 : i32 to vector<16xi32>
      %mul3A_230 = arith.muli %shift_right_arithmetic3A_227, %mul3A_229 : vector<16xi32>
      %and3A_231 = arith.constant 127 : i32
      %and3A_232 = vector.broadcast %and3A_231 : i32 to vector<16xi32>
      %and3A_233 = arith.andi %gather3A, %and3A_232 : vector<16xi32>
      %add3A_234 = arith.addi %mul3A_230, %and3A_233 : vector<16xi32>
      %add3A_235 = arith.addi %add3A_224, %add3A_234 : vector<16xi32>
      %sub3A = arith.constant 0 : i32
      %sub3A_236 = arith.subi %scan3A_217, %sub3A : i32
      %mul3A_237 = arith.constant 128 : i32
      %mul3A_238 = arith.muli %sub3A_236, %mul3A_237 : i32
      %add3A_239 = arith.constant 0 : i32
      %add3A_240 = arith.addi %mul3A_238, %add3A_239 : i32
      %swap3A = arith.constant 1 : i32
      %swap3A_241 = arith.index_cast %swap3A : i32 to index
      %swap3A_242 = arith.index_cast %add3A_240 : i32 to index
      %swap3A_243 = tpu.vector_load %arg7[%swap3A_241, %swap3A_242] {strides = array<i32>} : memref<3x16384xi32, #tpu.memory_space<vmem>>, vector<16xi32>,
      tpu.vector_store %arg7[%swap3A_241, %swap3A_242], %add3A_235 {strides = array<i32>} : memref<3x16384xi32, #tpu.memory_space<vmem>>, vector<16xi32>,
      %add3A_244 = arith.constant 1048576 : i32
      %add3A_245 = vector.broadcast %add3A_244 : i32 to vector<16xi32>
      %add3A_246 = arith.addi %add3A_235, %add3A_245 : vector<16xi32>
      %sub3A_247 = arith.constant 0 : i32
      %sub3A_248 = arith.subi %scan3A_217, %sub3A_247 : i32
      %mul3A_249 = arith.constant 128 : i32
      %mul3A_250 = arith.muli %sub3A_248, %mul3A_249 : i32
      %add3A_251 = arith.constant 0 : i32
      %add3A_252 = arith.addi %mul3A_250, %add3A_251 : i32
      %add3A_253 = arith.constant 16 : i32
      %add3A_254 = arith.addi %add3A_252, %add3A_253 : i32
      %swap3A_255 = arith.constant 1 : i32
      %swap3A_256 = arith.index_cast %swap3A_255 : i32 to index
      %swap3A_257 = arith.index_cast %add3A_254 : i32 to index
      %swap3A_258 = tpu.vector_load %arg7[%swap3A_256, %swap3A_257] {strides = array<i32>} : memref<3x16384xi32, #tpu.memory_space<vmem>>, vector<16xi32>,
      tpu.vector_store %arg7[%swap3A_256, %swap3A_257], %add3A_246 {strides = array<i32>} : memref<3x16384xi32, #tpu.memory_space<vmem>>, vector<16xi32>,
      %mul3A_259 = arith.constant 128 : i32
      %mul3A_260 = arith.muli %scan3A_217, %mul3A_259 : i32
      %add3A_261 = arith.constant 104 : i32
      %add3A_262 = arith.addi %mul3A_260, %add3A_261 : i32
      %broadcast_in_dim3A_263 = vector.broadcast %add3A_262 : i32 to vector<16xi32>
      %gather3A_264 = tpu.vector_load_idx %arg6[%broadcast_in_dim3A_263] : memref<16384xi32, #tpu.memory_space<vmem>>[vector<16xi32>], vector<16xi32>,
      %add3A_265 = arith.constant 27262976 : i32
      %add3A_266 = vector.broadcast %add3A_265 : i32 to vector<16xi32>
      %add3A_267 = arith.addi %add3A_22, %add3A_266 : vector<16xi32>
      %shift_right_arithmetic3A_268 = arith.constant 7 : i32
      %shift_right_arithmetic3A_269 = vector.broadcast %shift_right_arithmetic3A_268 : i32 to vector<16xi32>
      %shift_right_arithmetic3A_270 = arith.shrsi %gather3A_264, %shift_right_arithmetic3A_269 : vector<16xi32>
      %mul3A_271 = arith.constant 1024 : i32
      %mul3A_272 = vector.broadcast %mul3A_271 : i32 to vector<16xi32>
      %mul3A_273 = arith.muli %shift_right_arithmetic3A_270, %mul3A_272 : vector<16xi32>
      %and3A_274 = arith.constant 127 : i32
      %and3A_275 = vector.broadcast %and3A_274 : i32 to vector<16xi32>
      %and3A_276 = arith.andi %gather3A_264, %and3A_275 : vector<16xi32>
      %add3A_277 = arith.addi %mul3A_273, %and3A_276 : vector<16xi32>
      %add3A_278 = arith.addi %add3A_267, %add3A_277 : vector<16xi32>
      %sub3A_279 = arith.constant 0 : i32
      %sub3A_280 = arith.subi %scan3A_217, %sub3A_279 : i32
      %mul3A_281 = arith.constant 128 : i32
      %mul3A_282 = arith.muli %sub3A_280, %mul3A_281 : i32
      %add3A_283 = arith.constant 32 : i32
      %add3A_284 = arith.addi %mul3A_282, %add3A_283 : i32
      %swap3A_285 = arith.constant 1 : i32
      %swap3A_286 = arith.index_cast %swap3A_285 : i32 to index
      %swap3A_287 = arith.index_cast %add3A_284 : i32 to index
      %swap3A_288 = tpu.vector_load %arg7[%swap3A_286, %swap3A_287] {strides = array<i32>} : memref<3x16384xi32, #tpu.memory_space<vmem>>, vector<16xi32>,
      tpu.vector_store %arg7[%swap3A_286, %swap3A_287], %add3A_278 {strides = array<i32>} : memref<3x16384xi32, #tpu.memory_space<vmem>>, vector<16xi32>,
      %add3A_289 = arith.constant 1048576 : i32
      %add3A_290 = vector.broadcast %add3A_289 : i32 to vector<16xi32>
      %add3A_291 = arith.addi %add3A_278, %add3A_290 : vector<16xi32>
      %sub3A_292 = arith.constant 0 : i32
      %sub3A_293 = arith.subi %scan3A_217, %sub3A_292 : i32
      %mul3A_294 = arith.constant 128 : i32
      %mul3A_295 = arith.muli %sub3A_293, %mul3A_294 : i32
      %add3A_296 = arith.constant 32 : i32
      %add3A_297 = arith.addi %mul3A_295, %add3A_296 : i32
      %add3A_298 = arith.constant 16 : i32
      %add3A_299 = arith.addi %add3A_297, %add3A_298 : i32
      %swap3A_300 = arith.constant 1 : i32
      %swap3A_301 = arith.index_cast %swap3A_300 : i32 to index
      %swap3A_302 = arith.index_cast %add3A_299 : i32 to index
      %swap3A_303 = tpu.vector_load %arg7[%swap3A_301, %swap3A_302] {strides = array<i32>} : memref<3x16384xi32, #tpu.memory_space<vmem>>, vector<16xi32>,
      tpu.vector_store %arg7[%swap3A_301, %swap3A_302], %add3A_291 {strides = array<i32>} : memref<3x16384xi32, #tpu.memory_space<vmem>>, vector<16xi32>,
      %mul3A_304 = arith.constant 128 : i32
      %mul3A_305 = arith.muli %scan3A_217, %mul3A_304 : i32
      %add3A_306 = arith.constant 112 : i32
      %add3A_307 = arith.addi %mul3A_305, %add3A_306 : i32
      %broadcast_in_dim3A_308 = vector.broadcast %add3A_307 : i32 to vector<16xi32>
      %gather3A_309 = tpu.vector_load_idx %arg6[%broadcast_in_dim3A_308] : memref<16384xi32, #tpu.memory_space<vmem>>[vector<16xi32>], vector<16xi32>,
      %add3A_310 = arith.constant 29360128 : i32
      %add3A_311 = vector.broadcast %add3A_310 : i32 to vector<16xi32>
      %add3A_312 = arith.addi %add3A_22, %add3A_311 : vector<16xi32>
      %shift_right_arithmetic3A_313 = arith.constant 7 : i32
      %shift_right_arithmetic3A_314 = vector.broadcast %shift_right_arithmetic3A_313 : i32 to vector<16xi32>
      %shift_right_arithmetic3A_315 = arith.shrsi %gather3A_309, %shift_right_arithmetic3A_314 : vector<16xi32>
      %mul3A_316 = arith.constant 1024 : i32
      %mul3A_317 = vector.broadcast %mul3A_316 : i32 to vector<16xi32>
      %mul3A_318 = arith.muli %shift_right_arithmetic3A_315, %mul3A_317 : vector<16xi32>
      %and3A_319 = arith.constant 127 : i32
      %and3A_320 = vector.broadcast %and3A_319 : i32 to vector<16xi32>
      %and3A_321 = arith.andi %gather3A_309, %and3A_320 : vector<16xi32>
      %add3A_322 = arith.addi %mul3A_318, %and3A_321 : vector<16xi32>
      %add3A_323 = arith.addi %add3A_312, %add3A_322 : vector<16xi32>
      %sub3A_324 = arith.constant 0 : i32
      %sub3A_325 = arith.subi %scan3A_217, %sub3A_324 : i32
      %mul3A_326 = arith.constant 128 : i32
      %mul3A_327 = arith.muli %sub3A_325, %mul3A_326 : i32
      %add3A_328 = arith.constant 64 : i32
      %add3A_329 = arith.addi %mul3A_327, %add3A_328 : i32
      %swap3A_330 = arith.constant 1 : i32
      %swap3A_331 = arith.index_cast %swap3A_330 : i32 to index
      %swap3A_332 = arith.index_cast %add3A_329 : i32 to index
      %swap3A_333 = tpu.vector_load %arg7[%swap3A_331, %swap3A_332] {strides = array<i32>} : memref<3x16384xi32, #tpu.memory_space<vmem>>, vector<16xi32>,
      tpu.vector_store %arg7[%swap3A_331, %swap3A_332], %add3A_323 {strides = array<i32>} : memref<3x16384xi32, #tpu.memory_space<vmem>>, vector<16xi32>,
      %add3A_334 = arith.constant 1048576 : i32
      %add3A_335 = vector.broadcast %add3A_334 : i32 to vector<16xi32>
      %add3A_336 = arith.addi %add3A_323, %add3A_335 : vector<16xi32>
      %sub3A_337 = arith.constant 0 : i32
      %sub3A_338 = arith.subi %scan3A_217, %sub3A_337 : i32
      %mul3A_339 = arith.constant 128 : i32
      %mul3A_340 = arith.muli %sub3A_338, %mul3A_339 : i32
      %add3A_341 = arith.constant 64 : i32
      %add3A_342 = arith.addi %mul3A_340, %add3A_341 : i32
      %add3A_343 = arith.constant 16 : i32
      %add3A_344 = arith.addi %add3A_342, %add3A_343 : i32
      %swap3A_345 = arith.constant 1 : i32
      %swap3A_346 = arith.index_cast %swap3A_345 : i32 to index
      %swap3A_347 = arith.index_cast %add3A_344 : i32 to index
      %swap3A_348 = tpu.vector_load %arg7[%swap3A_346, %swap3A_347] {strides = array<i32>} : memref<3x16384xi32, #tpu.memory_space<vmem>>, vector<16xi32>,
      tpu.vector_store %arg7[%swap3A_346, %swap3A_347], %add3A_336 {strides = array<i32>} : memref<3x16384xi32, #tpu.memory_space<vmem>>, vector<16xi32>,
      %mul3A_349 = arith.constant 128 : i32
      %mul3A_350 = arith.muli %scan3A_217, %mul3A_349 : i32
      %add3A_351 = arith.constant 120 : i32
      %add3A_352 = arith.addi %mul3A_350, %add3A_351 : i32
      %broadcast_in_dim3A_353 = vector.broadcast %add3A_352 : i32 to vector<16xi32>
      %gather3A_354 = tpu.vector_load_idx %arg6[%broadcast_in_dim3A_353] : memref<16384xi32, #tpu.memory_space<vmem>>[vector<16xi32>], vector<16xi32>,
      %add3A_355 = arith.constant 31457280 : i32
      %add3A_356 = vector.broadcast %add3A_355 : i32 to vector<16xi32>
      %add3A_357 = arith.addi %add3A_22, %add3A_356 : vector<16xi32>
      %shift_right_arithmetic3A_358 = arith.constant 7 : i32
      %shift_right_arithmetic3A_359 = vector.broadcast %shift_right_arithmetic3A_358 : i32 to vector<16xi32>
      %shift_right_arithmetic3A_360 = arith.shrsi %gather3A_354, %shift_right_arithmetic3A_359 : vector<16xi32>
      %mul3A_361 = arith.constant 1024 : i32
      %mul3A_362 = vector.broadcast %mul3A_361 : i32 to vector<16xi32>
      %mul3A_363 = arith.muli %shift_right_arithmetic3A_360, %mul3A_362 : vector<16xi32>
      %and3A_364 = arith.constant 127 : i32
      %and3A_365 = vector.broadcast %and3A_364 : i32 to vector<16xi32>
      %and3A_366 = arith.andi %gather3A_354, %and3A_365 : vector<16xi32>
      %add3A_367 = arith.addi %mul3A_363, %and3A_366 : vector<16xi32>
      %add3A_368 = arith.addi %add3A_357, %add3A_367 : vector<16xi32>
      %sub3A_369 = arith.constant 0 : i32
      %sub3A_370 = arith.subi %scan3A_217, %sub3A_369 : i32
      %mul3A_371 = arith.constant 128 : i32
      %mul3A_372 = arith.muli %sub3A_370, %mul3A_371 : i32
      %add3A_373 = arith.constant 96 : i32
      %add3A_374 = arith.addi %mul3A_372, %add3A_373 : i32
      %swap3A_375 = arith.constant 1 : i32
      %swap3A_376 = arith.index_cast %swap3A_375 : i32 to index
      %swap3A_377 = arith.index_cast %add3A_374 : i32 to index
      %swap3A_378 = tpu.vector_load %arg7[%swap3A_376, %swap3A_377] {strides = array<i32>} : memref<3x16384xi32, #tpu.memory_space<vmem>>, vector<16xi32>,
      tpu.vector_store %arg7[%swap3A_376, %swap3A_377], %add3A_368 {strides = array<i32>} : memref<3x16384xi32, #tpu.memory_space<vmem>>, vector<16xi32>,
      %add3A_379 = arith.constant 1048576 : i32
      %add3A_380 = vector.broadcast %add3A_379 : i32 to vector<16xi32>
      %add3A_381 = arith.addi %add3A_368, %add3A_380 : vector<16xi32>
      %sub3A_382 = arith.constant 0 : i32
      %sub3A_383 = arith.subi %scan3A_217, %sub3A_382 : i32
      %mul3A_384 = arith.constant 128 : i32
      %mul3A_385 = arith.muli %sub3A_383, %mul3A_384 : i32
      %add3A_386 = arith.constant 96 : i32
      %add3A_387 = arith.addi %mul3A_385, %add3A_386 : i32
      %add3A_388 = arith.constant 16 : i32
      %add3A_389 = arith.addi %add3A_387, %add3A_388 : i32
      %swap3A_390 = arith.constant 1 : i32
      %swap3A_391 = arith.index_cast %swap3A_390 : i32 to index
      %swap3A_392 = arith.index_cast %add3A_389 : i32 to index
      %swap3A_393 = tpu.vector_load %arg7[%swap3A_391, %swap3A_392] {strides = array<i32>} : memref<3x16384xi32, #tpu.memory_space<vmem>>, vector<16xi32>,
      tpu.vector_store %arg7[%swap3A_391, %swap3A_392], %add3A_381 {strides = array<i32>} : memref<3x16384xi32, #tpu.memory_space<vmem>>, vector<16xi32>,
    }
    %scan3A_124 = arith.constant 64 : i32
    %dma_start3A_125 = arith.constant 1 : i32
    %dma_start3A_126 = arith.constant 1 : i32
    %dma_start3A_127 = arith.constant 0 : i32
    %dma_start3A_128 = tpu.memref_slice %arg8[%dma_start3A_126, %dma_start3A_127] : memref<3x16384xf32, #tpu.memory_space<vmem>> -> memref<1x8192xf32, #tpu.memory_space<vmem>>
    %dma_start3A_129 = tpu.memref_squeeze %dma_start3A_128 : memref<1x8192xf32, #tpu.memory_space<vmem>> -> memref<8192xf32, #tpu.memory_space<vmem>>
    %dma_start3A_130 = arith.constant 0 : i32
    %dma_start3A_131 = tpu.memref_slice %arg7[%dma_start3A_125, %dma_start3A_130] : memref<3x16384xi32, #tpu.memory_space<vmem>> -> memref<1x8192xi32, #tpu.memory_space<vmem>>
    %dma_start3A_132 = tpu.memref_squeeze %dma_start3A_131 : memref<1x8192xi32, #tpu.memory_space<vmem>> -> memref<8192xi32, #tpu.memory_space<vmem>>
    %dma_start3A_133 = arith.constant 0 : i32
    %dma_start3A_134 = tpu.memref_slice %arg3[%dma_start3A_133] : memref<33554432xf32, #tpu.memory_space<hbm>> -> memref<33554432xf32, #tpu.memory_space<hbm>>
    tpu.enqueue_indirect_dma source(%dma_start3A_134 : memref<33554432xf32, #tpu.memory_space<hbm>>) target(%dma_start3A_129 : memref<8192xf32, #tpu.memory_space<vmem>>) offsets(%dma_start3A_132 : memref<8192xi32, #tpu.memory_space<vmem>>) semaphore(%arg11 : memref<!tpu.dma_semaphore, #tpu.memory_space<semaphore_mem>>)
    %dma_wait3A_135 = arith.constant 2 : i32
    %dma_wait3A_136 = arith.constant 2 : i32
    %dma_wait3A_137 = arith.constant 0 : i32
    %dma_wait3A_138 = tpu.memref_slice %arg8[%dma_wait3A_136, %dma_wait3A_137] : memref<3x16384xf32, #tpu.memory_space<vmem>> -> memref<1x16384xf32, #tpu.memory_space<vmem>>
    %dma_wait3A_139 = tpu.memref_squeeze %dma_wait3A_138 : memref<1x16384xf32, #tpu.memory_space<vmem>> -> memref<16384xf32, #tpu.memory_space<vmem>>
    %dma_wait3A_140 = arith.constant 0 : i32
    %dma_wait3A_141 = tpu.memref_slice %arg7[%dma_wait3A_135, %dma_wait3A_140] : memref<3x16384xi32, #tpu.memory_space<vmem>> -> memref<1x16384xi32, #tpu.memory_space<vmem>>
    %dma_wait3A_142 = tpu.memref_squeeze %dma_wait3A_141 : memref<1x16384xi32, #tpu.memory_space<vmem>> -> memref<16384xi32, #tpu.memory_space<vmem>>
    %dma_wait3A_143 = arith.constant 0 : i32
    %dma_wait3A_144 = tpu.memref_slice %arg3[%dma_wait3A_143] : memref<33554432xf32, #tpu.memory_space<hbm>> -> memref<33554432xf32, #tpu.memory_space<hbm>>
    tpu.wait_indirect_dma semaphore(%arg11 : memref<!tpu.dma_semaphore, #tpu.memory_space<semaphore_mem>>) src(%dma_wait3A_144 : memref<33554432xf32, #tpu.memory_space<hbm>>) dst(%dma_wait3A_139 : memref<16384xf32, #tpu.memory_space<vmem>>)
    %scan3A_145 = arith.constant 0 : i32
    %scan3A_146 = arith.constant 0 : i32
    %scan3A_147 = arith.constant 128 : i32
    %scan3A_148 = arith.addi %scan3A_146, %scan3A_147 : i32
    %scan3A_149 = arith.constant 1 : i32
    scf.for %scan3A_217 = %scan3A_146 to %scan3A_148 step %scan3A_149  : i32 {
      %get3A = arith.index_cast %scan3A_217 : i32 to index
      %get3A_218 = arith.constant 0 : index
      %get3A_219 = tpu.vector_load %arg9[%get3A, %get3A_218] {strides = array<i32>} : memref<128x32xf32, #tpu.memory_space<vmem>>, vector<16xf32>,
      %get3A_220 = arith.index_cast %scan3A_217 : i32 to index
      %get3A_221 = arith.constant 16 : index
      %get3A_222 = tpu.vector_load %arg9[%get3A_220, %get3A_221] {strides = array<i32>} : memref<128x32xf32, #tpu.memory_space<vmem>>, vector<16xf32>,
      %sub3A = arith.constant 0 : i32
      %sub3A_223 = arith.subi %scan3A_217, %sub3A : i32
      %mul3A_224 = arith.constant 128 : i32
      %mul3A_225 = arith.muli %sub3A_223, %mul3A_224 : i32
      %add3A_226 = arith.constant 0 : i32
      %add3A_227 = arith.addi %mul3A_225, %add3A_226 : i32
      %get3A_228 = arith.constant 2 : i32
      %get3A_229 = arith.index_cast %get3A_228 : i32 to index
      %get3A_230 = arith.index_cast %add3A_227 : i32 to index
      %get3A_231 = tpu.vector_load %arg8[%get3A_229, %get3A_230] {strides = array<i32>} : memref<3x16384xf32, #tpu.memory_space<vmem>>, vector<16xf32>,
      %add3A_232 = arith.addf %get3A_219, %get3A_231 : vector<16xf32>
      %add3A_233 = arith.constant 16 : i32
      %add3A_234 = arith.addi %add3A_227, %add3A_233 : i32
      %get3A_235 = arith.constant 2 : i32
      %get3A_236 = arith.index_cast %get3A_235 : i32 to index
      %get3A_237 = arith.index_cast %add3A_234 : i32 to index
      %get3A_238 = tpu.vector_load %arg8[%get3A_236, %get3A_237] {strides = array<i32>} : memref<3x16384xf32, #tpu.memory_space<vmem>>, vector<16xf32>,
      %add3A_239 = arith.addf %get3A_222, %get3A_238 : vector<16xf32>
      %sub3A_240 = arith.constant 0 : i32
      %sub3A_241 = arith.subi %scan3A_217, %sub3A_240 : i32
      %mul3A_242 = arith.constant 128 : i32
      %mul3A_243 = arith.muli %sub3A_241, %mul3A_242 : i32
      %add3A_244 = arith.constant 32 : i32
      %add3A_245 = arith.addi %mul3A_243, %add3A_244 : i32
      %get3A_246 = arith.constant 2 : i32
      %get3A_247 = arith.index_cast %get3A_246 : i32 to index
      %get3A_248 = arith.index_cast %add3A_245 : i32 to index
      %get3A_249 = tpu.vector_load %arg8[%get3A_247, %get3A_248] {strides = array<i32>} : memref<3x16384xf32, #tpu.memory_space<vmem>>, vector<16xf32>,
      %add3A_250 = arith.addf %add3A_232, %get3A_249 : vector<16xf32>
      %add3A_251 = arith.constant 16 : i32
      %add3A_252 = arith.addi %add3A_245, %add3A_251 : i32
      %get3A_253 = arith.constant 2 : i32
      %get3A_254 = arith.index_cast %get3A_253 : i32 to index
      %get3A_255 = arith.index_cast %add3A_252 : i32 to index
      %get3A_256 = tpu.vector_load %arg8[%get3A_254, %get3A_255] {strides = array<i32>} : memref<3x16384xf32, #tpu.memory_space<vmem>>, vector<16xf32>,
      %add3A_257 = arith.addf %add3A_239, %get3A_256 : vector<16xf32>
      %sub3A_258 = arith.constant 0 : i32
      %sub3A_259 = arith.subi %scan3A_217, %sub3A_258 : i32
      %mul3A_260 = arith.constant 128 : i32
      %mul3A_261 = arith.muli %sub3A_259, %mul3A_260 : i32
      %add3A_262 = arith.constant 64 : i32
      %add3A_263 = arith.addi %mul3A_261, %add3A_262 : i32
      %get3A_264 = arith.constant 2 : i32
      %get3A_265 = arith.index_cast %get3A_264 : i32 to index
      %get3A_266 = arith.index_cast %add3A_263 : i32 to index
      %get3A_267 = tpu.vector_load %arg8[%get3A_265, %get3A_266] {strides = array<i32>} : memref<3x16384xf32, #tpu.memory_space<vmem>>, vector<16xf32>,
      %add3A_268 = arith.addf %add3A_250, %get3A_267 : vector<16xf32>
      %add3A_269 = arith.constant 16 : i32
      %add3A_270 = arith.addi %add3A_263, %add3A_269 : i32
      %get3A_271 = arith.constant 2 : i32
      %get3A_272 = arith.index_cast %get3A_271 : i32 to index
      %get3A_273 = arith.index_cast %add3A_270 : i32 to index
      %get3A_274 = tpu.vector_load %arg8[%get3A_272, %get3A_273] {strides = array<i32>} : memref<3x16384xf32, #tpu.memory_space<vmem>>, vector<16xf32>,
      %add3A_275 = arith.addf %add3A_257, %get3A_274 : vector<16xf32>
      %sub3A_276 = arith.constant 0 : i32
      %sub3A_277 = arith.subi %scan3A_217, %sub3A_276 : i32
      %mul3A_278 = arith.constant 128 : i32
      %mul3A_279 = arith.muli %sub3A_277, %mul3A_278 : i32
      %add3A_280 = arith.constant 96 : i32
      %add3A_281 = arith.addi %mul3A_279, %add3A_280 : i32
      %get3A_282 = arith.constant 2 : i32
      %get3A_283 = arith.index_cast %get3A_282 : i32 to index
      %get3A_284 = arith.index_cast %add3A_281 : i32 to index
      %get3A_285 = tpu.vector_load %arg8[%get3A_283, %get3A_284] {strides = array<i32>} : memref<3x16384xf32, #tpu.memory_space<vmem>>, vector<16xf32>,
      %add3A_286 = arith.addf %add3A_268, %get3A_285 : vector<16xf32>
      %add3A_287 = arith.constant 16 : i32
      %add3A_288 = arith.addi %add3A_281, %add3A_287 : i32
      %get3A_289 = arith.constant 2 : i32
      %get3A_290 = arith.index_cast %get3A_289 : i32 to index
      %get3A_291 = arith.index_cast %add3A_288 : i32 to index
      %get3A_292 = tpu.vector_load %arg8[%get3A_290, %get3A_291] {strides = array<i32>} : memref<3x16384xf32, #tpu.memory_space<vmem>>, vector<16xf32>,
      %add3A_293 = arith.addf %add3A_275, %get3A_292 : vector<16xf32>
      %swap3A = arith.index_cast %scan3A_217 : i32 to index
      %swap3A_294 = arith.constant 0 : index
      %swap3A_295 = tpu.vector_load %arg9[%swap3A, %swap3A_294] {strides = array<i32>} : memref<128x32xf32, #tpu.memory_space<vmem>>, vector<16xf32>,
      tpu.vector_store %arg9[%swap3A, %swap3A_294], %add3A_286 {strides = array<i32>} : memref<128x32xf32, #tpu.memory_space<vmem>>, vector<16xf32>,
      %swap3A_296 = arith.index_cast %scan3A_217 : i32 to index
      %swap3A_297 = arith.constant 16 : index
      %swap3A_298 = tpu.vector_load %arg9[%swap3A_296, %swap3A_297] {strides = array<i32>} : memref<128x32xf32, #tpu.memory_space<vmem>>, vector<16xf32>,
      tpu.vector_store %arg9[%swap3A_296, %swap3A_297], %add3A_293 {strides = array<i32>} : memref<128x32xf32, #tpu.memory_space<vmem>>, vector<16xf32>,
    }
    %scan3A_150 = arith.constant 128 : i32
    %scan3A_151 = arith.constant 0 : i32
    %scan3A_152 = arith.constant 64 : i32
    %scan3A_153 = arith.constant 64 : i32
    %scan3A_154 = arith.addi %scan3A_152, %scan3A_153 : i32
    %scan3A_155 = arith.constant 1 : i32
    scf.for %scan3A_217 = %scan3A_152 to %scan3A_154 step %scan3A_155  : i32 {
      %mul3A_218 = arith.constant 128 : i32
      %mul3A_219 = arith.muli %scan3A_217, %mul3A_218 : i32
      %add3A_220 = arith.constant 96 : i32
      %add3A_221 = arith.addi %mul3A_219, %add3A_220 : i32
      %broadcast_in_dim3A = vector.broadcast %add3A_221 : i32 to vector<16xi32>
      %gather3A = tpu.vector_load_idx %arg6[%broadcast_in_dim3A] : memref<16384xi32, #tpu.memory_space<vmem>>[vector<16xi32>], vector<16xi32>,
      %add3A_222 = arith.constant 25165824 : i32
      %add3A_223 = vector.broadcast %add3A_222 : i32 to vector<16xi32>
      %add3A_224 = arith.addi %add3A_22, %add3A_223 : vector<16xi32>
      %shift_right_arithmetic3A_225 = arith.constant 7 : i32
      %shift_right_arithmetic3A_226 = vector.broadcast %shift_right_arithmetic3A_225 : i32 to vector<16xi32>
      %shift_right_arithmetic3A_227 = arith.shrsi %gather3A, %shift_right_arithmetic3A_226 : vector<16xi32>
      %mul3A_228 = arith.constant 1024 : i32
      %mul3A_229 = vector.broadcast %mul3A_228 : i32 to vector<16xi32>
      %mul3A_230 = arith.muli %shift_right_arithmetic3A_227, %mul3A_229 : vector<16xi32>
      %and3A_231 = arith.constant 127 : i32
      %and3A_232 = vector.broadcast %and3A_231 : i32 to vector<16xi32>
      %and3A_233 = arith.andi %gather3A, %and3A_232 : vector<16xi32>
      %add3A_234 = arith.addi %mul3A_230, %and3A_233 : vector<16xi32>
      %add3A_235 = arith.addi %add3A_224, %add3A_234 : vector<16xi32>
      %sub3A = arith.constant 64 : i32
      %sub3A_236 = arith.subi %scan3A_217, %sub3A : i32
      %mul3A_237 = arith.constant 128 : i32
      %mul3A_238 = arith.muli %sub3A_236, %mul3A_237 : i32
      %add3A_239 = arith.constant 0 : i32
      %add3A_240 = arith.addi %mul3A_238, %add3A_239 : i32
      %swap3A = arith.constant 2 : i32
      %swap3A_241 = arith.index_cast %swap3A : i32 to index
      %swap3A_242 = arith.index_cast %add3A_240 : i32 to index
      %swap3A_243 = tpu.vector_load %arg7[%swap3A_241, %swap3A_242] {strides = array<i32>} : memref<3x16384xi32, #tpu.memory_space<vmem>>, vector<16xi32>,
      tpu.vector_store %arg7[%swap3A_241, %swap3A_242], %add3A_235 {strides = array<i32>} : memref<3x16384xi32, #tpu.memory_space<vmem>>, vector<16xi32>,
      %add3A_244 = arith.constant 1048576 : i32
      %add3A_245 = vector.broadcast %add3A_244 : i32 to vector<16xi32>
      %add3A_246 = arith.addi %add3A_235, %add3A_245 : vector<16xi32>
      %sub3A_247 = arith.constant 64 : i32
      %sub3A_248 = arith.subi %scan3A_217, %sub3A_247 : i32
      %mul3A_249 = arith.constant 128 : i32
      %mul3A_250 = arith.muli %sub3A_248, %mul3A_249 : i32
      %add3A_251 = arith.constant 0 : i32
      %add3A_252 = arith.addi %mul3A_250, %add3A_251 : i32
      %add3A_253 = arith.constant 16 : i32
      %add3A_254 = arith.addi %add3A_252, %add3A_253 : i32
      %swap3A_255 = arith.constant 2 : i32
      %swap3A_256 = arith.index_cast %swap3A_255 : i32 to index
      %swap3A_257 = arith.index_cast %add3A_254 : i32 to index
      %swap3A_258 = tpu.vector_load %arg7[%swap3A_256, %swap3A_257] {strides = array<i32>} : memref<3x16384xi32, #tpu.memory_space<vmem>>, vector<16xi32>,
      tpu.vector_store %arg7[%swap3A_256, %swap3A_257], %add3A_246 {strides = array<i32>} : memref<3x16384xi32, #tpu.memory_space<vmem>>, vector<16xi32>,
      %mul3A_259 = arith.constant 128 : i32
      %mul3A_260 = arith.muli %scan3A_217, %mul3A_259 : i32
      %add3A_261 = arith.constant 104 : i32
      %add3A_262 = arith.addi %mul3A_260, %add3A_261 : i32
      %broadcast_in_dim3A_263 = vector.broadcast %add3A_262 : i32 to vector<16xi32>
      %gather3A_264 = tpu.vector_load_idx %arg6[%broadcast_in_dim3A_263] : memref<16384xi32, #tpu.memory_space<vmem>>[vector<16xi32>], vector<16xi32>,
      %add3A_265 = arith.constant 27262976 : i32
      %add3A_266 = vector.broadcast %add3A_265 : i32 to vector<16xi32>
      %add3A_267 = arith.addi %add3A_22, %add3A_266 : vector<16xi32>
      %shift_right_arithmetic3A_268 = arith.constant 7 : i32
      %shift_right_arithmetic3A_269 = vector.broadcast %shift_right_arithmetic3A_268 : i32 to vector<16xi32>
      %shift_right_arithmetic3A_270 = arith.shrsi %gather3A_264, %shift_right_arithmetic3A_269 : vector<16xi32>
      %mul3A_271 = arith.constant 1024 : i32
      %mul3A_272 = vector.broadcast %mul3A_271 : i32 to vector<16xi32>
      %mul3A_273 = arith.muli %shift_right_arithmetic3A_270, %mul3A_272 : vector<16xi32>
      %and3A_274 = arith.constant 127 : i32
      %and3A_275 = vector.broadcast %and3A_274 : i32 to vector<16xi32>
      %and3A_276 = arith.andi %gather3A_264, %and3A_275 : vector<16xi32>
      %add3A_277 = arith.addi %mul3A_273, %and3A_276 : vector<16xi32>
      %add3A_278 = arith.addi %add3A_267, %add3A_277 : vector<16xi32>
      %sub3A_279 = arith.constant 64 : i32
      %sub3A_280 = arith.subi %scan3A_217, %sub3A_279 : i32
      %mul3A_281 = arith.constant 128 : i32
      %mul3A_282 = arith.muli %sub3A_280, %mul3A_281 : i32
      %add3A_283 = arith.constant 32 : i32
      %add3A_284 = arith.addi %mul3A_282, %add3A_283 : i32
      %swap3A_285 = arith.constant 2 : i32
      %swap3A_286 = arith.index_cast %swap3A_285 : i32 to index
      %swap3A_287 = arith.index_cast %add3A_284 : i32 to index
      %swap3A_288 = tpu.vector_load %arg7[%swap3A_286, %swap3A_287] {strides = array<i32>} : memref<3x16384xi32, #tpu.memory_space<vmem>>, vector<16xi32>,
      tpu.vector_store %arg7[%swap3A_286, %swap3A_287], %add3A_278 {strides = array<i32>} : memref<3x16384xi32, #tpu.memory_space<vmem>>, vector<16xi32>,
      %add3A_289 = arith.constant 1048576 : i32
      %add3A_290 = vector.broadcast %add3A_289 : i32 to vector<16xi32>
      %add3A_291 = arith.addi %add3A_278, %add3A_290 : vector<16xi32>
      %sub3A_292 = arith.constant 64 : i32
      %sub3A_293 = arith.subi %scan3A_217, %sub3A_292 : i32
      %mul3A_294 = arith.constant 128 : i32
      %mul3A_295 = arith.muli %sub3A_293, %mul3A_294 : i32
      %add3A_296 = arith.constant 32 : i32
      %add3A_297 = arith.addi %mul3A_295, %add3A_296 : i32
      %add3A_298 = arith.constant 16 : i32
      %add3A_299 = arith.addi %add3A_297, %add3A_298 : i32
      %swap3A_300 = arith.constant 2 : i32
      %swap3A_301 = arith.index_cast %swap3A_300 : i32 to index
      %swap3A_302 = arith.index_cast %add3A_299 : i32 to index
      %swap3A_303 = tpu.vector_load %arg7[%swap3A_301, %swap3A_302] {strides = array<i32>} : memref<3x16384xi32, #tpu.memory_space<vmem>>, vector<16xi32>,
      tpu.vector_store %arg7[%swap3A_301, %swap3A_302], %add3A_291 {strides = array<i32>} : memref<3x16384xi32, #tpu.memory_space<vmem>>, vector<16xi32>,
      %mul3A_304 = arith.constant 128 : i32
      %mul3A_305 = arith.muli %scan3A_217, %mul3A_304 : i32
      %add3A_306 = arith.constant 112 : i32
      %add3A_307 = arith.addi %mul3A_305, %add3A_306 : i32
      %broadcast_in_dim3A_308 = vector.broadcast %add3A_307 : i32 to vector<16xi32>
      %gather3A_309 = tpu.vector_load_idx %arg6[%broadcast_in_dim3A_308] : memref<16384xi32, #tpu.memory_space<vmem>>[vector<16xi32>], vector<16xi32>,
      %add3A_310 = arith.constant 29360128 : i32
      %add3A_311 = vector.broadcast %add3A_310 : i32 to vector<16xi32>
      %add3A_312 = arith.addi %add3A_22, %add3A_311 : vector<16xi32>
      %shift_right_arithmetic3A_313 = arith.constant 7 : i32
      %shift_right_arithmetic3A_314 = vector.broadcast %shift_right_arithmetic3A_313 : i32 to vector<16xi32>
      %shift_right_arithmetic3A_315 = arith.shrsi %gather3A_309, %shift_right_arithmetic3A_314 : vector<16xi32>
      %mul3A_316 = arith.constant 1024 : i32
      %mul3A_317 = vector.broadcast %mul3A_316 : i32 to vector<16xi32>
      %mul3A_318 = arith.muli %shift_right_arithmetic3A_315, %mul3A_317 : vector<16xi32>
      %and3A_319 = arith.constant 127 : i32
      %and3A_320 = vector.broadcast %and3A_319 : i32 to vector<16xi32>
      %and3A_321 = arith.andi %gather3A_309, %and3A_320 : vector<16xi32>
      %add3A_322 = arith.addi %mul3A_318, %and3A_321 : vector<16xi32>
      %add3A_323 = arith.addi %add3A_312, %add3A_322 : vector<16xi32>
      %sub3A_324 = arith.constant 64 : i32
      %sub3A_325 = arith.subi %scan3A_217, %sub3A_324 : i32
      %mul3A_326 = arith.constant 128 : i32
      %mul3A_327 = arith.muli %sub3A_325, %mul3A_326 : i32
      %add3A_328 = arith.constant 64 : i32
      %add3A_329 = arith.addi %mul3A_327, %add3A_328 : i32
      %swap3A_330 = arith.constant 2 : i32
      %swap3A_331 = arith.index_cast %swap3A_330 : i32 to index
      %swap3A_332 = arith.index_cast %add3A_329 : i32 to index
      %swap3A_333 = tpu.vector_load %arg7[%swap3A_331, %swap3A_332] {strides = array<i32>} : memref<3x16384xi32, #tpu.memory_space<vmem>>, vector<16xi32>,
      tpu.vector_store %arg7[%swap3A_331, %swap3A_332], %add3A_323 {strides = array<i32>} : memref<3x16384xi32, #tpu.memory_space<vmem>>, vector<16xi32>,
      %add3A_334 = arith.constant 1048576 : i32
      %add3A_335 = vector.broadcast %add3A_334 : i32 to vector<16xi32>
      %add3A_336 = arith.addi %add3A_323, %add3A_335 : vector<16xi32>
      %sub3A_337 = arith.constant 64 : i32
      %sub3A_338 = arith.subi %scan3A_217, %sub3A_337 : i32
      %mul3A_339 = arith.constant 128 : i32
      %mul3A_340 = arith.muli %sub3A_338, %mul3A_339 : i32
      %add3A_341 = arith.constant 64 : i32
      %add3A_342 = arith.addi %mul3A_340, %add3A_341 : i32
      %add3A_343 = arith.constant 16 : i32
      %add3A_344 = arith.addi %add3A_342, %add3A_343 : i32
      %swap3A_345 = arith.constant 2 : i32
      %swap3A_346 = arith.index_cast %swap3A_345 : i32 to index
      %swap3A_347 = arith.index_cast %add3A_344 : i32 to index
      %swap3A_348 = tpu.vector_load %arg7[%swap3A_346, %swap3A_347] {strides = array<i32>} : memref<3x16384xi32, #tpu.memory_space<vmem>>, vector<16xi32>,
      tpu.vector_store %arg7[%swap3A_346, %swap3A_347], %add3A_336 {strides = array<i32>} : memref<3x16384xi32, #tpu.memory_space<vmem>>, vector<16xi32>,
      %mul3A_349 = arith.constant 128 : i32
      %mul3A_350 = arith.muli %scan3A_217, %mul3A_349 : i32
      %add3A_351 = arith.constant 120 : i32
      %add3A_352 = arith.addi %mul3A_350, %add3A_351 : i32
      %broadcast_in_dim3A_353 = vector.broadcast %add3A_352 : i32 to vector<16xi32>
      %gather3A_354 = tpu.vector_load_idx %arg6[%broadcast_in_dim3A_353] : memref<16384xi32, #tpu.memory_space<vmem>>[vector<16xi32>], vector<16xi32>,
      %add3A_355 = arith.constant 31457280 : i32
      %add3A_356 = vector.broadcast %add3A_355 : i32 to vector<16xi32>
      %add3A_357 = arith.addi %add3A_22, %add3A_356 : vector<16xi32>
      %shift_right_arithmetic3A_358 = arith.constant 7 : i32
      %shift_right_arithmetic3A_359 = vector.broadcast %shift_right_arithmetic3A_358 : i32 to vector<16xi32>
      %shift_right_arithmetic3A_360 = arith.shrsi %gather3A_354, %shift_right_arithmetic3A_359 : vector<16xi32>
      %mul3A_361 = arith.constant 1024 : i32
      %mul3A_362 = vector.broadcast %mul3A_361 : i32 to vector<16xi32>
      %mul3A_363 = arith.muli %shift_right_arithmetic3A_360, %mul3A_362 : vector<16xi32>
      %and3A_364 = arith.constant 127 : i32
      %and3A_365 = vector.broadcast %and3A_364 : i32 to vector<16xi32>
      %and3A_366 = arith.andi %gather3A_354, %and3A_365 : vector<16xi32>
      %add3A_367 = arith.addi %mul3A_363, %and3A_366 : vector<16xi32>
      %add3A_368 = arith.addi %add3A_357, %add3A_367 : vector<16xi32>
      %sub3A_369 = arith.constant 64 : i32
      %sub3A_370 = arith.subi %scan3A_217, %sub3A_369 : i32
      %mul3A_371 = arith.constant 128 : i32
      %mul3A_372 = arith.muli %sub3A_370, %mul3A_371 : i32
      %add3A_373 = arith.constant 96 : i32
      %add3A_374 = arith.addi %mul3A_372, %add3A_373 : i32
      %swap3A_375 = arith.constant 2 : i32
      %swap3A_376 = arith.index_cast %swap3A_375 : i32 to index
      %swap3A_377 = arith.index_cast %add3A_374 : i32 to index
      %swap3A_378 = tpu.vector_load %arg7[%swap3A_376, %swap3A_377] {strides = array<i32>} : memref<3x16384xi32, #tpu.memory_space<vmem>>, vector<16xi32>,
      tpu.vector_store %arg7[%swap3A_376, %swap3A_377], %add3A_368 {strides = array<i32>} : memref<3x16384xi32, #tpu.memory_space<vmem>>, vector<16xi32>,
      %add3A_379 = arith.constant 1048576 : i32
      %add3A_380 = vector.broadcast %add3A_379 : i32 to vector<16xi32>
      %add3A_381 = arith.addi %add3A_368, %add3A_380 : vector<16xi32>
      %sub3A_382 = arith.constant 64 : i32
      %sub3A_383 = arith.subi %scan3A_217, %sub3A_382 : i32
      %mul3A_384 = arith.constant 128 : i32
      %mul3A_385 = arith.muli %sub3A_383, %mul3A_384 : i32
      %add3A_386 = arith.constant 96 : i32
      %add3A_387 = arith.addi %mul3A_385, %add3A_386 : i32
      %add3A_388 = arith.constant 16 : i32
      %add3A_389 = arith.addi %add3A_387, %add3A_388 : i32
      %swap3A_390 = arith.constant 2 : i32
      %swap3A_391 = arith.index_cast %swap3A_390 : i32 to index
      %swap3A_392 = arith.index_cast %add3A_389 : i32 to index
      %swap3A_393 = tpu.vector_load %arg7[%swap3A_391, %swap3A_392] {strides = array<i32>} : memref<3x16384xi32, #tpu.memory_space<vmem>>, vector<16xi32>,
      tpu.vector_store %arg7[%swap3A_391, %swap3A_392], %add3A_381 {strides = array<i32>} : memref<3x16384xi32, #tpu.memory_space<vmem>>, vector<16xi32>,
    }
    %scan3A_156 = arith.constant 64 : i32
    %dma_start3A_157 = arith.constant 2 : i32
    %dma_start3A_158 = arith.constant 2 : i32
    %dma_start3A_159 = arith.constant 0 : i32
    %dma_start3A_160 = tpu.memref_slice %arg8[%dma_start3A_158, %dma_start3A_159] : memref<3x16384xf32, #tpu.memory_space<vmem>> -> memref<1x8192xf32, #tpu.memory_space<vmem>>
    %dma_start3A_161 = tpu.memref_squeeze %dma_start3A_160 : memref<1x8192xf32, #tpu.memory_space<vmem>> -> memref<8192xf32, #tpu.memory_space<vmem>>
    %dma_start3A_162 = arith.constant 0 : i32
    %dma_start3A_163 = tpu.memref_slice %arg7[%dma_start3A_157, %dma_start3A_162] : memref<3x16384xi32, #tpu.memory_space<vmem>> -> memref<1x8192xi32, #tpu.memory_space<vmem>>
    %dma_start3A_164 = tpu.memref_squeeze %dma_start3A_163 : memref<1x8192xi32, #tpu.memory_space<vmem>> -> memref<8192xi32, #tpu.memory_space<vmem>>
    %dma_start3A_165 = arith.constant 0 : i32
    %dma_start3A_166 = tpu.memref_slice %arg3[%dma_start3A_165] : memref<33554432xf32, #tpu.memory_space<hbm>> -> memref<33554432xf32, #tpu.memory_space<hbm>>
    tpu.enqueue_indirect_dma source(%dma_start3A_166 : memref<33554432xf32, #tpu.memory_space<hbm>>) target(%dma_start3A_161 : memref<8192xf32, #tpu.memory_space<vmem>>) offsets(%dma_start3A_164 : memref<8192xi32, #tpu.memory_space<vmem>>) semaphore(%arg11 : memref<!tpu.dma_semaphore, #tpu.memory_space<semaphore_mem>>)
    %dma_wait3A_167 = arith.constant 0 : i32
    %dma_wait3A_168 = arith.constant 0 : i32
    %dma_wait3A_169 = arith.constant 0 : i32
    %dma_wait3A_170 = tpu.memref_slice %arg8[%dma_wait3A_168, %dma_wait3A_169] : memref<3x16384xf32, #tpu.memory_space<vmem>> -> memref<1x16384xf32, #tpu.memory_space<vmem>>
    %dma_wait3A_171 = tpu.memref_squeeze %dma_wait3A_170 : memref<1x16384xf32, #tpu.memory_space<vmem>> -> memref<16384xf32, #tpu.memory_space<vmem>>
    %dma_wait3A_172 = arith.constant 0 : i32
    %dma_wait3A_173 = tpu.memref_slice %arg7[%dma_wait3A_167, %dma_wait3A_172] : memref<3x16384xi32, #tpu.memory_space<vmem>> -> memref<1x16384xi32, #tpu.memory_space<vmem>>
    %dma_wait3A_174 = tpu.memref_squeeze %dma_wait3A_173 : memref<1x16384xi32, #tpu.memory_space<vmem>> -> memref<16384xi32, #tpu.memory_space<vmem>>
    %dma_wait3A_175 = arith.constant 0 : i32
    %dma_wait3A_176 = tpu.memref_slice %arg3[%dma_wait3A_175] : memref<33554432xf32, #tpu.memory_space<hbm>> -> memref<33554432xf32, #tpu.memory_space<hbm>>
    tpu.wait_indirect_dma semaphore(%arg11 : memref<!tpu.dma_semaphore, #tpu.memory_space<semaphore_mem>>) src(%dma_wait3A_176 : memref<33554432xf32, #tpu.memory_space<hbm>>) dst(%dma_wait3A_171 : memref<16384xf32, #tpu.memory_space<vmem>>)
    %scan3A_177 = arith.constant 0 : i32
    %scan3A_178 = arith.constant 0 : i32
    %scan3A_179 = arith.constant 128 : i32
    %scan3A_180 = arith.addi %scan3A_178, %scan3A_179 : i32
    %scan3A_181 = arith.constant 1 : i32
    scf.for %scan3A_217 = %scan3A_178 to %scan3A_180 step %scan3A_181  : i32 {
      %get3A = arith.index_cast %scan3A_217 : i32 to index
      %get3A_218 = arith.constant 0 : index
      %get3A_219 = tpu.vector_load %arg9[%get3A, %get3A_218] {strides = array<i32>} : memref<128x32xf32, #tpu.memory_space<vmem>>, vector<16xf32>,
      %get3A_220 = arith.index_cast %scan3A_217 : i32 to index
      %get3A_221 = arith.constant 16 : index
      %get3A_222 = tpu.vector_load %arg9[%get3A_220, %get3A_221] {strides = array<i32>} : memref<128x32xf32, #tpu.memory_space<vmem>>, vector<16xf32>,
      %sub3A = arith.constant 0 : i32
      %sub3A_223 = arith.subi %scan3A_217, %sub3A : i32
      %mul3A_224 = arith.constant 128 : i32
      %mul3A_225 = arith.muli %sub3A_223, %mul3A_224 : i32
      %add3A_226 = arith.constant 0 : i32
      %add3A_227 = arith.addi %mul3A_225, %add3A_226 : i32
      %get3A_228 = arith.constant 0 : i32
      %get3A_229 = arith.index_cast %get3A_228 : i32 to index
      %get3A_230 = arith.index_cast %add3A_227 : i32 to index
      %get3A_231 = tpu.vector_load %arg8[%get3A_229, %get3A_230] {strides = array<i32>} : memref<3x16384xf32, #tpu.memory_space<vmem>>, vector<16xf32>,
      %add3A_232 = arith.addf %get3A_219, %get3A_231 : vector<16xf32>
      %add3A_233 = arith.constant 16 : i32
      %add3A_234 = arith.addi %add3A_227, %add3A_233 : i32
      %get3A_235 = arith.constant 0 : i32
      %get3A_236 = arith.index_cast %get3A_235 : i32 to index
      %get3A_237 = arith.index_cast %add3A_234 : i32 to index
      %get3A_238 = tpu.vector_load %arg8[%get3A_236, %get3A_237] {strides = array<i32>} : memref<3x16384xf32, #tpu.memory_space<vmem>>, vector<16xf32>,
      %add3A_239 = arith.addf %get3A_222, %get3A_238 : vector<16xf32>
      %sub3A_240 = arith.constant 0 : i32
      %sub3A_241 = arith.subi %scan3A_217, %sub3A_240 : i32
      %mul3A_242 = arith.constant 128 : i32
      %mul3A_243 = arith.muli %sub3A_241, %mul3A_242 : i32
      %add3A_244 = arith.constant 32 : i32
      %add3A_245 = arith.addi %mul3A_243, %add3A_244 : i32
      %get3A_246 = arith.constant 0 : i32
      %get3A_247 = arith.index_cast %get3A_246 : i32 to index
      %get3A_248 = arith.index_cast %add3A_245 : i32 to index
      %get3A_249 = tpu.vector_load %arg8[%get3A_247, %get3A_248] {strides = array<i32>} : memref<3x16384xf32, #tpu.memory_space<vmem>>, vector<16xf32>,
      %add3A_250 = arith.addf %add3A_232, %get3A_249 : vector<16xf32>
      %add3A_251 = arith.constant 16 : i32
      %add3A_252 = arith.addi %add3A_245, %add3A_251 : i32
      %get3A_253 = arith.constant 0 : i32
      %get3A_254 = arith.index_cast %get3A_253 : i32 to index
      %get3A_255 = arith.index_cast %add3A_252 : i32 to index
      %get3A_256 = tpu.vector_load %arg8[%get3A_254, %get3A_255] {strides = array<i32>} : memref<3x16384xf32, #tpu.memory_space<vmem>>, vector<16xf32>,
      %add3A_257 = arith.addf %add3A_239, %get3A_256 : vector<16xf32>
      %sub3A_258 = arith.constant 0 : i32
      %sub3A_259 = arith.subi %scan3A_217, %sub3A_258 : i32
      %mul3A_260 = arith.constant 128 : i32
      %mul3A_261 = arith.muli %sub3A_259, %mul3A_260 : i32
      %add3A_262 = arith.constant 64 : i32
      %add3A_263 = arith.addi %mul3A_261, %add3A_262 : i32
      %get3A_264 = arith.constant 0 : i32
      %get3A_265 = arith.index_cast %get3A_264 : i32 to index
      %get3A_266 = arith.index_cast %add3A_263 : i32 to index
      %get3A_267 = tpu.vector_load %arg8[%get3A_265, %get3A_266] {strides = array<i32>} : memref<3x16384xf32, #tpu.memory_space<vmem>>, vector<16xf32>,
      %add3A_268 = arith.addf %add3A_250, %get3A_267 : vector<16xf32>
      %add3A_269 = arith.constant 16 : i32
      %add3A_270 = arith.addi %add3A_263, %add3A_269 : i32
      %get3A_271 = arith.constant 0 : i32
      %get3A_272 = arith.index_cast %get3A_271 : i32 to index
      %get3A_273 = arith.index_cast %add3A_270 : i32 to index
      %get3A_274 = tpu.vector_load %arg8[%get3A_272, %get3A_273] {strides = array<i32>} : memref<3x16384xf32, #tpu.memory_space<vmem>>, vector<16xf32>,
      %add3A_275 = arith.addf %add3A_257, %get3A_274 : vector<16xf32>
      %sub3A_276 = arith.constant 0 : i32
      %sub3A_277 = arith.subi %scan3A_217, %sub3A_276 : i32
      %mul3A_278 = arith.constant 128 : i32
      %mul3A_279 = arith.muli %sub3A_277, %mul3A_278 : i32
      %add3A_280 = arith.constant 96 : i32
      %add3A_281 = arith.addi %mul3A_279, %add3A_280 : i32
      %get3A_282 = arith.constant 0 : i32
      %get3A_283 = arith.index_cast %get3A_282 : i32 to index
      %get3A_284 = arith.index_cast %add3A_281 : i32 to index
      %get3A_285 = tpu.vector_load %arg8[%get3A_283, %get3A_284] {strides = array<i32>} : memref<3x16384xf32, #tpu.memory_space<vmem>>, vector<16xf32>,
      %add3A_286 = arith.addf %add3A_268, %get3A_285 : vector<16xf32>
      %add3A_287 = arith.constant 16 : i32
      %add3A_288 = arith.addi %add3A_281, %add3A_287 : i32
      %get3A_289 = arith.constant 0 : i32
      %get3A_290 = arith.index_cast %get3A_289 : i32 to index
      %get3A_291 = arith.index_cast %add3A_288 : i32 to index
      %get3A_292 = tpu.vector_load %arg8[%get3A_290, %get3A_291] {strides = array<i32>} : memref<3x16384xf32, #tpu.memory_space<vmem>>, vector<16xf32>,
      %add3A_293 = arith.addf %add3A_275, %get3A_292 : vector<16xf32>
      %swap3A = arith.index_cast %scan3A_217 : i32 to index
      %swap3A_294 = arith.constant 0 : index
      %swap3A_295 = tpu.vector_load %arg9[%swap3A, %swap3A_294] {strides = array<i32>} : memref<128x32xf32, #tpu.memory_space<vmem>>, vector<16xf32>,
      tpu.vector_store %arg9[%swap3A, %swap3A_294], %add3A_286 {strides = array<i32>} : memref<128x32xf32, #tpu.memory_space<vmem>>, vector<16xf32>,
      %swap3A_296 = arith.index_cast %scan3A_217 : i32 to index
      %swap3A_297 = arith.constant 16 : index
      %swap3A_298 = tpu.vector_load %arg9[%swap3A_296, %swap3A_297] {strides = array<i32>} : memref<128x32xf32, #tpu.memory_space<vmem>>, vector<16xf32>,
      tpu.vector_store %arg9[%swap3A_296, %swap3A_297], %add3A_293 {strides = array<i32>} : memref<128x32xf32, #tpu.memory_space<vmem>>, vector<16xf32>,
    }
    %scan3A_182 = arith.constant 128 : i32
    %dma_wait3A_183 = arith.constant 1 : i32
    %dma_wait3A_184 = arith.constant 1 : i32
    %dma_wait3A_185 = arith.constant 0 : i32
    %dma_wait3A_186 = tpu.memref_slice %arg8[%dma_wait3A_184, %dma_wait3A_185] : memref<3x16384xf32, #tpu.memory_space<vmem>> -> memref<1x8192xf32, #tpu.memory_space<vmem>>
    %dma_wait3A_187 = tpu.memref_squeeze %dma_wait3A_186 : memref<1x8192xf32, #tpu.memory_space<vmem>> -> memref<8192xf32, #tpu.memory_space<vmem>>
    %dma_wait3A_188 = arith.constant 0 : i32
    %dma_wait3A_189 = tpu.memref_slice %arg7[%dma_wait3A_183, %dma_wait3A_188] : memref<3x16384xi32, #tpu.memory_space<vmem>> -> memref<1x8192xi32, #tpu.memory_space<vmem>>
    %dma_wait3A_190 = tpu.memref_squeeze %dma_wait3A_189 : memref<1x8192xi32, #tpu.memory_space<vmem>> -> memref<8192xi32, #tpu.memory_space<vmem>>
    %dma_wait3A_191 = arith.constant 0 : i32
    %dma_wait3A_192 = tpu.memref_slice %arg3[%dma_wait3A_191] : memref<33554432xf32, #tpu.memory_space<hbm>> -> memref<33554432xf32, #tpu.memory_space<hbm>>
    tpu.wait_indirect_dma semaphore(%arg11 : memref<!tpu.dma_semaphore, #tpu.memory_space<semaphore_mem>>) src(%dma_wait3A_192 : memref<33554432xf32, #tpu.memory_space<hbm>>) dst(%dma_wait3A_187 : memref<8192xf32, #tpu.memory_space<vmem>>)
    %scan3A_193 = arith.constant 0 : i32
    %scan3A_194 = arith.constant 0 : i32
    %scan3A_195 = arith.constant 64 : i32
    %scan3A_196 = arith.addi %scan3A_194, %scan3A_195 : i32
    %scan3A_197 = arith.constant 1 : i32
    scf.for %scan3A_217 = %scan3A_194 to %scan3A_196 step %scan3A_197  : i32 {
      %get3A = arith.index_cast %scan3A_217 : i32 to index
      %get3A_218 = arith.constant 0 : index
      %get3A_219 = tpu.vector_load %arg9[%get3A, %get3A_218] {strides = array<i32>} : memref<128x32xf32, #tpu.memory_space<vmem>>, vector<16xf32>,
      %get3A_220 = arith.index_cast %scan3A_217 : i32 to index
      %get3A_221 = arith.constant 16 : index
      %get3A_222 = tpu.vector_load %arg9[%get3A_220, %get3A_221] {strides = array<i32>} : memref<128x32xf32, #tpu.memory_space<vmem>>, vector<16xf32>,
      %sub3A = arith.constant 0 : i32
      %sub3A_223 = arith.subi %scan3A_217, %sub3A : i32
      %mul3A_224 = arith.constant 128 : i32
      %mul3A_225 = arith.muli %sub3A_223, %mul3A_224 : i32
      %add3A_226 = arith.constant 0 : i32
      %add3A_227 = arith.addi %mul3A_225, %add3A_226 : i32
      %get3A_228 = arith.constant 1 : i32
      %get3A_229 = arith.index_cast %get3A_228 : i32 to index
      %get3A_230 = arith.index_cast %add3A_227 : i32 to index
      %get3A_231 = tpu.vector_load %arg8[%get3A_229, %get3A_230] {strides = array<i32>} : memref<3x16384xf32, #tpu.memory_space<vmem>>, vector<16xf32>,
      %add3A_232 = arith.addf %get3A_219, %get3A_231 : vector<16xf32>
      %add3A_233 = arith.constant 16 : i32
      %add3A_234 = arith.addi %add3A_227, %add3A_233 : i32
      %get3A_235 = arith.constant 1 : i32
      %get3A_236 = arith.index_cast %get3A_235 : i32 to index
      %get3A_237 = arith.index_cast %add3A_234 : i32 to index
      %get3A_238 = tpu.vector_load %arg8[%get3A_236, %get3A_237] {strides = array<i32>} : memref<3x16384xf32, #tpu.memory_space<vmem>>, vector<16xf32>,
      %add3A_239 = arith.addf %get3A_222, %get3A_238 : vector<16xf32>
      %sub3A_240 = arith.constant 0 : i32
      %sub3A_241 = arith.subi %scan3A_217, %sub3A_240 : i32
      %mul3A_242 = arith.constant 128 : i32
      %mul3A_243 = arith.muli %sub3A_241, %mul3A_242 : i32
      %add3A_244 = arith.constant 32 : i32
      %add3A_245 = arith.addi %mul3A_243, %add3A_244 : i32
      %get3A_246 = arith.constant 1 : i32
      %get3A_247 = arith.index_cast %get3A_246 : i32 to index
      %get3A_248 = arith.index_cast %add3A_245 : i32 to index
      %get3A_249 = tpu.vector_load %arg8[%get3A_247, %get3A_248] {strides = array<i32>} : memref<3x16384xf32, #tpu.memory_space<vmem>>, vector<16xf32>,
      %add3A_250 = arith.addf %add3A_232, %get3A_249 : vector<16xf32>
      %add3A_251 = arith.constant 16 : i32
      %add3A_252 = arith.addi %add3A_245, %add3A_251 : i32
      %get3A_253 = arith.constant 1 : i32
      %get3A_254 = arith.index_cast %get3A_253 : i32 to index
      %get3A_255 = arith.index_cast %add3A_252 : i32 to index
      %get3A_256 = tpu.vector_load %arg8[%get3A_254, %get3A_255] {strides = array<i32>} : memref<3x16384xf32, #tpu.memory_space<vmem>>, vector<16xf32>,
      %add3A_257 = arith.addf %add3A_239, %get3A_256 : vector<16xf32>
      %sub3A_258 = arith.constant 0 : i32
      %sub3A_259 = arith.subi %scan3A_217, %sub3A_258 : i32
      %mul3A_260 = arith.constant 128 : i32
      %mul3A_261 = arith.muli %sub3A_259, %mul3A_260 : i32
      %add3A_262 = arith.constant 64 : i32
      %add3A_263 = arith.addi %mul3A_261, %add3A_262 : i32
      %get3A_264 = arith.constant 1 : i32
      %get3A_265 = arith.index_cast %get3A_264 : i32 to index
      %get3A_266 = arith.index_cast %add3A_263 : i32 to index
      %get3A_267 = tpu.vector_load %arg8[%get3A_265, %get3A_266] {strides = array<i32>} : memref<3x16384xf32, #tpu.memory_space<vmem>>, vector<16xf32>,
      %add3A_268 = arith.addf %add3A_250, %get3A_267 : vector<16xf32>
      %add3A_269 = arith.constant 16 : i32
      %add3A_270 = arith.addi %add3A_263, %add3A_269 : i32
      %get3A_271 = arith.constant 1 : i32
      %get3A_272 = arith.index_cast %get3A_271 : i32 to index
      %get3A_273 = arith.index_cast %add3A_270 : i32 to index
      %get3A_274 = tpu.vector_load %arg8[%get3A_272, %get3A_273] {strides = array<i32>} : memref<3x16384xf32, #tpu.memory_space<vmem>>, vector<16xf32>,
      %add3A_275 = arith.addf %add3A_257, %get3A_274 : vector<16xf32>
      %sub3A_276 = arith.constant 0 : i32
      %sub3A_277 = arith.subi %scan3A_217, %sub3A_276 : i32
      %mul3A_278 = arith.constant 128 : i32
      %mul3A_279 = arith.muli %sub3A_277, %mul3A_278 : i32
      %add3A_280 = arith.constant 96 : i32
      %add3A_281 = arith.addi %mul3A_279, %add3A_280 : i32
      %get3A_282 = arith.constant 1 : i32
      %get3A_283 = arith.index_cast %get3A_282 : i32 to index
      %get3A_284 = arith.index_cast %add3A_281 : i32 to index
      %get3A_285 = tpu.vector_load %arg8[%get3A_283, %get3A_284] {strides = array<i32>} : memref<3x16384xf32, #tpu.memory_space<vmem>>, vector<16xf32>,
      %add3A_286 = arith.addf %add3A_268, %get3A_285 : vector<16xf32>
      %add3A_287 = arith.constant 16 : i32
      %add3A_288 = arith.addi %add3A_281, %add3A_287 : i32
      %get3A_289 = arith.constant 1 : i32
      %get3A_290 = arith.index_cast %get3A_289 : i32 to index
      %get3A_291 = arith.index_cast %add3A_288 : i32 to index
      %get3A_292 = tpu.vector_load %arg8[%get3A_290, %get3A_291] {strides = array<i32>} : memref<3x16384xf32, #tpu.memory_space<vmem>>, vector<16xf32>,
      %add3A_293 = arith.addf %add3A_275, %get3A_292 : vector<16xf32>
      %swap3A = arith.index_cast %scan3A_217 : i32 to index
      %swap3A_294 = arith.constant 0 : index
      %swap3A_295 = tpu.vector_load %arg9[%swap3A, %swap3A_294] {strides = array<i32>} : memref<128x32xf32, #tpu.memory_space<vmem>>, vector<16xf32>,
      tpu.vector_store %arg9[%swap3A, %swap3A_294], %add3A_286 {strides = array<i32>} : memref<128x32xf32, #tpu.memory_space<vmem>>, vector<16xf32>,
      %swap3A_296 = arith.index_cast %scan3A_217 : i32 to index
      %swap3A_297 = arith.constant 16 : index
      %swap3A_298 = tpu.vector_load %arg9[%swap3A_296, %swap3A_297] {strides = array<i32>} : memref<128x32xf32, #tpu.memory_space<vmem>>, vector<16xf32>,
      tpu.vector_store %arg9[%swap3A_296, %swap3A_297], %add3A_293 {strides = array<i32>} : memref<128x32xf32, #tpu.memory_space<vmem>>, vector<16xf32>,
    }
    %scan3A_198 = arith.constant 64 : i32
    %dma_wait3A_199 = arith.constant 2 : i32
    %dma_wait3A_200 = arith.constant 2 : i32
    %dma_wait3A_201 = arith.constant 0 : i32
    %dma_wait3A_202 = tpu.memref_slice %arg8[%dma_wait3A_200, %dma_wait3A_201] : memref<3x16384xf32, #tpu.memory_space<vmem>> -> memref<1x8192xf32, #tpu.memory_space<vmem>>
    %dma_wait3A_203 = tpu.memref_squeeze %dma_wait3A_202 : memref<1x8192xf32, #tpu.memory_space<vmem>> -> memref<8192xf32, #tpu.memory_space<vmem>>
    %dma_wait3A_204 = arith.constant 0 : i32
    %dma_wait3A_205 = tpu.memref_slice %arg7[%dma_wait3A_199, %dma_wait3A_204] : memref<3x16384xi32, #tpu.memory_space<vmem>> -> memref<1x8192xi32, #tpu.memory_space<vmem>>
    %dma_wait3A_206 = tpu.memref_squeeze %dma_wait3A_205 : memref<1x8192xi32, #tpu.memory_space<vmem>> -> memref<8192xi32, #tpu.memory_space<vmem>>
    %dma_wait3A_207 = arith.constant 0 : i32
    %dma_wait3A_208 = tpu.memref_slice %arg3[%dma_wait3A_207] : memref<33554432xf32, #tpu.memory_space<hbm>> -> memref<33554432xf32, #tpu.memory_space<hbm>>
    tpu.wait_indirect_dma semaphore(%arg11 : memref<!tpu.dma_semaphore, #tpu.memory_space<semaphore_mem>>) src(%dma_wait3A_208 : memref<33554432xf32, #tpu.memory_space<hbm>>) dst(%dma_wait3A_203 : memref<8192xf32, #tpu.memory_space<vmem>>)
    %scan3A_209 = arith.constant 0 : i32
    %scan3A_210 = arith.constant 64 : i32
    %scan3A_211 = arith.constant 64 : i32
    %scan3A_212 = arith.addi %scan3A_210, %scan3A_211 : i32
    %scan3A_213 = arith.constant 1 : i32
    scf.for %scan3A_217 = %scan3A_210 to %scan3A_212 step %scan3A_213  : i32 {
      %get3A = arith.index_cast %scan3A_217 : i32 to index
      %get3A_218 = arith.constant 0 : index
      %get3A_219 = tpu.vector_load %arg9[%get3A, %get3A_218] {strides = array<i32>} : memref<128x32xf32, #tpu.memory_space<vmem>>, vector<16xf32>,
      %get3A_220 = arith.index_cast %scan3A_217 : i32 to index
      %get3A_221 = arith.constant 16 : index
      %get3A_222 = tpu.vector_load %arg9[%get3A_220, %get3A_221] {strides = array<i32>} : memref<128x32xf32, #tpu.memory_space<vmem>>, vector<16xf32>,
      %sub3A = arith.constant 64 : i32
      %sub3A_223 = arith.subi %scan3A_217, %sub3A : i32
      %mul3A_224 = arith.constant 128 : i32
      %mul3A_225 = arith.muli %sub3A_223, %mul3A_224 : i32
      %add3A_226 = arith.constant 0 : i32
      %add3A_227 = arith.addi %mul3A_225, %add3A_226 : i32
      %get3A_228 = arith.constant 2 : i32
      %get3A_229 = arith.index_cast %get3A_228 : i32 to index
      %get3A_230 = arith.index_cast %add3A_227 : i32 to index
      %get3A_231 = tpu.vector_load %arg8[%get3A_229, %get3A_230] {strides = array<i32>} : memref<3x16384xf32, #tpu.memory_space<vmem>>, vector<16xf32>,
      %add3A_232 = arith.addf %get3A_219, %get3A_231 : vector<16xf32>
      %add3A_233 = arith.constant 16 : i32
      %add3A_234 = arith.addi %add3A_227, %add3A_233 : i32
      %get3A_235 = arith.constant 2 : i32
      %get3A_236 = arith.index_cast %get3A_235 : i32 to index
      %get3A_237 = arith.index_cast %add3A_234 : i32 to index
      %get3A_238 = tpu.vector_load %arg8[%get3A_236, %get3A_237] {strides = array<i32>} : memref<3x16384xf32, #tpu.memory_space<vmem>>, vector<16xf32>,
      %add3A_239 = arith.addf %get3A_222, %get3A_238 : vector<16xf32>
      %sub3A_240 = arith.constant 64 : i32
      %sub3A_241 = arith.subi %scan3A_217, %sub3A_240 : i32
      %mul3A_242 = arith.constant 128 : i32
      %mul3A_243 = arith.muli %sub3A_241, %mul3A_242 : i32
      %add3A_244 = arith.constant 32 : i32
      %add3A_245 = arith.addi %mul3A_243, %add3A_244 : i32
      %get3A_246 = arith.constant 2 : i32
      %get3A_247 = arith.index_cast %get3A_246 : i32 to index
      %get3A_248 = arith.index_cast %add3A_245 : i32 to index
      %get3A_249 = tpu.vector_load %arg8[%get3A_247, %get3A_248] {strides = array<i32>} : memref<3x16384xf32, #tpu.memory_space<vmem>>, vector<16xf32>,
      %add3A_250 = arith.addf %add3A_232, %get3A_249 : vector<16xf32>
      %add3A_251 = arith.constant 16 : i32
      %add3A_252 = arith.addi %add3A_245, %add3A_251 : i32
      %get3A_253 = arith.constant 2 : i32
      %get3A_254 = arith.index_cast %get3A_253 : i32 to index
      %get3A_255 = arith.index_cast %add3A_252 : i32 to index
      %get3A_256 = tpu.vector_load %arg8[%get3A_254, %get3A_255] {strides = array<i32>} : memref<3x16384xf32, #tpu.memory_space<vmem>>, vector<16xf32>,
      %add3A_257 = arith.addf %add3A_239, %get3A_256 : vector<16xf32>
      %sub3A_258 = arith.constant 64 : i32
      %sub3A_259 = arith.subi %scan3A_217, %sub3A_258 : i32
      %mul3A_260 = arith.constant 128 : i32
      %mul3A_261 = arith.muli %sub3A_259, %mul3A_260 : i32
      %add3A_262 = arith.constant 64 : i32
      %add3A_263 = arith.addi %mul3A_261, %add3A_262 : i32
      %get3A_264 = arith.constant 2 : i32
      %get3A_265 = arith.index_cast %get3A_264 : i32 to index
      %get3A_266 = arith.index_cast %add3A_263 : i32 to index
      %get3A_267 = tpu.vector_load %arg8[%get3A_265, %get3A_266] {strides = array<i32>} : memref<3x16384xf32, #tpu.memory_space<vmem>>, vector<16xf32>,
      %add3A_268 = arith.addf %add3A_250, %get3A_267 : vector<16xf32>
      %add3A_269 = arith.constant 16 : i32
      %add3A_270 = arith.addi %add3A_263, %add3A_269 : i32
      %get3A_271 = arith.constant 2 : i32
      %get3A_272 = arith.index_cast %get3A_271 : i32 to index
      %get3A_273 = arith.index_cast %add3A_270 : i32 to index
      %get3A_274 = tpu.vector_load %arg8[%get3A_272, %get3A_273] {strides = array<i32>} : memref<3x16384xf32, #tpu.memory_space<vmem>>, vector<16xf32>,
      %add3A_275 = arith.addf %add3A_257, %get3A_274 : vector<16xf32>
      %sub3A_276 = arith.constant 64 : i32
      %sub3A_277 = arith.subi %scan3A_217, %sub3A_276 : i32
      %mul3A_278 = arith.constant 128 : i32
      %mul3A_279 = arith.muli %sub3A_277, %mul3A_278 : i32
      %add3A_280 = arith.constant 96 : i32
      %add3A_281 = arith.addi %mul3A_279, %add3A_280 : i32
      %get3A_282 = arith.constant 2 : i32
      %get3A_283 = arith.index_cast %get3A_282 : i32 to index
      %get3A_284 = arith.index_cast %add3A_281 : i32 to index
      %get3A_285 = tpu.vector_load %arg8[%get3A_283, %get3A_284] {strides = array<i32>} : memref<3x16384xf32, #tpu.memory_space<vmem>>, vector<16xf32>,
      %add3A_286 = arith.addf %add3A_268, %get3A_285 : vector<16xf32>
      %add3A_287 = arith.constant 16 : i32
      %add3A_288 = arith.addi %add3A_281, %add3A_287 : i32
      %get3A_289 = arith.constant 2 : i32
      %get3A_290 = arith.index_cast %get3A_289 : i32 to index
      %get3A_291 = arith.index_cast %add3A_288 : i32 to index
      %get3A_292 = tpu.vector_load %arg8[%get3A_290, %get3A_291] {strides = array<i32>} : memref<3x16384xf32, #tpu.memory_space<vmem>>, vector<16xf32>,
      %add3A_293 = arith.addf %add3A_275, %get3A_292 : vector<16xf32>
      %swap3A = arith.index_cast %scan3A_217 : i32 to index
      %swap3A_294 = arith.constant 0 : index
      %swap3A_295 = tpu.vector_load %arg9[%swap3A, %swap3A_294] {strides = array<i32>} : memref<128x32xf32, #tpu.memory_space<vmem>>, vector<16xf32>,
      tpu.vector_store %arg9[%swap3A, %swap3A_294], %add3A_286 {strides = array<i32>} : memref<128x32xf32, #tpu.memory_space<vmem>>, vector<16xf32>,
      %swap3A_296 = arith.index_cast %scan3A_217 : i32 to index
      %swap3A_297 = arith.constant 16 : index
      %swap3A_298 = tpu.vector_load %arg9[%swap3A_296, %swap3A_297] {strides = array<i32>} : memref<128x32xf32, #tpu.memory_space<vmem>>, vector<16xf32>,
      tpu.vector_store %arg9[%swap3A_296, %swap3A_297], %add3A_293 {strides = array<i32>} : memref<128x32xf32, #tpu.memory_space<vmem>>, vector<16xf32>,
    }
    %scan3A_214 = arith.constant 64 : i32
    %mul3A_215 = arith.constant 128 : i32
    %mul3A_216 = arith.muli %add3A, %mul3A_215 : i32
    "tpu.region"() ({
      %run_scoped3A = tpu.sem_alloc : memref<!tpu.dma_semaphore, #tpu.memory_space<semaphore_mem>>
      %dma_start3A_217 = arith.constant 0 : i32
      %dma_start3A_218 = tpu.memref_slice %arg5[%mul3A_216, %dma_start3A_217] : memref<4096x32xf32, #tpu.memory_space<hbm>> -> memref<128x32xf32, #tpu.memory_space<hbm>>
      %dma_start3A_219 = arith.constant 0 : i32
      %dma_start3A_220 = tpu.memref_slice %arg5[%mul3A_216, %dma_start3A_219] : memref<4096x32xf32, #tpu.memory_space<hbm>> -> memref<128x32xf32, #tpu.memory_space<hbm>>
      tpu.enqueue_dma source(%arg9 : memref<128x32xf32, #tpu.memory_space<vmem>>) target(%dma_start3A_220 : memref<128x32xf32, #tpu.memory_space<hbm>>) target_semaphore(%run_scoped3A : memref<!tpu.dma_semaphore, #tpu.memory_space<semaphore_mem>>)
      %dma_wait3A_221 = arith.constant 0 : i32
      %dma_wait3A_222 = tpu.memref_slice %arg5[%mul3A_216, %dma_wait3A_221] : memref<4096x32xf32, #tpu.memory_space<hbm>> -> memref<128x32xf32, #tpu.memory_space<hbm>>
      %dma_wait3A_223 = arith.constant 0 : i32
      %dma_wait3A_224 = tpu.memref_slice %arg5[%mul3A_216, %dma_wait3A_223] : memref<4096x32xf32, #tpu.memory_space<hbm>> -> memref<128x32xf32, #tpu.memory_space<hbm>>
      tpu.wait_dma2 semaphore(%run_scoped3A : memref<!tpu.dma_semaphore, #tpu.memory_space<semaphore_mem>>) src(%arg9 : memref<128x32xf32, #tpu.memory_space<vmem>>) dst(%dma_wait3A_224 : memref<128x32xf32, #tpu.memory_space<hbm>>)
      tpu.yield
    }) : () -> ()
    return
  }
}

module attributes {stable_mosaic.version = 14 : i64} {
  func.func @_idx_body(%arg0: i32, %arg1: memref<1024x256xf32, #tpu.memory_space<vmem>>, %arg2: memref<256x128xf32, #tpu.memory_space<vmem>>, %arg3: memref<1024x128xi32, #tpu.memory_space<vmem>>) attributes {dimension_semantics = [#tpu.dimension_semantics<arbitrary>], iteration_bounds = array<i64: 4>, scalar_prefetch = 0 : i64, scratch_operands = 0 : i64, tpu.core_type = #tpu.core_type<tc>, window_params = [{transform_indices = @transform_0, window_bounds = array<i64: 1024, 256>}, {pipeline_mode = #tpu.pipeline_mode<synchronous>, transform_indices = @transform_1, window_bounds = array<i64: 256, 128>}, {transform_indices = @transform_2, window_bounds = array<i64: 1024, 128>}]} {
    %get3A = arith.constant 0 : index
    %get3A_0 = arith.constant 0 : index
    %get3A_1 = vector.load %arg1[%get3A, %get3A_0] : memref<1024x256xf32, #tpu.memory_space<vmem>>, vector<1024x256xf32>
    %get3A_2 = arith.constant 0 : index
    %get3A_3 = arith.constant 0 : index
    %get3A_4 = vector.load %arg2[%get3A_2, %get3A_3] : memref<256x128xf32, #tpu.memory_space<vmem>>, vector<256x128xf32>
    %dot_general3A = arith.constant dense<0.000000e+00> : vector<1024x128xf32>
    %dot_general3A_5 = tpu.matmul %get3A_1, %get3A_4, %dot_general3A {dimension_numbers = #tpu.dot_dimension_numbers<[1], [0], [0], [1], [0, 0, 1, 1], [], []>, transpose_lhs_hint = false} : vector<1024x256xf32>, vector<256x128xf32>, vector<1024x128xf32> -> vector<1024x128xf32>
    %convert_element_type3A = arith.fptosi %dot_general3A_5 : vector<1024x128xf32> to vector<1024x128xi32>
    %swap3A = arith.constant 0 : index
    %swap3A_6 = arith.constant 0 : index
    %swap3A_7 = vector.load %arg3[%swap3A, %swap3A_6] : memref<1024x128xi32, #tpu.memory_space<vmem>>, vector<1024x128xi32>
    tpu.vector_store %arg3[%swap3A, %swap3A_6], %convert_element_type3A {strides = array<i32>} : memref<1024x128xi32, #tpu.memory_space<vmem>>, vector<1024x128xi32>,
    return
  }
  func.func @transform_0(%arg0: i32) -> (i32, i32) {
    %c0_i32 = arith.constant 0 : i32
    %c0_i32_0 = arith.constant 0 : i32
    return %arg0, %c0_i32 : i32, i32
  }
  func.func @transform_1(%arg0: i32) -> (i32, i32) {
    %c0_i32 = arith.constant 0 : i32
    %c0_i32_0 = arith.constant 0 : i32
    %c0_i32_1 = arith.constant 0 : i32
    return %c0_i32, %c0_i32_0 : i32, i32
  }
  func.func @transform_2(%arg0: i32) -> (i32, i32) {
    %c0_i32 = arith.constant 0 : i32
    %c0_i32_0 = arith.constant 0 : i32
    return %arg0, %c0_i32 : i32, i32
  }
}

</mosaic_0001>

<sc_bundles>
// kernel: kernel.4.cloned.1.call-start
scs
__scs_entry_jumppad:
0x0: {  	(pc) =	sbr.rel $0x88, $3  }
0x1: {  	(tag) =	ssettag $0x0;
	lr =	simm.s32 $0x1  }
0x2: {  	[smem:$0x3F9E] =	sst lr;
	_ =	strace $0xD0000000  }
0x3: {  	_ = 	snop  }
0x4: {  	_ = 	snop  }
0x5: {  	_ = 	snop  }
0x6: {  	_ = 	snop  }
0x7: {  	_ = 	snop  }
__scs_overlays_trampoline_lowered:
0x8: {  	[smem:$0x3FAD] =	sst s0  }
0x9: {  	[smem:$0x3FAE] =	sst s1  }
0xa: {  	[smem:$0x3FAF] =	sst s2  }
0xb: {  	[smem:$0x3FB0] =	sst s3  }
0xc: {  	[smem:$0x3FB1] =	sst s4  }
0xd: {  	[smem:$0x3FB2] =	sst s5  }
0xe: {  	[smem:$0x3FB3] =	sst s6  }
0xf: {  	[smem:$0x3FB4] =	sst s7  }
0x10: {  	[smem:$0x3FB5] =	sst s8  }
0x11: {  	[smem:$0x3FB6] =	sst s9;
	s0 =	simm.s32 @!p0 $0x0  }
0x12: {  	s1 =	sld [smem:$0x3F9C];
	s0 =	simm.s32 @p0 $0x1  }
0x13: {  	[smem:$0x3FB7] =	sst s0;
	s0 =	simm.s32 @!p1 $0x0  }
0x14: {  	s2 =	sld [smem:$0x3F9B];
	s0 =	simm.s32 @p1 $0x1  }
0x15: {  	[smem:$0x3FB8] =	sst s0;
	s0 =	simm.s32 @!p2 $0x0  }
0x16: {  	s3 =	sld [smem:$0x3FDB];
	s0 =	simm.s32 @p2 $0x1  }
0x17: {  	s4 =	simm.s32 $0x1BF5;
	[smem:$0x3FBA] =	sst s0  }
0x18: {  	s0 =	sld [smem:$0x3F9D];
	_ =	swait.ge [sflag:s4], $0x0  }
0x19: {  	s7 =	sld [smem:$0x3F9E]  }
0x1a: {  	s8 =	sadd.s32 $0xFFFFE003, lr  }
0x1b: {  	s9 =	sadd.s32 $0xFFFFFEF7, lr;
	s5 =	simm.s32 $0xFFFFFFFF;
	p2 =	slt.u32 s8, $0xFFFFF086  }
0x1c: {  	p1 =	slt.u32 s9, $0xF7A;
	s5 =	simm.s32 @!p2 $0x0  }
0x1d: {  	s5 =	simm.s32 @p1 $0x1;
	p0 =	seq.s32 s7, s2  }
0x1e: {  	s7 =	smul.u32 @!p0 $0xF7A, s2;
	p2 =	seq.s32 @!p0 s5, $0x0  }
0x1f: {  	s9 =	smul.u32 $0xF7A, s1;
	s8 =	simm.s32 @!p0 $0x1BF5;
	p2 =	por !p2, p0  }
0x20: {  	[sflag:s8] =	ssyncset.s32 @!p0 $0xFFFFF086;
	s6 =	sadd.s32 @!p0 s3, s7;
	s7 =	simm.s32 @!p0 $0x108  }
0x21: {  	s3 =	sadd.s32 s3, s9;
	s6 =	sadd.s32 @!p0 $0x88, s6;
	s7 =	simm.s32 @p2 $0x1082  }
0x22: {  	[simem:s7], [sflag:s8] =	dma.local @!p0 [hbm:s6], $0xF7A  }
0x23: {  	s9 =	sor.u32 $0xD0000000, s2;
	s6 =	simm.s32 $0x108;
	_ =	swait.ge @!p0 [sflag:s8], $0x0  }
0x24: {  	s3 =	sadd.s32 $0x88, s3;
	s6 =	simm.s32 @!p1 $0x1082;
	[sflag:s4] =	ssyncset.s32 $0xFFFFF086  }
0x25: {  	[simem:s6], [sflag:s4] =	dma.local [hbm:s3], $0xF7A  }
0x26: {  	[smem:$0x3F9E] =	sst s1;
	(tag) =	ssettag s2;
	_ =	strace s9  }
0x27: {  	s1 =	sld [smem:$0x3FAE]  }
0x28: {  	s2 =	sld [smem:$0x3FAF]  }
0x29: {  	s4 =	sld [smem:$0x3FB1]  }
0x2a: {  	p0 =	seq.s32 s5, $0x0;
	s5 =	sld [smem:$0x3FB2]  }
0x2b: {  	s6 =	sld [smem:$0x3FB3]  }
0x2c: {  	s7 =	sld [smem:$0x3FB4]  }
0x2d: {  	s3 =	simm.s32 $0x108;
	s8 =	sld [smem:$0x3FB5]  }
0x2e: {  	s3 =	simm.s32 @!p0 $0x1082;
	s9 =	sld [smem:$0x3FB6]  }
0x2f: {  	lr =	sadd.s32 s0, s3;
	s0 =	sld [smem:$0x3FAD]  }
0x30: {  	s3 =	sld [smem:$0x3FB0]  }
0x31: {  	[smem:$0x3FB9] =	sst s10  }
0x32: {  	s10 =	sld [smem:$0x3FB7];
	_ =	sdelay $0x3  }
0x33: {  	p0 =	seq.s32 s10, $0x1;
	s10 =	sld [smem:$0x3FB9];
	_ =	sdelay $0x3  }
0x34: {  	[smem:$0x3FB9] =	sst s10  }
0x35: {  	s10 =	sld [smem:$0x3FB8];
	_ =	sdelay $0x3  }
0x36: {  	p1 =	seq.s32 s10, $0x1;
	s10 =	sld [smem:$0x3FB9];
	_ =	sdelay $0x3  }
0x37: {  	[smem:$0x3FB9] =	sst s10  }
0x38: {  	s10 =	sld [smem:$0x3FBA]  }
0x39: {  	_ = 	snop;
	(pc) =	sbr.ind lr, $3  }
0x3a: {  	_ = 	snop  }
0x3b: {  	_ = 	snop  }
0x3c: {  	p2 =	seq.s32 s10, $0x1;
	s10 =	sld [smem:$0x3FB9]  }
0x3d: {  	_ =	shalt  }
0x3e: {  	_ =	shalt  }
0x3f: {  	_ =	shalt  }
0x40: {  	_ =	shalt  }
0x41: {  	_ =	shalt  }
0x42: {  	_ =	shalt  }
0x43: {  	_ =	shalt  }
0x44: {  	_ =	shalt  }
0x45: {  	_ =	shalt  }
0x46: {  	_ =	shalt  }
0x47: {  	_ =	shalt  }
0x48: {  	_ =	shalt  }
0x49: {  	_ =	shalt  }
0x4a: {  	_ =	shalt  }
0x4b: {  	_ =	shalt  }
0x4c: {  	_ =	shalt  }
0x4d: {  	_ =	shalt  }
0x4e: {  	_ =	shalt  }
0x4f: {  	_ =	shalt  }
0x50: {  	_ =	shalt  }
0x51: {  	_ =	shalt  }
0x52: {  	_ =	shalt  }
0x53: {  	_ =	shalt  }
0x54: {  	_ =	shalt  }
0x55: {  	_ =	shalt  }
0x56: {  	_ =	shalt  }
0x57: {  	_ =	shalt  }
0x58: {  	_ =	shalt  }
0x59: {  	_ =	shalt  }
0x5a: {  	_ =	shalt  }
0x5b: {  	_ =	shalt  }
0x5c: {  	_ =	shalt  }
0x5d: {  	_ =	shalt  }
0x5e: {  	_ =	shalt  }
0x5f: {  	_ =	shalt  }
0x60: {  	_ =	shalt  }
0x61: {  	_ =	shalt  }
0x62: {  	_ =	shalt  }
0x63: {  	_ =	shalt  }
0x64: {  	_ =	shalt  }
0x65: {  	_ =	shalt  }
0x66: {  	_ =	shalt  }
0x67: {  	_ =	shalt  }
0x68: {  	_ =	shalt  }
0x69: {  	_ =	shalt  }
0x6a: {  	_ =	shalt  }
0x6b: {  	_ =	shalt  }
0x6c: {  	_ =	shalt  }
0x6d: {  	_ =	shalt  }
0x6e: {  	_ =	shalt  }
0x6f: {  	_ =	shalt  }
0x70: {  	_ =	shalt  }
0x71: {  	_ =	shalt  }
0x72: {  	_ =	shalt  }
0x73: {  	_ =	shalt  }
0x74: {  	_ =	shalt  }
0x75: {  	_ =	shalt  }
0x76: {  	_ =	shalt  }
0x77: {  	_ =	shalt  }
0x78: {  	_ =	shalt  }
0x79: {  	_ =	shalt  }
0x7a: {  	_ =	shalt  }
0x7b: {  	_ =	shalt  }
0x7c: {  	_ =	shalt  }
0x7d: {  	_ =	shalt  }
0x7e: {  	_ =	shalt  }
0x7f: {  	_ =	shalt  }
0x80: {  	_ =	shalt  }
0x81: {  	_ =	shalt  }
0x82: {  	_ =	shalt  }
0x83: {  	_ =	shalt  }
0x84: {  	_ =	shalt  }
0x85: {  	_ =	shalt  }
0x86: {  	_ =	shalt  }
0x87: {  	_ =	shalt  }
.Lfunc_end0:
.L_simem_size_0:
called_computation_lowered:
.L_overlay_start_0:
0x88: {  	s2 =	sld [smem:$0x3FD9]  }
0x89: {  	s3 =	sld [smem:$0x3FFE];
	_ =	sdelay $0x1  }
0x8a: {  	s1 =	srdreg.scid  }
0x8b: {  	s0 =	sand.u32 $0x1, s1  }
0x8c: {  	s17 =	sshll.u32 s0, $0xA;
	s2 =	sadd.s32 s3, s2  }
0x8d: {  	s2 =	sadd.s32 s2, s17  }
0x8e: {  	[smem:$0x3FC5] =	sst s2  }
0x8f: {  	_ = 	snop  }
0x90: {  	s2 =	sld [smem:$0x3FC8]  }
0x91: {  	s18 =	sld [smem:$0x3FC7]  }
0x92: {  	s4 =	sld [smem:$0x3FD0];
	(tm) =	ssettm $0x1  }
0x93: {  	s5 =	sld [smem:$0x3FFB];
	_ =	sdelay $0x3  }
0x94: {  	_ =	strace s5  }
0x95: {  	s5 =	sld [smem:$0x3FFC];
	_ =	sdelay $0x3  }
0x96: {  	_ =	strace s5  }
0x97: {  	s5 =	sld [smem:$0x3FFD];
	_ =	sdelay $0x3  }
0x98: {  	_ =	strace s5  }
0x99: {  	_ =	strace $0x8FFFFFFF  }
0x9a: {  	s19 =	sld [smem:$0x3FDB];
	_ =	sdelay $0x1  }
0x9b: {  	s6 =	simm.s32 $_scs_section_size  }
0x9c: {  	s7 =	simm.s32 $_size__tile_overlayer_lowered;
	s8 =	simm.s32 $_tile_overlayer_lowered  }
0x9d: {  	s22 =	simm.s32 $0x1BFF;
	s21 =	sshll.u32 s8, $0x1;
	s5 =	sadd.s32 s6, s19  }
0x9e: {  	s9 =	simm.s32 $0x0;
	s20 =	sshll.u32 s7, $0x1;
	s7 =	sadd.s32 s21, s5  }
0x9f: {  	[timem:s9], [sflag:s22] =	dma.local [hbm:s7], s20  }
0xa0: {  	_ =	swait.ge [sflag:s22], s20  }
0xa1: {  	s6 =	ssub.s32 $0x0, s20;
	[sflag:s22] =	ssyncset.done $0x0  }
0xa2: {  	[sflag:s22] =	ssyncadd.s32 s6;
	_ =	sdelay $0x1  }
0xa3: {  	s23 =	simm.s32 $0x1B8B  }
0xa4: {  	_ =	swait.ge [sflag:s23], $0x1  }
0xa5: {  	[sflag:s23] =	ssyncset.done $0x0  }
0xa6: {  	s25 =	simm.s32 $0x1B8E;
	s24 =	sld [smem:$0x3FFE];
	[sflag:s23] =	ssyncadd.s32 $0xFFFFFFFF  }
0xa7: {  	s26 =	simm.s32 $execute0_lowered;
	[smem:$0x3FD2] =	sst s25  }
0xa8: {  	s7 =	sshll.u32 s26, $0x1;
	_ =	strace $0x80000046;
	[dreg:$0x1] =	wrdreg $0xFFFFFFFF  }
0xa9: {  	s28 =	simm.s32 $_size_execute0_lowered;
	s5 =	sadd.s32 s5, s7;
	[dreg:$0x0] =	wrdreg $0x0  }
0xaa: {  	s7 =	sshll.u32 s28, $0x1;
	[dreg:$0x2] =	wrdreg s5  }
0xab: {  	[dreg:$0x3] =	wrdreg s7  }
0xac: {  	[dreg:$0x4] =	wrdreg $0xC0  }
0xad: {  	_ =	task [dreg:s9], $0x5FFFF  }
0xae: {  	[dreg:$0x1] =	wrdreg $0xFFFFFFFF  }
0xaf: {  	[dreg:$0x0] =	wrdreg $0x60  }
0xb0: {  	[dreg:$0x2] =	wrdreg s24  }
0xb1: {  	[dreg:$0x3] =	wrdreg s2  }
0xb2: {  	[dreg:$0x4] =	wrdreg s18  }
0xb3: {  	[dreg:$0x5] =	wrdreg s4  }
0xb4: {  	[dreg:$0x6] =	wrdreg $0x9  }
0xb5: {  	_ =	task.clear_ibuf [dreg:s9], $0x7FFFF;
	_ =	strace $0x90000046  }
0xb6: {  	s29 =	simm.s32 $0x9;
	_ =	strace $0x80000048  }
0xb7: {  	_ =	swait.ge [sflag:s29], $0x1  }
0xb8: {  	[sflag:s29] =	ssyncadd.s32 $0xFFFFFFFF  }
0xb9: {  	_ =	strace $0x90000048  }
0xba: {  	_ =	sfence  }
0xbb: {  	s30 =	sld [smem:$0x0];
	_ =	sdelay $0x2  }
0xbc: {  	s31 =	sshll.u32 s1, $0xD;
	s1 =	sshrl.u32 s1, $0x2  }
0xbd: {  	s3 =	sand.u32 $0x4000, s31;
	s1 =	sadd.s32 s1, s30  }
0xbe: {  	s0 =	sor.u32 s3, s0;
	s1 =	sshll.u32 s1, $0x11  }
0xbf: {  	s0 =	sor.u32 s1, s0  }
0xc0: {  	s0 =	sadd.s32 $0x8F2B, s0  }
0xc1: {  	[sflag:s0] =	ssyncadd.remote.s32 $0x1  }
0xc2: {  	_ =	sfence.sel $0xFFFF  }
0xc3: {  	[dreg:$0x0] =	wrdreg $0xFFFFFFFF;
	(pc) =	sbr.abs _section_cstart, $3  }
0xc4: {  	[dreg:$0x1] =	wrdreg $0xFFFFFFFF  }
0xc5: {  	_ =	task.clear_ibuf [dreg:s9], $0x2FFFF;
	_ =	strace $0x9FFFFFFF  }
0xc6: {  	(tm) =	ssettm $0x7FFFFFFF  }
0xc7: {  	_ =	shalt  }
tec
execute0_lowered:
.L_overlay_start_1:
0x0: {  	(tag) =	ssettag $0x1  }
0x1: {  	vm7 =	vcmask $0x300  }
0x2: {  	v0 =	vimm.s32 $0x0;
	v1 =	vimm.s32 $0x180380;
	v2 =	vimm.s32 $0x80380  }
0x3: {  	vm9 =	vcmask $0x704;
	vm10 =	vcmask $0xB08;
	vm11 =	vcmask $0xF0C  }
0x4: {  	vm12 =	vcmask $0x1310;
	vm13 =	vcmask $0x1714;
	vm14 =	vcmask $0x1B18  }
0x5: {  	vm8 =	vcmask $0x1F1C;
	vm5 =	vcmask $0x2320;
	vm6 =	vcmask $0x2724  }
0x6: {  	vm4 =	vcmask $0x2B28;
	vm3 =	vcmask $0x2F2C;
	vm2 =	vcmask $0x3330  }
0x7: {  	vm1 =	vcmask $0x3734;
	vm0 =	vcmask $0x3B38;
	v3 =	vimm.s32 $0x380380  }
0x8: {  	v4 =	vimm.s32 $0x480380;
	v5 =	vimm.s32 $0x580380;
	v6 =	vimm.s32 $0x680380  }
0x9: {  	v7 =	vimm.s32 $0x780380;
	v8 =	vimm.s32 $0x880380;
	v9 =	vimm.s32 $0x980380  }
0xa: {  	v10 =	vimm.s32 $0xA80380;
	v11 =	vimm.s32 $0xB80380;
	v12 =	vimm.s32 $0xC80380  }
0xb: {  	v13 =	vimm.s32 $0xD80380;
	v14 =	vimm.s32 $0xE80380;
	v15 =	vimm.s32 $0xF80380  }
0xc: {  	v16 =	vimm.s32 $0x1080380;
	v17 =	vimm.s32 $0x1180380;
	v18 =	vimm.s32 $0x1280380  }
0xd: {  	v19 =	vimm.s32 $0x1380380;
	v20 =	vimm.s32 $0x1480380;
	v21 =	vimm.s32 $0x1580380  }
0xe: {  	v22 =	vimm.s32 $0x1680380;
	v23 =	vimm.s32 $0x1780380;
	v24 =	vimm.s32 $0x1880380  }
0xf: {  	v25 =	vimm.s32 $0x1980380;
	v26 =	vimm.s32 $0x1A80380;
	v27 =	vimm.s32 $0x1B80380  }
0x10: {  	v28 =	vimm.s32 $0x1C80380;
	v29 =	vimm.s32 $0x1D80380;
	v31 =	vimm.s32 $0x1E80380  }
0x11: {  	v32 =	vimm.s32 $0x1F80380;
	v0 =	vsel vm7, $0x3, v0;
	v1 =	vsel vm7, $0x100000, v1  }
0x12: {  	v2 =	vsel vm7, $0x0, v2;
	v3 =	vsel vm7, $0x300000, v3;
	v4 =	vsel vm7, $0x400000, v4  }
0x13: {  	v5 =	vsel vm7, $0x500000, v5;
	v6 =	vsel vm7, $0x600000, v6;
	v7 =	vsel vm7, $0x700000, v7  }
0x14: {  	v8 =	vsel vm7, $0x800000, v8;
	v9 =	vsel vm7, $0x900000, v9;
	v10 =	vsel vm7, $0xA00000, v10  }
0x15: {  	v11 =	vsel vm7, $0xB00000, v11;
	v12 =	vsel vm7, $0xC00000, v12;
	v13 =	vsel vm7, $0xD00000, v13  }
0x16: {  	v14 =	vsel vm7, $0xE00000, v14;
	v15 =	vsel vm7, $0xF00000, v15;
	v16 =	vsel vm7, $0x1000000, v16  }
0x17: {  	v17 =	vsel vm7, $0x1100000, v17;
	v18 =	vsel vm7, $0x1200000, v18;
	v19 =	vsel vm7, $0x1300000, v19  }
0x18: {  	v20 =	vsel vm7, $0x1400000, v20;
	v21 =	vsel vm7, $0x1500000, v21;
	v22 =	vsel vm7, $0x1600000, v22  }
0x19: {  	v23 =	vsel vm7, $0x1700000, v23;
	v24 =	vsel vm7, $0x1800000, v24;
	v25 =	vsel vm7, $0x1900000, v25  }
0x1a: {  	v26 =	vsel vm7, $0x1A00000, v26;
	v27 =	vsel vm7, $0x1B00000, v27;
	v28 =	vsel vm7, $0x1C00000, v28  }
0x1b: {  	v29 =	vsel vm7, $0x1D00000, v29;
	v31 =	vsel vm7, $0x1E00000, v31;
	v32 =	vsel vm7, $0x1F00000, v32  }
0x1c: {  	v1 =	vsel vm9, $0x100080, v1;
	v2 =	vsel vm9, $0x80, v2;
	v3 =	vsel vm9, $0x300080, v3  }
0x1d: {  	v4 =	vsel vm9, $0x400080, v4;
	v5 =	vsel vm9, $0x500080, v5;
	v6 =	vsel vm9, $0x600080, v6  }
0x1e: {  	v7 =	vsel vm9, $0x700080, v7;
	v8 =	vsel vm9, $0x800080, v8;
	v9 =	vsel vm9, $0x900080, v9  }
0x1f: {  	v10 =	vsel vm9, $0xA00080, v10;
	v11 =	vsel vm9, $0xB00080, v11;
	v12 =	vsel vm9, $0xC00080, v12  }
0x20: {  	v13 =	vsel vm9, $0xD00080, v13;
	v14 =	vsel vm9, $0xE00080, v14;
	v15 =	vsel vm9, $0xF00080, v15  }
0x21: {  	v16 =	vsel vm9, $0x1000080, v16;
	v17 =	vsel vm9, $0x1100080, v17;
	v18 =	vsel vm9, $0x1200080, v18  }
0x22: {  	v19 =	vsel vm9, $0x1300080, v19;
	v20 =	vsel vm9, $0x1400080, v20;
	v21 =	vsel vm9, $0x1500080, v21  }
0x23: {  	v22 =	vsel vm9, $0x1600080, v22;
	v23 =	vsel vm9, $0x1700080, v23;
	v24 =	vsel vm9, $0x1800080, v24  }
0x24: {  	v25 =	vsel vm9, $0x1900080, v25;
	v26 =	vsel vm9, $0x1A00080, v26;
	v27 =	vsel vm9, $0x1B00080, v27  }
0x25: {  	v28 =	vsel vm9, $0x1C00080, v28;
	v29 =	vsel vm9, $0x1D00080, v29;
	v31 =	vsel vm9, $0x1E00080, v31  }
0x26: {  	v32 =	vsel vm9, $0x1F00080, v32;
	v1 =	vsel vm10, $0x100100, v1;
	v2 =	vsel vm10, $0x100, v2  }
0x27: {  	v3 =	vsel vm10, $0x300100, v3;
	v4 =	vsel vm10, $0x400100, v4;
	v5 =	vsel vm10, $0x500100, v5  }
0x28: {  	v6 =	vsel vm10, $0x600100, v6;
	v7 =	vsel vm10, $0x700100, v7;
	v8 =	vsel vm10, $0x800100, v8  }
0x29: {  	v9 =	vsel vm10, $0x900100, v9;
	v10 =	vsel vm10, $0xA00100, v10;
	v11 =	vsel vm10, $0xB00100, v11  }
0x2a: {  	v12 =	vsel vm10, $0xC00100, v12;
	v13 =	vsel vm10, $0xD00100, v13;
	v14 =	vsel vm10, $0xE00100, v14  }
0x2b: {  	v15 =	vsel vm10, $0xF00100, v15;
	v16 =	vsel vm10, $0x1000100, v16;
	v17 =	vsel vm10, $0x1100100, v17  }
0x2c: {  	v18 =	vsel vm10, $0x1200100, v18;
	v19 =	vsel vm10, $0x1300100, v19;
	v20 =	vsel vm10, $0x1400100, v20  }
0x2d: {  	v21 =	vsel vm10, $0x1500100, v21;
	v22 =	vsel vm10, $0x1600100, v22;
	v23 =	vsel vm10, $0x1700100, v23  }
0x2e: {  	v24 =	vsel vm10, $0x1800100, v24;
	v25 =	vsel vm10, $0x1900100, v25;
	v26 =	vsel vm10, $0x1A00100, v26  }
0x2f: {  	v27 =	vsel vm10, $0x1B00100, v27;
	v28 =	vsel vm10, $0x1C00100, v28;
	v29 =	vsel vm10, $0x1D00100, v29  }
0x30: {  	v31 =	vsel vm10, $0x1E00100, v31;
	v32 =	vsel vm10, $0x1F00100, v32;
	v1 =	vsel vm11, $0x100180, v1  }
0x31: {  	v2 =	vsel vm11, $0x180, v2;
	v3 =	vsel vm11, $0x300180, v3;
	v4 =	vsel vm11, $0x400180, v4  }
0x32: {  	v5 =	vsel vm11, $0x500180, v5;
	v6 =	vsel vm11, $0x600180, v6;
	v7 =	vsel vm11, $0x700180, v7  }
0x33: {  	v8 =	vsel vm11, $0x800180, v8;
	v9 =	vsel vm11, $0x900180, v9;
	v10 =	vsel vm11, $0xA00180, v10  }
0x34: {  	v11 =	vsel vm11, $0xB00180, v11;
	v12 =	vsel vm11, $0xC00180, v12;
	v13 =	vsel vm11, $0xD00180, v13  }
0x35: {  	v14 =	vsel vm11, $0xE00180, v14;
	v15 =	vsel vm11, $0xF00180, v15;
	v16 =	vsel vm11, $0x1000180, v16  }
0x36: {  	v17 =	vsel vm11, $0x1100180, v17;
	v18 =	vsel vm11, $0x1200180, v18;
	v19 =	vsel vm11, $0x1300180, v19  }
0x37: {  	v20 =	vsel vm11, $0x1400180, v20;
	v21 =	vsel vm11, $0x1500180, v21;
	v22 =	vsel vm11, $0x1600180, v22  }
0x38: {  	v23 =	vsel vm11, $0x1700180, v23;
	v24 =	vsel vm11, $0x1800180, v24;
	v25 =	vsel vm11, $0x1900180, v25  }
0x39: {  	v26 =	vsel vm11, $0x1A00180, v26;
	v27 =	vsel vm11, $0x1B00180, v27;
	v28 =	vsel vm11, $0x1C00180, v28  }
0x3a: {  	v29 =	vsel vm11, $0x1D00180, v29;
	v31 =	vsel vm11, $0x1E00180, v31;
	v32 =	vsel vm11, $0x1F00180, v32  }
0x3b: {  	v1 =	vsel vm12, $0x100200, v1;
	v2 =	vsel vm12, $0x200, v2;
	v3 =	vsel vm12, $0x300200, v3  }
0x3c: {  	v4 =	vsel vm12, $0x400200, v4;
	v5 =	vsel vm12, $0x500200, v5;
	v6 =	vsel vm12, $0x600200, v6  }
0x3d: {  	v7 =	vsel vm12, $0x700200, v7;
	v8 =	vsel vm12, $0x800200, v8;
	v9 =	vsel vm12, $0x900200, v9  }
0x3e: {  	v10 =	vsel vm12, $0xA00200, v10;
	v11 =	vsel vm12, $0xB00200, v11;
	v12 =	vsel vm12, $0xC00200, v12  }
0x3f: {  	v13 =	vsel vm12, $0xD00200, v13;
	v14 =	vsel vm12, $0xE00200, v14;
	v15 =	vsel vm12, $0xF00200, v15  }
0x40: {  	v16 =	vsel vm12, $0x1000200, v16;
	v17 =	vsel vm12, $0x1100200, v17;
	v18 =	vsel vm12, $0x1200200, v18  }
0x41: {  	v19 =	vsel vm12, $0x1300200, v19;
	v20 =	vsel vm12, $0x1400200, v20;
	v21 =	vsel vm12, $0x1500200, v21  }
0x42: {  	v22 =	vsel vm12, $0x1600200, v22;
	v23 =	vsel vm12, $0x1700200, v23;
	v24 =	vsel vm12, $0x1800200, v24  }
0x43: {  	v25 =	vsel vm12, $0x1900200, v25;
	v26 =	vsel vm12, $0x1A00200, v26;
	v27 =	vsel vm12, $0x1B00200, v27  }
0x44: {  	v28 =	vsel vm12, $0x1C00200, v28;
	v29 =	vsel vm12, $0x1D00200, v29;
	v31 =	vsel vm12, $0x1E00200, v31  }
0x45: {  	v32 =	vsel vm12, $0x1F00200, v32;
	v1 =	vsel vm13, $0x100280, v1;
	v2 =	vsel vm13, $0x280, v2  }
0x46: {  	v3 =	vsel vm13, $0x300280, v3;
	v4 =	vsel vm13, $0x400280, v4;
	v5 =	vsel vm13, $0x500280, v5  }
0x47: {  	v6 =	vsel vm13, $0x600280, v6;
	v7 =	vsel vm13, $0x700280, v7;
	v8 =	vsel vm13, $0x800280, v8  }
0x48: {  	v9 =	vsel vm13, $0x900280, v9;
	v10 =	vsel vm13, $0xA00280, v10;
	v11 =	vsel vm13, $0xB00280, v11  }
0x49: {  	v12 =	vsel vm13, $0xC00280, v12;
	v13 =	vsel vm13, $0xD00280, v13;
	v14 =	vsel vm13, $0xE00280, v14  }
0x4a: {  	v15 =	vsel vm13, $0xF00280, v15;
	v16 =	vsel vm13, $0x1000280, v16;
	v17 =	vsel vm13, $0x1100280, v17  }
0x4b: {  	v18 =	vsel vm13, $0x1200280, v18;
	v19 =	vsel vm13, $0x1300280, v19;
	v20 =	vsel vm13, $0x1400280, v20  }
0x4c: {  	v21 =	vsel vm13, $0x1500280, v21;
	v22 =	vsel vm13, $0x1600280, v22;
	v23 =	vsel vm13, $0x1700280, v23  }
0x4d: {  	v24 =	vsel vm13, $0x1800280, v24;
	v25 =	vsel vm13, $0x1900280, v25;
	v26 =	vsel vm13, $0x1A00280, v26  }
0x4e: {  	v27 =	vsel vm13, $0x1B00280, v27;
	v28 =	vsel vm13, $0x1C00280, v28;
	v29 =	vsel vm13, $0x1D00280, v29  }
0x4f: {  	v31 =	vsel vm13, $0x1E00280, v31;
	v32 =	vsel vm13, $0x1F00280, v32;
	v1 =	vsel vm14, $0x100300, v1  }
0x50: {  	v2 =	vsel vm14, $0x300, v2;
	v3 =	vsel vm14, $0x300300, v3;
	v4 =	vsel vm14, $0x400300, v4  }
0x51: {  	v5 =	vsel vm14, $0x500300, v5;
	v6 =	vsel vm14, $0x600300, v6;
	v7 =	vsel vm14, $0x700300, v7  }
0x52: {  	v8 =	vsel vm14, $0x800300, v8;
	v9 =	vsel vm14, $0x900300, v9;
	v10 =	vsel vm14, $0xA00300, v10  }
0x53: {  	v11 =	vsel vm14, $0xB00300, v11;
	v12 =	vsel vm14, $0xC00300, v12;
	v13 =	vsel vm14, $0xD00300, v13  }
0x54: {  	v14 =	vsel vm14, $0xE00300, v14;
	v15 =	vsel vm14, $0xF00300, v15;
	v16 =	vsel vm14, $0x1000300, v16  }
0x55: {  	v17 =	vsel vm14, $0x1100300, v17;
	v18 =	vsel vm14, $0x1200300, v18;
	v19 =	vsel vm14, $0x1300300, v19  }
0x56: {  	v20 =	vsel vm14, $0x1400300, v20;
	v21 =	vsel vm14, $0x1500300, v21;
	v22 =	vsel vm14, $0x1600300, v22  }
0x57: {  	v23 =	vsel vm14, $0x1700300, v23;
	v24 =	vsel vm14, $0x1800300, v24;
	v25 =	vsel vm14, $0x1900300, v25  }
0x58: {  	v26 =	vsel vm14, $0x1A00300, v26;
	v27 =	vsel vm14, $0x1B00300, v27;
	v28 =	vsel vm14, $0x1C00300, v28  }
0x59: {  	v29 =	vsel vm14, $0x1D00300, v29;
	v31 =	vsel vm14, $0x1E00300, v31;
	v32 =	vsel vm14, $0x1F00300, v32  }
0x5a: {  	v1 =	vsel vm8, $0x100380, v1;
	v2 =	vsel vm8, $0x380, v2;
	v3 =	vsel vm8, $0x300380, v3  }
0x5b: {  	v4 =	vsel vm8, $0x400380, v4;
	v5 =	vsel vm8, $0x500380, v5;
	v6 =	vsel vm8, $0x600380, v6  }
0x5c: {  	v7 =	vsel vm8, $0x700380, v7;
	v8 =	vsel vm8, $0x800380, v8;
	v9 =	vsel vm8, $0x900380, v9  }
0x5d: {  	v10 =	vsel vm8, $0xA00380, v10;
	v11 =	vsel vm8, $0xB00380, v11;
	v12 =	vsel vm8, $0xC00380, v12  }
0x5e: {  	v13 =	vsel vm8, $0xD00380, v13;
	v14 =	vsel vm8, $0xE00380, v14;
	v15 =	vsel vm8, $0xF00380, v15  }
0x5f: {  	v16 =	vsel vm8, $0x1000380, v16;
	v17 =	vsel vm8, $0x1100380, v17;
	v18 =	vsel vm8, $0x1200380, v18  }
0x60: {  	v19 =	vsel vm8, $0x1300380, v19;
	v20 =	vsel vm8, $0x1400380, v20;
	v21 =	vsel vm8, $0x1500380, v21  }
0x61: {  	v22 =	vsel vm8, $0x1600380, v22;
	v23 =	vsel vm8, $0x1700380, v23;
	v24 =	vsel vm8, $0x1800380, v24  }
0x62: {  	v25 =	vsel vm8, $0x1900380, v25;
	v26 =	vsel vm8, $0x1A00380, v26;
	v27 =	vsel vm8, $0x1B00380, v27  }
0x63: {  	v28 =	vsel vm8, $0x1C00380, v28;
	v29 =	vsel vm8, $0x1D00380, v29;
	v31 =	vsel vm8, $0x1E00380, v31  }
0x64: {  	v32 =	vsel vm8, $0x1F00380, v32;
	v1 =	vsel vm5, $0x180000, v1;
	v2 =	vsel vm5, $0x80000, v2  }
0x65: {  	v3 =	vsel vm5, $0x380000, v3;
	v4 =	vsel vm5, $0x480000, v4;
	v5 =	vsel vm5, $0x580000, v5  }
0x66: {  	v6 =	vsel vm5, $0x680000, v6;
	v7 =	vsel vm5, $0x780000, v7;
	v8 =	vsel vm5, $0x880000, v8  }
0x67: {  	v9 =	vsel vm5, $0x980000, v9;
	v10 =	vsel vm5, $0xA80000, v10;
	v11 =	vsel vm5, $0xB80000, v11  }
0x68: {  	s5 =	rddreg [dreg:$0x0];
	v12 =	vsel vm5, $0xC80000, v12;
	v13 =	vsel vm5, $0xD80000, v13;
	v14 =	vsel vm5, $0xE80000, v14  }
0x69: {  	s0 =	rddreg [dreg:$0x1];
	v15 =	vsel vm5, $0xF80000, v15;
	v16 =	vsel vm5, $0x1080000, v16;
	v17 =	vsel vm5, $0x1180000, v17  }
0x6a: {  	s1 =	rddreg [dreg:$0x2];
	v18 =	vsel vm5, $0x1280000, v18;
	v19 =	vsel vm5, $0x1380000, v19;
	v20 =	vsel vm5, $0x1480000, v20  }
0x6b: {  	s14 =	rddreg [dreg:$0x3];
	s3 =	simm.s32 $0x0;
	v21 =	vsel vm5, $0x1580000, v21;
	v22 =	vsel vm5, $0x1680000, v22;
	v23 =	vsel vm5, $0x1780000, v23  }
0x6c: {  	s8 =	simm.s32 $0x4000;
	s9 =	simm.s32 $0x10000;
	s11 =	simm.s32 $0x14000;
	v24 =	vsel vm5, $0x1880000, v24;
	v25 =	vsel vm5, $0x1980000, v25;
	v26 =	vsel vm5, $0x1A80000, v26  }
0x6d: {  	s12 =	simm.s32 $0xC000;
	s13 =	simm.s32 $0x18000;
	[smem:$0x7FF] =	sst s3;
	v27 =	vsel vm5, $0x1B80000, v27;
	v28 =	vsel vm5, $0x1C80000, v28;
	v29 =	vsel vm5, $0x1D80000, v29  }
0x6e: {  	s2 =	rddreg [dreg:$0x4];
	s10 =	simm.s32 $0x8000;
	_ =	strace $0x80000047;
	v31 =	vsel vm5, $0x1E80000, v31;
	v32 =	vsel vm5, $0x1F80000, v32;
	v1 =	vsel vm6, $0x180080, v1  }
0x6f: {  	s19 =	simm.s32 $0x1C000;
	v2 =	vsel vm6, $0x80080, v2;
	v3 =	vsel vm6, $0x380080, v3;
	v4 =	vsel vm6, $0x480080, v4  }
0x70: {  	v5 =	vsel vm6, $0x580080, v5;
	v6 =	vsel vm6, $0x680080, v6;
	v7 =	vsel vm6, $0x780080, v7  }
0x71: {  	v8 =	vsel vm6, $0x880080, v8;
	v9 =	vsel vm6, $0x980080, v9;
	v10 =	vsel vm6, $0xA80080, v10  }
0x72: {  	v11 =	vsel vm6, $0xB80080, v11;
	v12 =	vsel vm6, $0xC80080, v12;
	v13 =	vsel vm6, $0xD80080, v13  }
0x73: {  	v14 =	vsel vm6, $0xE80080, v14;
	v15 =	vsel vm6, $0xF80080, v15;
	v16 =	vsel vm6, $0x1080080, v16  }
0x74: {  	v17 =	vsel vm6, $0x1180080, v17;
	v18 =	vsel vm6, $0x1280080, v18;
	v19 =	vsel vm6, $0x1380080, v19  }
0x75: {  	v20 =	vsel vm6, $0x1480080, v20;
	v21 =	vsel vm6, $0x1580080, v21;
	v22 =	vsel vm6, $0x1680080, v22  }
0x76: {  	s6 =	srdreg.scid;
	s4 =	stileid.u32;
	v23 =	vsel vm6, $0x1780080, v23;
	v24 =	vsel vm6, $0x1880080, v24;
	v25 =	vsel vm6, $0x1980080, v25  }
0x77: {  	s15 =	sand.u32 $0x1, s6;
	s31 =	sshll.u32 s4, $0x1;
	v26 =	vsel vm6, $0x1A80080, v26;
	v27 =	vsel vm6, $0x1B80080, v27;
	v28 =	vsel vm6, $0x1C80080, v28  }
0x78: {  	s6 =	sor.u32 s15, s31;
	v29 =	vsel vm6, $0x1D80080, v29;
	v31 =	vsel vm6, $0x1E80080, v31;
	v32 =	vsel vm6, $0x1F80080, v32  }
0x79: {  	s7 =	sshll.u32 s6, $0xB;
	v1 =	vsel vm4, $0x180100, v1;
	v2 =	vsel vm4, $0x80100, v2;
	v3 =	vsel vm4, $0x380100, v3  }
0x7a: {  	v4 =	vsel vm4, $0x480100, v4;
	v5 =	vsel vm4, $0x580100, v5;
	v6 =	vsel vm4, $0x680100, v6  }
0x7b: {  	v7 =	vsel vm4, $0x780100, v7;
	v8 =	vsel vm4, $0x880100, v8;
	v9 =	vsel vm4, $0x980100, v9  }
0x7c: {  	v10 =	vsel vm4, $0xA80100, v10;
	v11 =	vsel vm4, $0xB80100, v11;
	v12 =	vsel vm4, $0xC80100, v12  }
0x7d: {  	v13 =	vsel vm4, $0xD80100, v13;
	v14 =	vsel vm4, $0xE80100, v14;
	v15 =	vsel vm4, $0xF80100, v15  }
0x7e: {  	v16 =	vsel vm4, $0x1080100, v16;
	v17 =	vsel vm4, $0x1180100, v17;
	v18 =	vsel vm4, $0x1280100, v18  }
0x7f: {  	v19 =	vsel vm4, $0x1380100, v19;
	v20 =	vsel vm4, $0x1480100, v20;
	v21 =	vsel vm4, $0x1580100, v21  }
0x80: {  	v22 =	vsel vm4, $0x1680100, v22;
	v23 =	vsel vm4, $0x1780100, v23;
	v24 =	vsel vm4, $0x1880100, v24  }
0x81: {  	v25 =	vsel vm4, $0x1980100, v25;
	v26 =	vsel vm4, $0x1A80100, v26;
	v27 =	vsel vm4, $0x1B80100, v27  }
0x82: {  	v28 =	vsel vm4, $0x1C80100, v28;
	v29 =	vsel vm4, $0x1D80100, v29;
	v31 =	vsel vm4, $0x1E80100, v31  }
0x83: {  	v32 =	vsel vm4, $0x1F80100, v32;
	v1 =	vsel vm3, $0x180180, v1;
	v2 =	vsel vm3, $0x80180, v2  }
0x84: {  	v3 =	vsel vm3, $0x380180, v3;
	v4 =	vsel vm3, $0x480180, v4;
	v5 =	vsel vm3, $0x580180, v5  }
0x85: {  	v6 =	vsel vm3, $0x680180, v6;
	v7 =	vsel vm3, $0x780180, v7;
	v8 =	vsel vm3, $0x880180, v8  }
0x86: {  	v9 =	vsel vm3, $0x980180, v9;
	v10 =	vsel vm3, $0xA80180, v10;
	v11 =	vsel vm3, $0xB80180, v11  }
0x87: {  	v12 =	vsel vm3, $0xC80180, v12;
	v13 =	vsel vm3, $0xD80180, v13;
	v14 =	vsel vm3, $0xE80180, v14  }
0x88: {  	v15 =	vsel vm3, $0xF80180, v15;
	v16 =	vsel vm3, $0x1080180, v16;
	v17 =	vsel vm3, $0x1180180, v17  }
0x89: {  	v18 =	vsel vm3, $0x1280180, v18;
	v19 =	vsel vm3, $0x1380180, v19;
	v20 =	vsel vm3, $0x1480180, v20  }
0x8a: {  	v21 =	vsel vm3, $0x1580180, v21;
	v22 =	vsel vm3, $0x1680180, v22;
	v23 =	vsel vm3, $0x1780180, v23  }
0x8b: {  	v24 =	vsel vm3, $0x1880180, v24;
	v25 =	vsel vm3, $0x1980180, v25;
	v26 =	vsel vm3, $0x1A80180, v26  }
0x8c: {  	v27 =	vsel vm3, $0x1B80180, v27;
	v28 =	vsel vm3, $0x1C80180, v28;
	v29 =	vsel vm3, $0x1D80180, v29  }
0x8d: {  	v31 =	vsel vm3, $0x1E80180, v31;
	v32 =	vsel vm3, $0x1F80180, v32;
	v1 =	vsel vm2, $0x180200, v1  }
0x8e: {  	s16 =	sshll.u32 s6, $0x9;
	v2 =	vsel vm2, $0x80200, v2;
	v3 =	vsel vm2, $0x380200, v3;
	v4 =	vsel vm2, $0x480200, v4  }
0x8f: {  	v5 =	vsel vm2, $0x580200, v5;
	v6 =	vsel vm2, $0x680200, v6;
	v7 =	vsel vm2, $0x780200, v7  }
0x90: {  	v8 =	vsel vm2, $0x880200, v8;
	v9 =	vsel vm2, $0x980200, v9;
	v10 =	vsel vm2, $0xA80200, v10  }
0x91: {  	v11 =	vsel vm2, $0xB80200, v11;
	v12 =	vsel vm2, $0xC80200, v12;
	v13 =	vsel vm2, $0xD80200, v13  }
0x92: {  	v14 =	vsel vm2, $0xE80200, v14;
	v15 =	vsel vm2, $0xF80200, v15;
	v16 =	vsel vm2, $0x1080200, v16  }
0x93: {  	v17 =	vsel vm2, $0x1180200, v17;
	v18 =	vsel vm2, $0x1280200, v18;
	v19 =	vsel vm2, $0x1380200, v19  }
0x94: {  	v20 =	vsel vm2, $0x1480200, v20;
	v21 =	vsel vm2, $0x1580200, v21;
	v22 =	vsel vm2, $0x1680200, v22  }
0x95: {  	v23 =	vsel vm2, $0x1780200, v23;
	v24 =	vsel vm2, $0x1880200, v24;
	v25 =	vsel vm2, $0x1980200, v25  }
0x96: {  	v26 =	vsel vm2, $0x1A80200, v26;
	v27 =	vsel vm2, $0x1B80200, v27;
	v28 =	vsel vm2, $0x1C80200, v28  }
0x97: {  	v29 =	vsel vm2, $0x1D80200, v29;
	v31 =	vsel vm2, $0x1E80200, v31;
	v32 =	vsel vm2, $0x1F80200, v32  }
0x98: {  	s6 =	simm.s32 $0x1D000;
	v1 =	vsel vm1, $0x180280, v1;
	v30 =	vsel vm1, $0x80280, v2;
	v2 =	vimm.s32 $0x280380  }
0x99: {  	v3 =	vsel vm1, $0x380280, v3;
	v4 =	vsel vm1, $0x480280, v4;
	v5 =	vsel vm1, $0x580280, v5  }
0x9a: {  	v6 =	vsel vm1, $0x680280, v6;
	v7 =	vsel vm1, $0x780280, v7;
	v8 =	vsel vm1, $0x880280, v8  }
0x9b: {  	v9 =	vsel vm1, $0x980280, v9;
	v10 =	vsel vm1, $0xA80280, v10;
	v11 =	vsel vm1, $0xB80280, v11  }
0x9c: {  	v12 =	vsel vm1, $0xC80280, v12;
	v13 =	vsel vm1, $0xD80280, v13;
	v14 =	vsel vm1, $0xE80280, v14  }
0x9d: {  	v15 =	vsel vm1, $0xF80280, v15;
	v16 =	vsel vm1, $0x1080280, v16;
	v17 =	vsel vm1, $0x1180280, v17  }
0x9e: {  	v18 =	vsel vm1, $0x1280280, v18;
	v19 =	vsel vm1, $0x1380280, v19;
	v20 =	vsel vm1, $0x1480280, v20  }
0x9f: {  	v21 =	vsel vm1, $0x1580280, v21;
	v22 =	vsel vm1, $0x1680280, v22;
	v23 =	vsel vm1, $0x1780280, v23  }
0xa0: {  	v24 =	vsel vm1, $0x1880280, v24;
	v25 =	vsel vm1, $0x1980280, v25;
	v26 =	vsel vm1, $0x1A80280, v26  }
0xa1: {  	v27 =	vsel vm1, $0x1B80280, v27;
	v28 =	vsel vm1, $0x1C80280, v28;
	v29 =	vsel vm1, $0x1D80280, v29  }
0xa2: {  	v31 =	vsel vm1, $0x1E80280, v31;
	v32 =	vsel vm1, $0x1F80280, v32;
	v1 =	vsel vm0, $0x180300, v1  }
0xa3: {  	s5 =	sadd.s32 s7, s5;
	s7 =	simm.s32 $0x2000;
	v2 =	vsel vm7, $0x200000, v2;
	v3 =	vsel vm0, $0x380300, v3;
	v4 =	vsel vm0, $0x480300, v4  }
0xa4: {  	v5 =	vsel vm0, $0x580300, v5;
	v6 =	vsel vm0, $0x680300, v6;
	v2 =	vsel vm9, $0x200080, v2  }
0xa5: {  	v7 =	vsel vm0, $0x780300, v7;
	v8 =	vsel vm0, $0x880300, v8;
	v2 =	vsel vm10, $0x200100, v2  }
0xa6: {  	v9 =	vsel vm0, $0x980300, v9;
	v10 =	vsel vm0, $0xA80300, v10;
	v2 =	vsel vm11, $0x200180, v2  }
0xa7: {  	v11 =	vsel vm0, $0xB80300, v11;
	v12 =	vsel vm0, $0xC80300, v12;
	v2 =	vsel vm12, $0x200200, v2  }
0xa8: {  	v13 =	vsel vm0, $0xD80300, v13;
	v14 =	vsel vm0, $0xE80300, v14;
	v2 =	vsel vm13, $0x200280, v2  }
0xa9: {  	v15 =	vsel vm0, $0xF80300, v15;
	v16 =	vsel vm0, $0x1080300, v16;
	v2 =	vsel vm14, $0x200300, v2  }
0xaa: {  	v17 =	vsel vm0, $0x1180300, v17;
	v18 =	vsel vm0, $0x1280300, v18;
	v2 =	vsel vm8, $0x200380, v2  }
0xab: {  	v19 =	vsel vm0, $0x1380300, v19;
	v20 =	vsel vm0, $0x1480300, v20;
	v2 =	vsel vm5, $0x280000, v2  }
0xac: {  	v21 =	vsel vm0, $0x1580300, v21;
	v22 =	vsel vm0, $0x1680300, v22;
	v2 =	vsel vm6, $0x280080, v2  }
0xad: {  	v23 =	vsel vm0, $0x1780300, v23;
	v24 =	vsel vm0, $0x1880300, v24;
	v2 =	vsel vm4, $0x280100, v2  }
0xae: {  	s15 =	ssub.s32 $0x2, s15;
	v25 =	vsel vm0, $0x1980300, v25;
	v26 =	vsel vm0, $0x1A80300, v26;
	v2 =	vsel vm3, $0x280180, v2  }
0xaf: {  	s18 =	simm.s32 $0x1;
	s20 =	simm.s32 $0x0;
	s17 =	sshrl.u32 s15, $0x1;
	v27 =	vsel vm0, $0x1B80300, v27;
	v28 =	vsel vm0, $0x1C80300, v28;
	v2 =	vsel vm2, $0x280200, v2  }
0xb0: {  	s15 =	ssub.s32 s15, s17;
	s14 =	sadd.s32 s14, s16;
	s5 =	sadd.s32 $0x800, s5;
	v29 =	vsel vm0, $0x1D80300, v29;
	v30 =	vsel vm0, $0x80300, v30;
	v2 =	vsel vm1, $0x280280, v2  }
0xb1: {  	s16 =	simm.s32 $0x3;
	s17 =	simm.s32 $0x2;
	s15 =	smax.u32 s15, $0x1;
	v31 =	vsel vm0, $0x1E80300, v31;
	v32 =	vsel vm0, $0x1F80300, v32;
	v2 =	vsel vm0, $0x280300, v2  }
.LBB2_1:
0xb2: {  	[tilespmem:s3], [sflag:$0x2] =	stream.linear.gather [hbm4b:s5+s3], $0x4000, $0x38;
	[tilespmem:$0x1D020] =	vst v63  }
0xb3: {  	_ = 	snop  }
0xb4: {  	[tilespmem:s6], [sflag:$0x3] =	stream.linear.gather [hbm4b:s1+s3], $0x20, $0x38;
	[tilespmem:$0x1D020] =	vst v63  }
0xb5: {  	_ =	swait.ge [sflag:s16], $0x20  }
0xb6: {  	[sflag:s16] =	ssyncset.done $0x0  }
0xb7: {  	[sflag:s16] =	ssyncadd.s32 $0xFFFFFFE0  }
0xb8: {  	s21 =	simm.s32 $0x80;
	s22 =	simm.s32 $0x0;
	v33 =	vld [tilespmem:$0x1D000]  }
.LBB2_2:
0xb9: {  	p0 =	sne.s32 s21, $0x3F80;
	_ =	sdelay $0x2  }
0xba: {  	s23 =	sshra.s32 s22, $0x2;
	s22 =	smov.u32 s21  }
0xbb: {  	[tilespmem:s23+$0x1C000] =	vst v33  }
0xbc: {  	v33 =	vld [tilespmem:$0x1D010];
	_ =	sdelay $0x1  }
.Ltmp0:
0xbd: {  	(pc) =	sbr.rel @p0 .LBB2_2-.Ltmp0, $3  }
0xbe: {  	_ =	sdelay $0x1  }
0xbf: {  	[tilespmem:s23+$0x1C010] =	vst v33  }
0xc0: {  	s21 =	sadd.s32 $0x80, s21;
	v33 =	vld [tilespmem:$0x1D000]  }
0xc1: {  	_ =	sdelay $0x2  }
0xc2: {  	s21 =	sshra.s32 s22, $0x2  }
0xc3: {  	s28 =	simm.s32 $0x0;
	[tilespmem:s21+$0x1C000] =	vst v33  }
0xc4: {  	v34 =	vmov s28;
	v33 =	vld [tilespmem:$0x1D010]  }
0xc5: {  	v34 =	vshrl.u32 v34, $0x3  }
0xc6: {  	v34 =	vshll.u32 v34, v0  }
0xc7: {  	v34 =	vbroadcast v34, $0x0;
	_ =	sdelay $0x1  }
0xc8: {  	[tilespmem:s21+$0x1C010] =	vst v33  }
0xc9: {  	_ =	swait.ge [sflag:s17], $0x4000  }
0xca: {  	[sflag:s17] =	ssyncset.done $0x0  }
0xcb: {  	[sflag:s17] =	ssyncadd.s32 $0xFFFFC000  }
0xcc: {  	v57 =	vld.idx.msk [tilespmem:v34+s3+$0x0], $0xffff  }
0xcd: {  	s29 =	simm.s32 $0x8  }
0xce: {  	v58 =	vmov s29  }
0xcf: {  	v34 =	vshrl.u32 v58, $0x3  }
0xd0: {  	v34 =	vshll.u32 v34, v0  }
0xd1: {  	v34 =	vbroadcast v34, $0x0;
	v35 =	vshll.u32 v57, $0x3  }
0xd2: {  	v33 =	vand.u32 $0x7F, v57;
	v35 =	vand.u32 $0xFFFFFC00, v35  }
0xd3: {  	v33 =	vor.u32 v33, v35  }
0xd4: {  	s21 =	simm.s32 $0x4040;
	v35 =	vadd.s32 v30, v33  }
0xd5: {  	v33 =	vadd.s32 v1, v33;
	[tilespmem:s21+$0xFFFFFFC0] =	vst v35  }
0xd6: {  	[tilespmem:s21+$0xFFFFFFD0] =	vst v33  }
0xd7: {  	v33 =	vld.idx.msk [tilespmem:v34+s3+$0x0], $0xffff  }
0xd8: {  	s30 =	simm.s32 $0x10  }
0xd9: {  	v59 =	vmov s30  }
0xda: {  	v34 =	vshrl.u32 v59, $0x3  }
0xdb: {  	v34 =	vshll.u32 v34, v0  }
0xdc: {  	v34 =	vbroadcast v34, $0x0;
	v60 =	vshll.u32 v33, $0x3  }
0xdd: {  	v33 =	vand.u32 $0x7F, v33;
	v35 =	vand.u32 $0xFFFFFC00, v60  }
0xde: {  	v33 =	vor.u32 v33, v35  }
0xdf: {  	v35 =	vadd.s32 v2, v33  }
0xe0: {  	v33 =	vadd.s32 v3, v33;
	[tilespmem:s21+$0xFFFFFFE0] =	vst v35  }
0xe1: {  	[tilespmem:s21+$0xFFFFFFF0] =	vst v33  }
0xe2: {  	v33 =	vld.idx.msk [tilespmem:v34+s3+$0x0], $0xffff  }
0xe3: {  	s31 =	simm.s32 $0x18  }
0xe4: {  	v61 =	vmov s31  }
0xe5: {  	v34 =	vshrl.u32 v61, $0x3  }
0xe6: {  	v34 =	vshll.u32 v34, v0  }
0xe7: {  	v34 =	vbroadcast v34, $0x0;
	v62 =	vshll.u32 v33, $0x3  }
0xe8: {  	v33 =	vand.u32 $0x7F, v33;
	v35 =	vand.u32 $0xFFFFFC00, v62  }
0xe9: {  	v33 =	vor.u32 v33, v35  }
0xea: {  	v35 =	vadd.s32 v4, v33  }
0xeb: {  	v33 =	vadd.s32 v5, v33;
	[tilespmem:s21+$0x0] =	vst v35  }
0xec: {  	[tilespmem:s21+$0x10] =	vst v33  }
0xed: {  	v34 =	vld.idx.msk [tilespmem:v34+s3+$0x0], $0xffff  }
0xee: {  	s22 =	simm.s32 $0x80  }
0xef: {  	v63 =	vmov s22  }
0xf0: {  	v33 =	vshrl.u32 v63, $0x3  }
0xf1: {  	v33 =	vshll.u32 v33, v0  }
0xf2: {  	s24 =	simm.s32 $0x100;
	s23 =	simm.s32 $0x4040;
	v33 =	vbroadcast v33, $0x0;
	v35 =	vshll.u32 v34, $0x3;
	v34 =	vand.u32 $0x7F, v34  }
.LBB2_4:
0xf3: {  	p0 =	sne.s32 s24, $0x1F80  }
0xf4: {  	v35 =	vand.u32 $0xFFFFFC00, v35;
	s21 =	sadd.s32 $0x80, s21;
	s25 =	smov.u32 s24;
	s24 =	sadd.s32 $0x80, s24  }
0xf5: {  	v34 =	vor.u32 v34, v35  }
0xf6: {  	v35 =	vadd.s32 v6, v34;
	v34 =	vadd.s32 v7, v34  }
0xf7: {  	[tilespmem:s23+$0x20] =	vst v35  }
0xf8: {  	[tilespmem:s23+$0x30] =	vst v34;
	s23 =	smov.u32 s21  }
0xf9: {  	v33 =	vld.idx.msk [tilespmem:v33+s3+$0x0], $0xffff  }
0xfa: {  	s26 =	sadd.s32 $0x8, s22  }
0xfb: {  	v34 =	vmov s26  }
0xfc: {  	v34 =	vshrl.u32 v34, $0x3  }
0xfd: {  	v34 =	vshll.u32 v34, v0  }
0xfe: {  	v34 =	vbroadcast v34, $0x0  }
0xff: {  	v35 =	vshll.u32 v33, $0x3  }
0x100: {  	v33 =	vand.u32 $0x7F, v33;
	v35 =	vand.u32 $0xFFFFFC00, v35  }
0x101: {  	v33 =	vor.u32 v33, v35  }
0x102: {  	v35 =	vadd.s32 v30, v33;
	v33 =	vadd.s32 v1, v33  }
0x103: {  	[tilespmem:s21+$0xFFFFFFC0] =	vst v35  }
0x104: {  	[tilespmem:s21+$0xFFFFFFD0] =	vst v33  }
0x105: {  	s26 =	sadd.s32 $0x10, s22;
	v33 =	vld.idx.msk [tilespmem:v34+s3+$0x0], $0xffff  }
0x106: {  	v34 =	vmov s26  }
0x107: {  	v34 =	vshrl.u32 v34, $0x3  }
0x108: {  	v34 =	vshll.u32 v34, v0  }
0x109: {  	v34 =	vbroadcast v34, $0x0;
	_ =	sdelay $0x1  }
0x10a: {  	v35 =	vshll.u32 v33, $0x3;
	v33 =	vand.u32 $0x7F, v33  }
0x10b: {  	v35 =	vand.u32 $0xFFFFFC00, v35  }
0x10c: {  	v33 =	vor.u32 v33, v35  }
0x10d: {  	v35 =	vadd.s32 v2, v33;
	v33 =	vadd.s32 v3, v33  }
0x10e: {  	[tilespmem:s21+$0xFFFFFFE0] =	vst v35  }
0x10f: {  	s26 =	sadd.s32 $0x18, s22;
	s22 =	smov.u32 s25;
	[tilespmem:s21+$0xFFFFFFF0] =	vst v33  }
0x110: {  	v33 =	vld.idx.msk [tilespmem:v34+s3+$0x0], $0xffff;
	v34 =	vmov s26  }
0x111: {  	v34 =	vshrl.u32 v34, $0x3  }
0x112: {  	v34 =	vshll.u32 v34, v0  }
0x113: {  	v34 =	vbroadcast v34, $0x0;
	_ =	sdelay $0x2  }
0x114: {  	v35 =	vshll.u32 v33, $0x3;
	v33 =	vand.u32 $0x7F, v33  }
0x115: {  	v35 =	vand.u32 $0xFFFFFC00, v35  }
0x116: {  	v33 =	vor.u32 v33, v35  }
0x117: {  	v35 =	vadd.s32 v4, v33;
	v33 =	vadd.s32 v5, v33  }
0x118: {  	[tilespmem:s21+$0x0] =	vst v35  }
0x119: {  	[tilespmem:s21+$0x10] =	vst v33  }
0x11a: {  	v34 =	vld.idx.msk [tilespmem:v34+s3+$0x0], $0xffff;
	_ =	sdelay $0x1  }
.Ltmp1:
0x11b: {  	(pc) =	sbr.rel @p0 .LBB2_4-.Ltmp1, $4  }
0x11c: {  	v33 =	vmov s22  }
0x11d: {  	v33 =	vshrl.u32 v33, $0x3  }
0x11e: {  	v33 =	vshll.u32 v33, v0  }
0x11f: {  	v33 =	vbroadcast v33, $0x0;
	v35 =	vshll.u32 v34, $0x3;
	v34 =	vand.u32 $0x7F, v34  }
0x120: {  	v35 =	vand.u32 $0xFFFFFC00, v35  }
0x121: {  	v34 =	vor.u32 v34, v35  }
0x122: {  	v35 =	vadd.s32 v6, v34  }
0x123: {  	v34 =	vadd.s32 v7, v34;
	[tilespmem:s23+$0x20] =	vst v35  }
0x124: {  	[tilespmem:s23+$0x30] =	vst v34  }
0x125: {  	v33 =	vld.idx.msk [tilespmem:v33+s3+$0x0], $0xffff  }
0x126: {  	s31 =	sadd.s32 $0x8, s22  }
0x127: {  	v49 =	vmov s31  }
0x128: {  	v34 =	vshrl.u32 v49, $0x3  }
0x129: {  	v34 =	vshll.u32 v34, v0  }
0x12a: {  	v34 =	vbroadcast v34, $0x0;
	v50 =	vshll.u32 v33, $0x3  }
0x12b: {  	v33 =	vand.u32 $0x7F, v33;
	v35 =	vand.u32 $0xFFFFFC00, v50  }
0x12c: {  	v33 =	vor.u32 v33, v35  }
0x12d: {  	s21 =	sadd.s32 $0x80, s21;
	v35 =	vadd.s32 v30, v33  }
0x12e: {  	v33 =	vadd.s32 v1, v33;
	[tilespmem:s21+$0xFFFFFFC0] =	vst v35  }
0x12f: {  	[tilespmem:s21+$0xFFFFFFD0] =	vst v33  }
0x130: {  	v33 =	vld.idx.msk [tilespmem:v34+s3+$0x0], $0xffff  }
0x131: {  	s24 =	sadd.s32 $0x10, s22  }
0x132: {  	v51 =	vmov s24  }
0x133: {  	v34 =	vshrl.u32 v51, $0x3  }
0x134: {  	v34 =	vshll.u32 v34, v0  }
0x135: {  	v34 =	vbroadcast v34, $0x0;
	v52 =	vshll.u32 v33, $0x3  }
0x136: {  	v33 =	vand.u32 $0x7F, v33;
	v35 =	vand.u32 $0xFFFFFC00, v52  }
0x137: {  	v33 =	vor.u32 v33, v35  }
0x138: {  	v35 =	vadd.s32 v2, v33  }
0x139: {  	v33 =	vadd.s32 v3, v33;
	[tilespmem:s21+$0xFFFFFFE0] =	vst v35  }
0x13a: {  	[tilespmem:s21+$0xFFFFFFF0] =	vst v33  }
0x13b: {  	v33 =	vld.idx.msk [tilespmem:v34+s3+$0x0], $0xffff  }
0x13c: {  	s25 =	sadd.s32 $0x18, s22  }
0x13d: {  	v53 =	vmov s25  }
0x13e: {  	v34 =	vshrl.u32 v53, $0x3  }
0x13f: {  	v34 =	vshll.u32 v34, v0  }
0x140: {  	v34 =	vbroadcast v34, $0x0;
	v54 =	vshll.u32 v33, $0x3  }
0x141: {  	v33 =	vand.u32 $0x7F, v33;
	v35 =	vand.u32 $0xFFFFFC00, v54  }
0x142: {  	v33 =	vor.u32 v33, v35  }
0x143: {  	v35 =	vadd.s32 v4, v33  }
0x144: {  	v33 =	vadd.s32 v5, v33;
	[tilespmem:s21+$0x0] =	vst v35  }
0x145: {  	[tilespmem:s21+$0x10] =	vst v33  }
0x146: {  	v33 =	vld.idx.msk [tilespmem:v34+s3+$0x0], $0xffff;
	_ =	sdelay $0x1  }
0x147: {  	s26 =	simm.s32 $0x2000  }
0x148: {  	v55 =	vmov s26  }
0x149: {  	v34 =	vshrl.u32 v55, $0x3  }
0x14a: {  	v34 =	vshll.u32 v34, v0;
	v56 =	vshll.u32 v33, $0x3  }
0x14b: {  	v34 =	vbroadcast v34, $0x0;
	v33 =	vand.u32 $0x7F, v33;
	v35 =	vand.u32 $0xFFFFFC00, v56  }
0x14c: {  	v33 =	vor.u32 v33, v35  }
0x14d: {  	v35 =	vadd.s32 v6, v33  }
0x14e: {  	v33 =	vadd.s32 v7, v33;
	[tilespmem:s21+$0x20] =	vst v35  }
0x14f: {  	[tilespmem:s21+$0x30] =	vst v33  }
0x150: {  	[tilespmem:s9], [sflag:$0x1] =	stream.indirect.gather [hbm4b:s0+s7], $0x1, s8, s7, $0xb8;
	[tilespmem:$0x1D020] =	vst v63  }
0x151: {  	v33 =	vld.idx.msk [tilespmem:v34+s3+$0x0], $0xffff  }
0x152: {  	s28 =	simm.s32 $0x2008  }
0x153: {  	v57 =	vmov s28  }
0x154: {  	v34 =	vshrl.u32 v57, $0x3  }
0x155: {  	v34 =	vshll.u32 v34, v0  }
0x156: {  	v34 =	vbroadcast v34, $0x0;
	v58 =	vshll.u32 v33, $0x3  }
0x157: {  	v33 =	vand.u32 $0x7F, v33;
	v35 =	vand.u32 $0xFFFFFC00, v58  }
0x158: {  	v33 =	vor.u32 v33, v35  }
0x159: {  	s22 =	simm.s32 $0x0;
	v35 =	vadd.s32 v30, v33  }
0x15a: {  	v33 =	vadd.s32 v1, v33;
	[tilespmem:s22+$0x8000] =	vst v35  }
0x15b: {  	[tilespmem:s22+$0x8010] =	vst v33  }
0x15c: {  	v33 =	vld.idx.msk [tilespmem:v34+s3+$0x0], $0xffff  }
0x15d: {  	s29 =	simm.s32 $0x2010  }
0x15e: {  	v59 =	vmov s29  }
0x15f: {  	v34 =	vshrl.u32 v59, $0x3  }
0x160: {  	v34 =	vshll.u32 v34, v0  }
0x161: {  	v34 =	vbroadcast v34, $0x0;
	v60 =	vshll.u32 v33, $0x3  }
0x162: {  	v33 =	vand.u32 $0x7F, v33;
	v35 =	vand.u32 $0xFFFFFC00, v60  }
0x163: {  	v33 =	vor.u32 v33, v35  }
0x164: {  	v35 =	vadd.s32 v2, v33  }
0x165: {  	v33 =	vadd.s32 v3, v33;
	[tilespmem:s22+$0x8020] =	vst v35  }
0x166: {  	[tilespmem:s22+$0x8030] =	vst v33  }
0x167: {  	v33 =	vld.idx.msk [tilespmem:v34+s3+$0x0], $0xffff  }
0x168: {  	s30 =	simm.s32 $0x2018  }
0x169: {  	v61 =	vmov s30  }
0x16a: {  	v34 =	vshrl.u32 v61, $0x3  }
0x16b: {  	v34 =	vshll.u32 v34, v0  }
0x16c: {  	v34 =	vbroadcast v34, $0x0;
	v62 =	vshll.u32 v33, $0x3  }
0x16d: {  	v33 =	vand.u32 $0x7F, v33;
	v35 =	vand.u32 $0xFFFFFC00, v62  }
0x16e: {  	v33 =	vor.u32 v33, v35  }
0x16f: {  	v35 =	vadd.s32 v4, v33  }
0x170: {  	v33 =	vadd.s32 v5, v33;
	[tilespmem:s22+$0x8040] =	vst v35  }
0x171: {  	[tilespmem:s22+$0x8050] =	vst v33  }
0x172: {  	v34 =	vld.idx.msk [tilespmem:v34+s3+$0x0], $0xffff  }
0x173: {  	s31 =	simm.s32 $0x2080  }
0x174: {  	v63 =	vmov s31  }
0x175: {  	v33 =	vshrl.u32 v63, $0x3  }
0x176: {  	v33 =	vshll.u32 v33, v0  }
0x177: {  	s24 =	simm.s32 $0x400;
	s23 =	simm.s32 $0x200;
	s21 =	simm.s32 $0x2098;
	v33 =	vbroadcast v33, $0x0;
	v35 =	vshll.u32 v34, $0x3;
	v34 =	vand.u32 $0x7F, v34  }
.LBB2_6:
0x178: {  	p0 =	sne.s32 s24, $0x7E00;
	v35 =	vand.u32 $0xFFFFFC00, v35;
	s25 =	smov.u32 s24;
	s24 =	sadd.s32 $0x200, s24  }
0x179: {  	v34 =	vor.u32 v34, v35  }
0x17a: {  	v35 =	vadd.s32 v6, v34;
	v34 =	vadd.s32 v7, v34  }
0x17b: {  	[tilespmem:s22+$0x8060] =	vst v35  }
0x17c: {  	[tilespmem:s22+$0x8070] =	vst v34  }
0x17d: {  	v33 =	vld.idx.msk [tilespmem:v33+s3+$0x0], $0xffff  }
0x17e: {  	s22 =	sadd.s32 $0xFFFFFFF0, s21  }
0x17f: {  	v34 =	vmov s22  }
0x180: {  	v34 =	vshrl.u32 v34, $0x3  }
0x181: {  	v34 =	vshll.u32 v34, v0  }
0x182: {  	v34 =	vbroadcast v34, $0x0  }
0x183: {  	v35 =	vshll.u32 v33, $0x3  }
0x184: {  	v33 =	vand.u32 $0x7F, v33;
	v35 =	vand.u32 $0xFFFFFC00, v35  }
0x185: {  	v33 =	vor.u32 v33, v35  }
0x186: {  	s22 =	sshra.s32 s23, $0x2;
	s23 =	smov.u32 s25;
	v35 =	vadd.s32 v30, v33;
	v33 =	vadd.s32 v1, v33  }
0x187: {  	[tilespmem:s22+$0x8000] =	vst v35  }
0x188: {  	[tilespmem:s22+$0x8010] =	vst v33  }
0x189: {  	s25 =	sadd.s32 $0xFFFFFFF8, s21;
	v33 =	vld.idx.msk [tilespmem:v34+s3+$0x0], $0xffff  }
0x18a: {  	v34 =	vmov s25  }
0x18b: {  	v34 =	vshrl.u32 v34, $0x3  }
0x18c: {  	v34 =	vshll.u32 v34, v0  }
0x18d: {  	v34 =	vbroadcast v34, $0x0;
	_ =	sdelay $0x1  }
0x18e: {  	v35 =	vshll.u32 v33, $0x3;
	v33 =	vand.u32 $0x7F, v33  }
0x18f: {  	v35 =	vand.u32 $0xFFFFFC00, v35  }
0x190: {  	v33 =	vor.u32 v33, v35  }
0x191: {  	v35 =	vadd.s32 v2, v33;
	v33 =	vadd.s32 v3, v33  }
0x192: {  	[tilespmem:s22+$0x8020] =	vst v35  }
0x193: {  	[tilespmem:s22+$0x8030] =	vst v33  }
0x194: {  	v33 =	vld.idx.msk [tilespmem:v34+s3+$0x0], $0xffff;
	v34 =	vmov s21  }
0x195: {  	v34 =	vshrl.u32 v34, $0x3  }
0x196: {  	v34 =	vshll.u32 v34, v0  }
0x197: {  	v34 =	vbroadcast v34, $0x0;
	_ =	sdelay $0x2  }
0x198: {  	v35 =	vshll.u32 v33, $0x3;
	v33 =	vand.u32 $0x7F, v33  }
0x199: {  	v35 =	vand.u32 $0xFFFFFC00, v35  }
0x19a: {  	v33 =	vor.u32 v33, v35  }
0x19b: {  	v35 =	vadd.s32 v4, v33;
	v33 =	vadd.s32 v5, v33  }
0x19c: {  	[tilespmem:s22+$0x8040] =	vst v35  }
0x19d: {  	[tilespmem:s22+$0x8050] =	vst v33  }
0x19e: {  	v34 =	vld.idx.msk [tilespmem:v34+s3+$0x0], $0xffff  }
0x19f: {  	s21 =	sadd.s32 $0x80, s21  }
.Ltmp2:
0x1a0: {  	s25 =	sadd.s32 $0xFFFFFFE8, s21;
	(pc) =	sbr.rel @p0 .LBB2_6-.Ltmp2, $4  }
0x1a1: {  	v33 =	vmov s25  }
0x1a2: {  	v33 =	vshrl.u32 v33, $0x3  }
0x1a3: {  	v33 =	vshll.u32 v33, v0  }
0x1a4: {  	v33 =	vbroadcast v33, $0x0;
	v35 =	vshll.u32 v34, $0x3;
	v34 =	vand.u32 $0x7F, v34  }
0x1a5: {  	v35 =	vand.u32 $0xFFFFFC00, v35  }
0x1a6: {  	v34 =	vor.u32 v34, v35  }
0x1a7: {  	v35 =	vadd.s32 v6, v34  }
0x1a8: {  	v34 =	vadd.s32 v7, v34;
	[tilespmem:s22+$0x8060] =	vst v35  }
0x1a9: {  	[tilespmem:s22+$0x8070] =	vst v34  }
0x1aa: {  	v33 =	vld.idx.msk [tilespmem:v33+s3+$0x0], $0xffff  }
0x1ab: {  	s31 =	sadd.s32 $0xFFFFFFF0, s21  }
0x1ac: {  	v49 =	vmov s31  }
0x1ad: {  	v34 =	vshrl.u32 v49, $0x3  }
0x1ae: {  	v34 =	vshll.u32 v34, v0  }
0x1af: {  	v34 =	vbroadcast v34, $0x0;
	v50 =	vshll.u32 v33, $0x3  }
0x1b0: {  	v33 =	vand.u32 $0x7F, v33;
	v35 =	vand.u32 $0xFFFFFC00, v50  }
0x1b1: {  	v33 =	vor.u32 v33, v35  }
0x1b2: {  	s24 =	sshra.s32 s23, $0x2;
	v35 =	vadd.s32 v30, v33  }
0x1b3: {  	v33 =	vadd.s32 v1, v33;
	[tilespmem:s24+$0x8000] =	vst v35  }
0x1b4: {  	[tilespmem:s24+$0x8010] =	vst v33  }
0x1b5: {  	v33 =	vld.idx.msk [tilespmem:v34+s3+$0x0], $0xffff  }
0x1b6: {  	s25 =	sadd.s32 $0xFFFFFFF8, s21  }
0x1b7: {  	v51 =	vmov s25  }
0x1b8: {  	v34 =	vshrl.u32 v51, $0x3  }
0x1b9: {  	v34 =	vshll.u32 v34, v0  }
0x1ba: {  	v34 =	vbroadcast v34, $0x0;
	v52 =	vshll.u32 v33, $0x3  }
0x1bb: {  	v33 =	vand.u32 $0x7F, v33;
	v35 =	vand.u32 $0xFFFFFC00, v52  }
0x1bc: {  	v33 =	vor.u32 v33, v35  }
0x1bd: {  	v35 =	vadd.s32 v2, v33  }
0x1be: {  	v33 =	vadd.s32 v3, v33;
	[tilespmem:s24+$0x8020] =	vst v35  }
0x1bf: {  	[tilespmem:s24+$0x8030] =	vst v33  }
0x1c0: {  	v33 =	vld.idx.msk [tilespmem:v34+s3+$0x0], $0xffff;
	_ =	sdelay $0x1  }
0x1c1: {  	v53 =	vmov s21  }
0x1c2: {  	v34 =	vshrl.u32 v53, $0x3  }
0x1c3: {  	v34 =	vshll.u32 v34, v0  }
0x1c4: {  	v34 =	vbroadcast v34, $0x0;
	v54 =	vshll.u32 v33, $0x3  }
0x1c5: {  	v33 =	vand.u32 $0x7F, v33;
	v35 =	vand.u32 $0xFFFFFC00, v54  }
0x1c6: {  	v33 =	vor.u32 v33, v35  }
0x1c7: {  	v35 =	vadd.s32 v4, v33  }
0x1c8: {  	v33 =	vadd.s32 v5, v33;
	[tilespmem:s24+$0x8040] =	vst v35  }
0x1c9: {  	[tilespmem:s24+$0x8050] =	vst v33  }
0x1ca: {  	v33 =	vld.idx.msk [tilespmem:v34+s3+$0x0], $0xffff;
	_ =	sdelay $0x1  }
0x1cb: {  	s26 =	simm.s32 $0x20  }
0x1cc: {  	v55 =	vmov s26  }
0x1cd: {  	v34 =	vshrl.u32 v55, $0x3  }
0x1ce: {  	v34 =	vshll.u32 v34, v0;
	v56 =	vshll.u32 v33, $0x3  }
0x1cf: {  	v34 =	vbroadcast v34, $0x0;
	v33 =	vand.u32 $0x7F, v33;
	v35 =	vand.u32 $0xFFFFFC00, v56  }
0x1d0: {  	v33 =	vor.u32 v33, v35  }
0x1d1: {  	v35 =	vadd.s32 v6, v33  }
0x1d2: {  	v33 =	vadd.s32 v7, v33;
	[tilespmem:s24+$0x8060] =	vst v35  }
0x1d3: {  	[tilespmem:s24+$0x8070] =	vst v33  }
0x1d4: {  	[tilespmem:s11], [sflag:$0x1] =	stream.indirect.gather [hbm4b:s0+s7], $0x1, s10, s7, $0xb8;
	[tilespmem:$0x1D020] =	vst v63  }
0x1d5: {  	v33 =	vld.idx.msk [tilespmem:v34+s3+$0x0], $0xffff  }
0x1d6: {  	s28 =	simm.s32 $0x28  }
0x1d7: {  	v57 =	vmov s28  }
0x1d8: {  	v34 =	vshrl.u32 v57, $0x3  }
0x1d9: {  	v34 =	vshll.u32 v34, v0  }
0x1da: {  	v34 =	vbroadcast v34, $0x0;
	v58 =	vshll.u32 v33, $0x3  }
0x1db: {  	v33 =	vand.u32 $0x7F, v33;
	v35 =	vand.u32 $0xFFFFFC00, v58  }
0x1dc: {  	v33 =	vor.u32 v33, v35  }
0x1dd: {  	s22 =	simm.s32 $0x0;
	v35 =	vadd.s32 v8, v33  }
0x1de: {  	v33 =	vadd.s32 v9, v33;
	[tilespmem:s22+$0xC000] =	vst v35  }
0x1df: {  	[tilespmem:s22+$0xC010] =	vst v33  }
0x1e0: {  	v33 =	vld.idx.msk [tilespmem:v34+s3+$0x0], $0xffff  }
0x1e1: {  	s29 =	simm.s32 $0x30  }
0x1e2: {  	v59 =	vmov s29  }
0x1e3: {  	v34 =	vshrl.u32 v59, $0x3  }
0x1e4: {  	v34 =	vshll.u32 v34, v0  }
0x1e5: {  	v34 =	vbroadcast v34, $0x0;
	v60 =	vshll.u32 v33, $0x3  }
0x1e6: {  	v33 =	vand.u32 $0x7F, v33;
	v35 =	vand.u32 $0xFFFFFC00, v60  }
0x1e7: {  	v33 =	vor.u32 v33, v35  }
0x1e8: {  	v35 =	vadd.s32 v10, v33  }
0x1e9: {  	v33 =	vadd.s32 v11, v33;
	[tilespmem:s22+$0xC020] =	vst v35  }
0x1ea: {  	[tilespmem:s22+$0xC030] =	vst v33  }
0x1eb: {  	v33 =	vld.idx.msk [tilespmem:v34+s3+$0x0], $0xffff  }
0x1ec: {  	s30 =	simm.s32 $0x38  }
0x1ed: {  	v61 =	vmov s30  }
0x1ee: {  	v34 =	vshrl.u32 v61, $0x3  }
0x1ef: {  	v34 =	vshll.u32 v34, v0  }
0x1f0: {  	v34 =	vbroadcast v34, $0x0;
	v62 =	vshll.u32 v33, $0x3  }
0x1f1: {  	v33 =	vand.u32 $0x7F, v33;
	v35 =	vand.u32 $0xFFFFFC00, v62  }
0x1f2: {  	v33 =	vor.u32 v33, v35  }
0x1f3: {  	v35 =	vadd.s32 v12, v33  }
0x1f4: {  	v33 =	vadd.s32 v13, v33;
	[tilespmem:s22+$0xC040] =	vst v35  }
0x1f5: {  	[tilespmem:s22+$0xC050] =	vst v33  }
0x1f6: {  	v34 =	vld.idx.msk [tilespmem:v34+s3+$0x0], $0xffff  }
0x1f7: {  	s31 =	simm.s32 $0xA0  }
0x1f8: {  	v63 =	vmov s31  }
0x1f9: {  	v33 =	vshrl.u32 v63, $0x3  }
0x1fa: {  	v33 =	vshll.u32 v33, v0  }
0x1fb: {  	s23 =	simm.s32 $0x200;
	s21 =	simm.s32 $0xB8;
	s24 =	simm.s32 $0x400;
	v33 =	vbroadcast v33, $0x0;
	v35 =	vshll.u32 v34, $0x3;
	v34 =	vand.u32 $0x7F, v34  }
.LBB2_8:
0x1fc: {  	p0 =	sne.s32 s24, $0xFE00;
	v35 =	vand.u32 $0xFFFFFC00, v35;
	s25 =	smov.u32 s24;
	s24 =	sadd.s32 $0x200, s24  }
0x1fd: {  	v34 =	vor.u32 v34, v35  }
0x1fe: {  	v35 =	vadd.s32 v14, v34;
	v34 =	vadd.s32 v15, v34  }
0x1ff: {  	[tilespmem:s22+$0xC060] =	vst v35  }
0x200: {  	[tilespmem:s22+$0xC070] =	vst v34  }
0x201: {  	v33 =	vld.idx.msk [tilespmem:v33+s3+$0x0], $0xffff  }
0x202: {  	s22 =	sadd.s32 $0xFFFFFFF0, s21  }
0x203: {  	v34 =	vmov s22  }
0x204: {  	v34 =	vshrl.u32 v34, $0x3  }
0x205: {  	v34 =	vshll.u32 v34, v0  }
0x206: {  	v34 =	vbroadcast v34, $0x0  }
0x207: {  	v35 =	vshll.u32 v33, $0x3  }
0x208: {  	v33 =	vand.u32 $0x7F, v33;
	v35 =	vand.u32 $0xFFFFFC00, v35  }
0x209: {  	v33 =	vor.u32 v33, v35  }
0x20a: {  	s22 =	sshra.s32 s23, $0x2;
	s23 =	smov.u32 s25;
	v35 =	vadd.s32 v8, v33;
	v33 =	vadd.s32 v9, v33  }
0x20b: {  	[tilespmem:s22+$0xC000] =	vst v35  }
0x20c: {  	[tilespmem:s22+$0xC010] =	vst v33  }
0x20d: {  	s25 =	sadd.s32 $0xFFFFFFF8, s21;
	v33 =	vld.idx.msk [tilespmem:v34+s3+$0x0], $0xffff  }
0x20e: {  	v34 =	vmov s25  }
0x20f: {  	v34 =	vshrl.u32 v34, $0x3  }
0x210: {  	v34 =	vshll.u32 v34, v0  }
0x211: {  	v34 =	vbroadcast v34, $0x0;
	_ =	sdelay $0x1  }
0x212: {  	v35 =	vshll.u32 v33, $0x3;
	v33 =	vand.u32 $0x7F, v33  }
0x213: {  	v35 =	vand.u32 $0xFFFFFC00, v35  }
0x214: {  	v33 =	vor.u32 v33, v35  }
0x215: {  	v35 =	vadd.s32 v10, v33;
	v33 =	vadd.s32 v11, v33  }
0x216: {  	[tilespmem:s22+$0xC020] =	vst v35  }
0x217: {  	[tilespmem:s22+$0xC030] =	vst v33  }
0x218: {  	v33 =	vld.idx.msk [tilespmem:v34+s3+$0x0], $0xffff;
	v34 =	vmov s21  }
0x219: {  	v34 =	vshrl.u32 v34, $0x3  }
0x21a: {  	v34 =	vshll.u32 v34, v0  }
0x21b: {  	v34 =	vbroadcast v34, $0x0;
	_ =	sdelay $0x2  }
0x21c: {  	v35 =	vshll.u32 v33, $0x3;
	v33 =	vand.u32 $0x7F, v33  }
0x21d: {  	v35 =	vand.u32 $0xFFFFFC00, v35  }
0x21e: {  	v33 =	vor.u32 v33, v35  }
0x21f: {  	v35 =	vadd.s32 v12, v33;
	v33 =	vadd.s32 v13, v33  }
0x220: {  	[tilespmem:s22+$0xC040] =	vst v35  }
0x221: {  	[tilespmem:s22+$0xC050] =	vst v33  }
0x222: {  	v34 =	vld.idx.msk [tilespmem:v34+s3+$0x0], $0xffff  }
0x223: {  	s21 =	sadd.s32 $0x80, s21  }
.Ltmp3:
0x224: {  	s25 =	sadd.s32 $0xFFFFFFE8, s21;
	(pc) =	sbr.rel @p0 .LBB2_8-.Ltmp3, $4  }
0x225: {  	v33 =	vmov s25  }
0x226: {  	v33 =	vshrl.u32 v33, $0x3  }
0x227: {  	v33 =	vshll.u32 v33, v0  }
0x228: {  	v33 =	vbroadcast v33, $0x0;
	v35 =	vshll.u32 v34, $0x3;
	v34 =	vand.u32 $0x7F, v34  }
0x229: {  	v35 =	vand.u32 $0xFFFFFC00, v35  }
0x22a: {  	v34 =	vor.u32 v34, v35  }
0x22b: {  	v35 =	vadd.s32 v14, v34  }
0x22c: {  	v34 =	vadd.s32 v15, v34;
	[tilespmem:s22+$0xC060] =	vst v35  }
0x22d: {  	[tilespmem:s22+$0xC070] =	vst v34  }
0x22e: {  	v33 =	vld.idx.msk [tilespmem:v33+s3+$0x0], $0xffff  }
0x22f: {  	s29 =	sadd.s32 $0xFFFFFFF0, s21  }
0x230: {  	v56 =	vmov s29  }
0x231: {  	v34 =	vshrl.u32 v56, $0x3  }
0x232: {  	v34 =	vshll.u32 v34, v0  }
0x233: {  	v34 =	vbroadcast v34, $0x0;
	v57 =	vshll.u32 v33, $0x3  }
0x234: {  	v33 =	vand.u32 $0x7F, v33;
	v35 =	vand.u32 $0xFFFFFC00, v57  }
0x235: {  	v33 =	vor.u32 v33, v35  }
0x236: {  	s30 =	sshra.s32 s23, $0x2;
	v35 =	vadd.s32 v8, v33  }
0x237: {  	v33 =	vadd.s32 v9, v33;
	[tilespmem:s30+$0xC000] =	vst v35  }
0x238: {  	[tilespmem:s30+$0xC010] =	vst v33  }
0x239: {  	v33 =	vld.idx.msk [tilespmem:v34+s3+$0x0], $0xffff  }
0x23a: {  	s31 =	sadd.s32 $0xFFFFFFF8, s21  }
0x23b: {  	v58 =	vmov s31  }
0x23c: {  	v34 =	vshrl.u32 v58, $0x3  }
0x23d: {  	v34 =	vshll.u32 v34, v0  }
0x23e: {  	v34 =	vbroadcast v34, $0x0;
	v59 =	vshll.u32 v33, $0x3  }
0x23f: {  	v33 =	vand.u32 $0x7F, v33;
	v35 =	vand.u32 $0xFFFFFC00, v59  }
0x240: {  	v33 =	vor.u32 v33, v35  }
0x241: {  	v35 =	vadd.s32 v10, v33  }
0x242: {  	v33 =	vadd.s32 v11, v33;
	[tilespmem:s30+$0xC020] =	vst v35  }
0x243: {  	[tilespmem:s30+$0xC030] =	vst v33  }
0x244: {  	v33 =	vld.idx.msk [tilespmem:v34+s3+$0x0], $0xffff;
	_ =	sdelay $0x1  }
0x245: {  	v60 =	vmov s21  }
0x246: {  	v34 =	vshrl.u32 v60, $0x3  }
0x247: {  	v34 =	vshll.u32 v34, v0  }
0x248: {  	v34 =	vbroadcast v34, $0x0;
	v61 =	vshll.u32 v33, $0x3  }
0x249: {  	v33 =	vand.u32 $0x7F, v33;
	v35 =	vand.u32 $0xFFFFFC00, v61  }
0x24a: {  	v33 =	vor.u32 v33, v35  }
0x24b: {  	v35 =	vadd.s32 v12, v33  }
0x24c: {  	v33 =	vadd.s32 v13, v33;
	[tilespmem:s30+$0xC040] =	vst v35  }
0x24d: {  	[tilespmem:s30+$0xC050] =	vst v33  }
0x24e: {  	v33 =	vld.idx.msk [tilespmem:v34+s3+$0x0], $0xffff;
	_ =	sdelay $0x4  }
0x24f: {  	v34 =	vshll.u32 v33, $0x3  }
0x250: {  	v33 =	vand.u32 $0x7F, v33;
	v34 =	vand.u32 $0xFFFFFC00, v34  }
0x251: {  	v33 =	vor.u32 v33, v34  }
0x252: {  	v34 =	vadd.s32 v14, v33  }
0x253: {  	v33 =	vadd.s32 v15, v33;
	[tilespmem:s30+$0xC060] =	vst v34  }
0x254: {  	[tilespmem:s30+$0xC070] =	vst v33  }
0x255: {  	[tilespmem:s13], [sflag:$0x1] =	stream.indirect.gather [hbm4b:s0+s8], $0x1, s12, s8, $0xb8;
	[tilespmem:$0x1D020] =	vst v63  }
0x256: {  	_ =	swait.ge [sflag:s18], $0x2000  }
0x257: {  	[sflag:s18] =	ssyncset.done $0x0  }
0x258: {  	s21 =	simm.s32 $0x0;
	[sflag:s18] =	ssyncadd.s32 $0xFFFFE000  }
0x259: {  	s22 =	simm.s32 $0x10040;
	v62 =	vld [tilespmem:s21+$0x1C000]  }
0x25a: {  	v37 =	vld [tilespmem:s22+$0xFFFFFFE0]  }
0x25b: {  	v63 =	vld [tilespmem:s22+$0xFFFFFFC0]  }
0x25c: {  	v38 =	vld [tilespmem:s22+$0xFFFFFFD0]  }
0x25d: {  	v39 =	vld [tilespmem:s21+$0x1C010]  }
0x25e: {  	v35 =	vld [tilespmem:s22+$0xFFFFFFF0]  }
0x25f: {  	v36 =	vld [tilespmem:s22+$0x0]  }
0x260: {  	v33 =	vld [tilespmem:s22+$0x10];
	v40 =	vadd.f32 v63, v62  }
0x261: {  	v34 =	vld [tilespmem:s22+$0x20]  }
0x262: {  	s23 =	simm.s32 $0x80;
	v39 =	vadd.f32 v38, v39;
	v38 =	vadd.f32 v37, v40;
	v37 =	vld [tilespmem:s22+$0x30]  }
.LBB2_10:
0x263: {  	p0 =	sne.s32 s23, $0x1F80  }
0x264: {  	s22 =	sadd.s32 $0x80, s22;
	s24 =	smov.u32 s23;
	s23 =	sadd.s32 $0x80, s23;
	v35 =	vadd.f32 v35, v39;
	v36 =	vadd.f32 v36, v38  }
0x265: {  	_ = 	snop  }
0x266: {  	v33 =	vadd.f32 v33, v35;
	v34 =	vadd.f32 v34, v36  }
0x267: {  	s24 =	sshra.s32 s24, $0x2  }
0x268: {  	v33 =	vadd.f32 v37, v33;
	[tilespmem:s21+$0x1C000] =	vst v34  }
0x269: {  	v34 =	vld [tilespmem:s24+$0x1C000]  }
0x26a: {  	[tilespmem:s21+$0x1C010] =	vst v33;
	s21 =	smov.u32 s24  }
0x26b: {  	v37 =	vld [tilespmem:s22+$0xFFFFFFE0]  }
0x26c: {  	v33 =	vld [tilespmem:s22+$0xFFFFFFC0]  }
0x26d: {  	v38 =	vld [tilespmem:s22+$0xFFFFFFD0]  }
0x26e: {  	v39 =	vld [tilespmem:s21+$0x1C010]  }
.Ltmp4:
0x26f: {  	v35 =	vld [tilespmem:s22+$0xFFFFFFF0];
	(pc) =	sbr.rel @p0 .LBB2_10-.Ltmp4, $4  }
0x270: {  	v36 =	vld [tilespmem:s22+$0x0]  }
0x271: {  	v40 =	vadd.f32 v33, v34;
	v33 =	vld [tilespmem:s22+$0x10]  }
0x272: {  	v34 =	vld [tilespmem:s22+$0x20]  }
0x273: {  	v39 =	vadd.f32 v38, v39;
	v38 =	vadd.f32 v37, v40;
	v37 =	vld [tilespmem:s22+$0x30]  }
0x274: {  	s22 =	simm.s32 $0x40  }
0x275: {  	v40 =	vmov s22  }
0x276: {  	v40 =	vshrl.u32 v40, $0x3  }
0x277: {  	v35 =	vadd.f32 v35, v39;
	v55 =	vshll.u32 v40, v0  }
0x278: {  	v36 =	vadd.f32 v36, v38;
	v56 =	vbroadcast v55, $0x0  }
0x279: {  	v33 =	vadd.f32 v33, v35  }
0x27a: {  	v34 =	vadd.f32 v34, v36  }
0x27b: {  	v33 =	vadd.f32 v37, v33  }
0x27c: {  	[tilespmem:s21+$0x1C000] =	vst v34  }
0x27d: {  	[tilespmem:s21+$0x1C010] =	vst v33  }
0x27e: {  	v33 =	vld.idx.msk [tilespmem:v56+s3+$0x0], $0xffff  }
0x27f: {  	s28 =	simm.s32 $0x48  }
0x280: {  	v57 =	vmov s28  }
0x281: {  	v34 =	vshrl.u32 v57, $0x3  }
0x282: {  	v34 =	vshll.u32 v34, v0  }
0x283: {  	v34 =	vbroadcast v34, $0x0;
	v58 =	vshll.u32 v33, $0x3  }
0x284: {  	v33 =	vand.u32 $0x7F, v33;
	v35 =	vand.u32 $0xFFFFFC00, v58  }
0x285: {  	v33 =	vor.u32 v33, v35  }
0x286: {  	s21 =	simm.s32 $0x4040;
	v35 =	vadd.s32 v16, v33  }
0x287: {  	v33 =	vadd.s32 v17, v33;
	[tilespmem:s21+$0xFFFFFFC0] =	vst v35  }
0x288: {  	[tilespmem:s21+$0xFFFFFFD0] =	vst v33  }
0x289: {  	v33 =	vld.idx.msk [tilespmem:v34+s3+$0x0], $0xffff  }
0x28a: {  	s29 =	simm.s32 $0x50  }
0x28b: {  	v59 =	vmov s29  }
0x28c: {  	v34 =	vshrl.u32 v59, $0x3  }
0x28d: {  	v34 =	vshll.u32 v34, v0  }
0x28e: {  	v34 =	vbroadcast v34, $0x0;
	v60 =	vshll.u32 v33, $0x3  }
0x28f: {  	v33 =	vand.u32 $0x7F, v33;
	v35 =	vand.u32 $0xFFFFFC00, v60  }
0x290: {  	v33 =	vor.u32 v33, v35  }
0x291: {  	v35 =	vadd.s32 v18, v33  }
0x292: {  	v33 =	vadd.s32 v19, v33;
	[tilespmem:s21+$0xFFFFFFE0] =	vst v35  }
0x293: {  	[tilespmem:s21+$0xFFFFFFF0] =	vst v33  }
0x294: {  	v33 =	vld.idx.msk [tilespmem:v34+s3+$0x0], $0xffff  }
0x295: {  	s30 =	simm.s32 $0x58  }
0x296: {  	v61 =	vmov s30  }
0x297: {  	v34 =	vshrl.u32 v61, $0x3  }
0x298: {  	v34 =	vshll.u32 v34, v0  }
0x299: {  	v34 =	vbroadcast v34, $0x0;
	v62 =	vshll.u32 v33, $0x3  }
0x29a: {  	v33 =	vand.u32 $0x7F, v33;
	v35 =	vand.u32 $0xFFFFFC00, v62  }
0x29b: {  	v33 =	vor.u32 v33, v35  }
0x29c: {  	v35 =	vadd.s32 v20, v33  }
0x29d: {  	v33 =	vadd.s32 v21, v33;
	[tilespmem:s21+$0x0] =	vst v35  }
0x29e: {  	[tilespmem:s21+$0x10] =	vst v33  }
0x29f: {  	v34 =	vld.idx.msk [tilespmem:v34+s3+$0x0], $0xffff  }
0x2a0: {  	s31 =	simm.s32 $0xC0  }
0x2a1: {  	v63 =	vmov s31  }
0x2a2: {  	v33 =	vshrl.u32 v63, $0x3  }
0x2a3: {  	v33 =	vshll.u32 v33, v0  }
0x2a4: {  	s24 =	simm.s32 $0x158;
	s23 =	simm.s32 $0x4040;
	s22 =	simm.s32 $0xD8;
	v33 =	vbroadcast v33, $0x0;
	v35 =	vshll.u32 v34, $0x3;
	v34 =	vand.u32 $0x7F, v34  }
.LBB2_12:
0x2a5: {  	p0 =	sne.s32 s24, $0x3FD8  }
0x2a6: {  	v35 =	vand.u32 $0xFFFFFC00, v35;
	s21 =	sadd.s32 $0x80, s21;
	s25 =	smov.u32 s24;
	s24 =	sadd.s32 $0x80, s24  }
0x2a7: {  	v34 =	vor.u32 v34, v35  }
0x2a8: {  	v35 =	vadd.s32 v22, v34;
	v34 =	vadd.s32 v23, v34  }
0x2a9: {  	[tilespmem:s23+$0x20] =	vst v35  }
0x2aa: {  	[tilespmem:s23+$0x30] =	vst v34;
	s23 =	smov.u32 s21  }
0x2ab: {  	v33 =	vld.idx.msk [tilespmem:v33+s3+$0x0], $0xffff  }
0x2ac: {  	s26 =	sadd.s32 $0xFFFFFFF0, s22  }
0x2ad: {  	v34 =	vmov s26  }
0x2ae: {  	v34 =	vshrl.u32 v34, $0x3  }
0x2af: {  	v34 =	vshll.u32 v34, v0  }
0x2b0: {  	v34 =	vbroadcast v34, $0x0  }
0x2b1: {  	v35 =	vshll.u32 v33, $0x3  }
0x2b2: {  	v33 =	vand.u32 $0x7F, v33;
	v35 =	vand.u32 $0xFFFFFC00, v35  }
0x2b3: {  	v33 =	vor.u32 v33, v35  }
0x2b4: {  	v35 =	vadd.s32 v16, v33;
	v33 =	vadd.s32 v17, v33  }
0x2b5: {  	[tilespmem:s21+$0xFFFFFFC0] =	vst v35  }
0x2b6: {  	[tilespmem:s21+$0xFFFFFFD0] =	vst v33  }
0x2b7: {  	s26 =	sadd.s32 $0xFFFFFFF8, s22;
	v33 =	vld.idx.msk [tilespmem:v34+s3+$0x0], $0xffff  }
0x2b8: {  	v34 =	vmov s26  }
0x2b9: {  	v34 =	vshrl.u32 v34, $0x3  }
0x2ba: {  	v34 =	vshll.u32 v34, v0  }
0x2bb: {  	v34 =	vbroadcast v34, $0x0;
	_ =	sdelay $0x1  }
0x2bc: {  	v35 =	vshll.u32 v33, $0x3;
	v33 =	vand.u32 $0x7F, v33  }
0x2bd: {  	v35 =	vand.u32 $0xFFFFFC00, v35  }
0x2be: {  	v33 =	vor.u32 v33, v35  }
0x2bf: {  	v35 =	vadd.s32 v18, v33;
	v33 =	vadd.s32 v19, v33  }
0x2c0: {  	[tilespmem:s21+$0xFFFFFFE0] =	vst v35  }
0x2c1: {  	[tilespmem:s21+$0xFFFFFFF0] =	vst v33  }
0x2c2: {  	v33 =	vld.idx.msk [tilespmem:v34+s3+$0x0], $0xffff;
	v34 =	vmov s22;
	s22 =	smov.u32 s25  }
0x2c3: {  	v34 =	vshrl.u32 v34, $0x3  }
0x2c4: {  	v34 =	vshll.u32 v34, v0  }
0x2c5: {  	v34 =	vbroadcast v34, $0x0;
	_ =	sdelay $0x2  }
0x2c6: {  	v35 =	vshll.u32 v33, $0x3;
	v33 =	vand.u32 $0x7F, v33  }
0x2c7: {  	v35 =	vand.u32 $0xFFFFFC00, v35  }
0x2c8: {  	v33 =	vor.u32 v33, v35  }
0x2c9: {  	v35 =	vadd.s32 v20, v33;
	v33 =	vadd.s32 v21, v33  }
0x2ca: {  	[tilespmem:s21+$0x0] =	vst v35  }
0x2cb: {  	[tilespmem:s21+$0x10] =	vst v33  }
0x2cc: {  	v34 =	vld.idx.msk [tilespmem:v34+s3+$0x0], $0xffff;
	_ =	sdelay $0x1  }
.Ltmp5:
0x2cd: {  	s25 =	sadd.s32 $0xFFFFFFE8, s22;
	(pc) =	sbr.rel @p0 .LBB2_12-.Ltmp5, $4  }
0x2ce: {  	v33 =	vmov s25  }
0x2cf: {  	v33 =	vshrl.u32 v33, $0x3  }
0x2d0: {  	v33 =	vshll.u32 v33, v0  }
0x2d1: {  	v33 =	vbroadcast v33, $0x0;
	v35 =	vshll.u32 v34, $0x3;
	v34 =	vand.u32 $0x7F, v34  }
0x2d2: {  	v35 =	vand.u32 $0xFFFFFC00, v35  }
0x2d3: {  	v34 =	vor.u32 v34, v35  }
0x2d4: {  	v35 =	vadd.s32 v22, v34  }
0x2d5: {  	v34 =	vadd.s32 v23, v34;
	[tilespmem:s23+$0x20] =	vst v35  }
0x2d6: {  	[tilespmem:s23+$0x30] =	vst v34  }
0x2d7: {  	v33 =	vld.idx.msk [tilespmem:v33+s3+$0x0], $0xffff  }
0x2d8: {  	s29 =	sadd.s32 $0xFFFFFFF0, s22  }
0x2d9: {  	v56 =	vmov s29  }
0x2da: {  	v34 =	vshrl.u32 v56, $0x3  }
0x2db: {  	v34 =	vshll.u32 v34, v0  }
0x2dc: {  	v34 =	vbroadcast v34, $0x0;
	v57 =	vshll.u32 v33, $0x3  }
0x2dd: {  	v33 =	vand.u32 $0x7F, v33;
	v35 =	vand.u32 $0xFFFFFC00, v57  }
0x2de: {  	v33 =	vor.u32 v33, v35  }
0x2df: {  	s21 =	sadd.s32 $0x80, s21;
	v35 =	vadd.s32 v16, v33  }
0x2e0: {  	v33 =	vadd.s32 v17, v33;
	[tilespmem:s21+$0xFFFFFFC0] =	vst v35  }
0x2e1: {  	[tilespmem:s21+$0xFFFFFFD0] =	vst v33  }
0x2e2: {  	v33 =	vld.idx.msk [tilespmem:v34+s3+$0x0], $0xffff  }
0x2e3: {  	s30 =	sadd.s32 $0xFFFFFFF8, s22  }
0x2e4: {  	v58 =	vmov s30  }
0x2e5: {  	v34 =	vshrl.u32 v58, $0x3  }
0x2e6: {  	v34 =	vshll.u32 v34, v0  }
0x2e7: {  	v34 =	vbroadcast v34, $0x0;
	v59 =	vshll.u32 v33, $0x3  }
0x2e8: {  	v33 =	vand.u32 $0x7F, v33;
	v35 =	vand.u32 $0xFFFFFC00, v59  }
0x2e9: {  	v33 =	vor.u32 v33, v35  }
0x2ea: {  	v35 =	vadd.s32 v18, v33  }
0x2eb: {  	v33 =	vadd.s32 v19, v33;
	[tilespmem:s21+$0xFFFFFFE0] =	vst v35  }
0x2ec: {  	[tilespmem:s21+$0xFFFFFFF0] =	vst v33  }
0x2ed: {  	v33 =	vld.idx.msk [tilespmem:v34+s3+$0x0], $0xffff;
	_ =	sdelay $0x1  }
0x2ee: {  	v60 =	vmov s22  }
0x2ef: {  	v34 =	vshrl.u32 v60, $0x3  }
0x2f0: {  	v34 =	vshll.u32 v34, v0  }
0x2f1: {  	v34 =	vbroadcast v34, $0x0;
	v61 =	vshll.u32 v33, $0x3  }
0x2f2: {  	v33 =	vand.u32 $0x7F, v33;
	v35 =	vand.u32 $0xFFFFFC00, v61  }
0x2f3: {  	v33 =	vor.u32 v33, v35  }
0x2f4: {  	v35 =	vadd.s32 v20, v33  }
0x2f5: {  	v33 =	vadd.s32 v21, v33;
	[tilespmem:s21+$0x0] =	vst v35  }
0x2f6: {  	[tilespmem:s21+$0x10] =	vst v33  }
0x2f7: {  	v33 =	vld.idx.msk [tilespmem:v34+s3+$0x0], $0xffff;
	_ =	sdelay $0x4  }
0x2f8: {  	v34 =	vshll.u32 v33, $0x3  }
0x2f9: {  	v33 =	vand.u32 $0x7F, v33;
	v34 =	vand.u32 $0xFFFFFC00, v34  }
0x2fa: {  	v33 =	vor.u32 v33, v34  }
0x2fb: {  	v34 =	vadd.s32 v22, v33  }
0x2fc: {  	v33 =	vadd.s32 v23, v33;
	[tilespmem:s21+$0x20] =	vst v34  }
0x2fd: {  	[tilespmem:s21+$0x30] =	vst v33  }
0x2fe: {  	[tilespmem:s9], [sflag:$0x1] =	stream.indirect.gather [hbm4b:s0+s8], $0x1, s8, s8, $0xb8;
	[tilespmem:$0x1D020] =	vst v63  }
0x2ff: {  	_ =	swait.ge [sflag:s18], $0x2000  }
0x300: {  	[sflag:s18] =	ssyncset.done $0x0  }
0x301: {  	s21 =	simm.s32 $0x1C810;
	[sflag:s18] =	ssyncadd.s32 $0xFFFFE000  }
0x302: {  	v37 =	vld [tilespmem:s21+$0xFFFFFFF0]  }
0x303: {  	s31 =	simm.s32 $0x0;
	v62 =	vld [tilespmem:s21+$0x0]  }
0x304: {  	v63 =	vld [tilespmem:s31+$0x14010]  }
0x305: {  	v38 =	vld [tilespmem:s31+$0x14000]  }
0x306: {  	v40 =	vld [tilespmem:s31+$0x14030]  }
0x307: {  	v36 =	vld [tilespmem:s31+$0x14020]  }
0x308: {  	v34 =	vld [tilespmem:s31+$0x14050]  }
0x309: {  	v33 =	vld [tilespmem:s31+$0x14040];
	v41 =	vadd.f32 v63, v62  }
0x30a: {  	v35 =	vld [tilespmem:s31+$0x14070]  }
0x30b: {  	s22 =	simm.s32 $0x1C810;
	s23 =	simm.s32 $0x200;
	v39 =	vadd.f32 v38, v37;
	v37 =	vld [tilespmem:s31+$0x14060];
	v38 =	vadd.f32 v40, v41  }
.LBB2_14:
0x30c: {  	p0 =	sne.s32 s23, $0x7E00  }
0x30d: {  	v36 =	vadd.f32 v36, v39;
	s21 =	sadd.s32 $0x20, s21;
	s24 =	smov.u32 s23;
	s23 =	sadd.s32 $0x200, s23  }
0x30e: {  	v34 =	vadd.f32 v34, v38  }
0x30f: {  	s24 =	sshra.s32 s24, $0x2;
	v38 =	vld [tilespmem:s21+$0xFFFFFFF0];
	v33 =	vadd.f32 v33, v36  }
0x310: {  	v34 =	vadd.f32 v35, v34  }
0x311: {  	v33 =	vadd.f32 v37, v33  }
0x312: {  	[tilespmem:s22+$0x0] =	vst v34  }
0x313: {  	[tilespmem:s22+$0xFFFFFFF0] =	vst v33;
	s22 =	smov.u32 s21  }
0x314: {  	v33 =	vld [tilespmem:s21+$0x0]  }
0x315: {  	v35 =	vld [tilespmem:s24+$0x14010]  }
0x316: {  	v37 =	vld [tilespmem:s24+$0x14000]  }
0x317: {  	v40 =	vld [tilespmem:s24+$0x14030]  }
.Ltmp6:
0x318: {  	v36 =	vld [tilespmem:s24+$0x14020];
	(pc) =	sbr.rel @p0 .LBB2_14-.Ltmp6, $4  }
0x319: {  	v34 =	vld [tilespmem:s24+$0x14050]  }
0x31a: {  	v41 =	vadd.f32 v35, v33;
	v33 =	vld [tilespmem:s24+$0x14040]  }
0x31b: {  	v39 =	vadd.f32 v37, v38;
	v35 =	vld [tilespmem:s24+$0x14070]  }
0x31c: {  	v38 =	vadd.f32 v40, v41;
	v37 =	vld [tilespmem:s24+$0x14060]  }
0x31d: {  	s21 =	simm.s32 $0x60  }
0x31e: {  	v40 =	vmov s21  }
0x31f: {  	v40 =	vshrl.u32 v40, $0x3  }
0x320: {  	v36 =	vadd.f32 v36, v39;
	v55 =	vshll.u32 v40, v0  }
0x321: {  	v34 =	vadd.f32 v34, v38;
	v56 =	vbroadcast v55, $0x0  }
0x322: {  	v33 =	vadd.f32 v33, v36  }
0x323: {  	v34 =	vadd.f32 v35, v34  }
0x324: {  	v33 =	vadd.f32 v37, v33  }
0x325: {  	[tilespmem:s22+$0x0] =	vst v34  }
0x326: {  	[tilespmem:s22+$0xFFFFFFF0] =	vst v33  }
0x327: {  	v33 =	vld.idx.msk [tilespmem:v56+s3+$0x0], $0xffff  }
0x328: {  	s28 =	simm.s32 $0x68  }
0x329: {  	v57 =	vmov s28  }
0x32a: {  	v34 =	vshrl.u32 v57, $0x3  }
0x32b: {  	v34 =	vshll.u32 v34, v0  }
0x32c: {  	v34 =	vbroadcast v34, $0x0;
	v58 =	vshll.u32 v33, $0x3  }
0x32d: {  	v33 =	vand.u32 $0x7F, v33;
	v35 =	vand.u32 $0xFFFFFC00, v58  }
0x32e: {  	v33 =	vor.u32 v33, v35  }
0x32f: {  	s22 =	simm.s32 $0x0;
	v35 =	vadd.s32 v24, v33  }
0x330: {  	v33 =	vadd.s32 v25, v33;
	[tilespmem:s22+$0x8000] =	vst v35  }
0x331: {  	[tilespmem:s22+$0x8010] =	vst v33  }
0x332: {  	v33 =	vld.idx.msk [tilespmem:v34+s3+$0x0], $0xffff  }
0x333: {  	s29 =	simm.s32 $0x70  }
0x334: {  	v59 =	vmov s29  }
0x335: {  	v34 =	vshrl.u32 v59, $0x3  }
0x336: {  	v34 =	vshll.u32 v34, v0  }
0x337: {  	v34 =	vbroadcast v34, $0x0;
	v60 =	vshll.u32 v33, $0x3  }
0x338: {  	v33 =	vand.u32 $0x7F, v33;
	v35 =	vand.u32 $0xFFFFFC00, v60  }
0x339: {  	v33 =	vor.u32 v33, v35  }
0x33a: {  	v35 =	vadd.s32 v26, v33  }
0x33b: {  	v33 =	vadd.s32 v27, v33;
	[tilespmem:s22+$0x8020] =	vst v35  }
0x33c: {  	[tilespmem:s22+$0x8030] =	vst v33  }
0x33d: {  	v33 =	vld.idx.msk [tilespmem:v34+s3+$0x0], $0xffff  }
0x33e: {  	s30 =	simm.s32 $0x78  }
0x33f: {  	v61 =	vmov s30  }
0x340: {  	v34 =	vshrl.u32 v61, $0x3  }
0x341: {  	v34 =	vshll.u32 v34, v0  }
0x342: {  	v34 =	vbroadcast v34, $0x0;
	v62 =	vshll.u32 v33, $0x3  }
0x343: {  	v33 =	vand.u32 $0x7F, v33;
	v35 =	vand.u32 $0xFFFFFC00, v62  }
0x344: {  	v33 =	vor.u32 v33, v35  }
0x345: {  	v35 =	vadd.s32 v28, v33  }
0x346: {  	v33 =	vadd.s32 v29, v33;
	[tilespmem:s22+$0x8040] =	vst v35  }
0x347: {  	[tilespmem:s22+$0x8050] =	vst v33  }
0x348: {  	v34 =	vld.idx.msk [tilespmem:v34+s3+$0x0], $0xffff  }
0x349: {  	s31 =	simm.s32 $0xE0  }
0x34a: {  	v63 =	vmov s31  }
0x34b: {  	v33 =	vshrl.u32 v63, $0x3  }
0x34c: {  	v33 =	vshll.u32 v33, v0  }
0x34d: {  	s23 =	simm.s32 $0x200;
	s24 =	simm.s32 $0x400;
	s21 =	simm.s32 $0xF8;
	v33 =	vbroadcast v33, $0x0;
	v35 =	vshll.u32 v34, $0x3;
	v34 =	vand.u32 $0x7F, v34  }
.LBB2_16:
0x34e: {  	p0 =	sne.s32 s24, $0x7E00;
	v35 =	vand.u32 $0xFFFFFC00, v35;
	s25 =	smov.u32 s24;
	s24 =	sadd.s32 $0x200, s24  }
0x34f: {  	v34 =	vor.u32 v34, v35  }
0x350: {  	v35 =	vadd.s32 v31, v34;
	v34 =	vadd.s32 v32, v34  }
0x351: {  	[tilespmem:s22+$0x8060] =	vst v35  }
0x352: {  	[tilespmem:s22+$0x8070] =	vst v34  }
0x353: {  	v33 =	vld.idx.msk [tilespmem:v33+s3+$0x0], $0xffff  }
0x354: {  	s22 =	sadd.s32 $0xFFFFFFF0, s21  }
0x355: {  	v34 =	vmov s22  }
0x356: {  	v34 =	vshrl.u32 v34, $0x3  }
0x357: {  	v34 =	vshll.u32 v34, v0  }
0x358: {  	v34 =	vbroadcast v34, $0x0  }
0x359: {  	v35 =	vshll.u32 v33, $0x3  }
0x35a: {  	v33 =	vand.u32 $0x7F, v33;
	v35 =	vand.u32 $0xFFFFFC00, v35  }
0x35b: {  	v33 =	vor.u32 v33, v35  }
0x35c: {  	s22 =	sshra.s32 s23, $0x2;
	s23 =	smov.u32 s25;
	v35 =	vadd.s32 v24, v33;
	v33 =	vadd.s32 v25, v33  }
0x35d: {  	[tilespmem:s22+$0x8000] =	vst v35  }
0x35e: {  	[tilespmem:s22+$0x8010] =	vst v33  }
0x35f: {  	s25 =	sadd.s32 $0xFFFFFFF8, s21;
	v33 =	vld.idx.msk [tilespmem:v34+s3+$0x0], $0xffff  }
0x360: {  	v34 =	vmov s25  }
0x361: {  	v34 =	vshrl.u32 v34, $0x3  }
0x362: {  	v34 =	vshll.u32 v34, v0  }
0x363: {  	v34 =	vbroadcast v34, $0x0;
	_ =	sdelay $0x1  }
0x364: {  	v35 =	vshll.u32 v33, $0x3;
	v33 =	vand.u32 $0x7F, v33  }
0x365: {  	v35 =	vand.u32 $0xFFFFFC00, v35  }
0x366: {  	v33 =	vor.u32 v33, v35  }
0x367: {  	v35 =	vadd.s32 v26, v33;
	v33 =	vadd.s32 v27, v33  }
0x368: {  	[tilespmem:s22+$0x8020] =	vst v35  }
0x369: {  	[tilespmem:s22+$0x8030] =	vst v33  }
0x36a: {  	v33 =	vld.idx.msk [tilespmem:v34+s3+$0x0], $0xffff;
	v34 =	vmov s21  }
0x36b: {  	v34 =	vshrl.u32 v34, $0x3  }
0x36c: {  	v34 =	vshll.u32 v34, v0  }
0x36d: {  	v34 =	vbroadcast v34, $0x0;
	_ =	sdelay $0x2  }
0x36e: {  	v35 =	vshll.u32 v33, $0x3;
	v33 =	vand.u32 $0x7F, v33  }
0x36f: {  	v35 =	vand.u32 $0xFFFFFC00, v35  }
0x370: {  	v33 =	vor.u32 v33, v35  }
0x371: {  	v35 =	vadd.s32 v28, v33;
	v33 =	vadd.s32 v29, v33  }
0x372: {  	[tilespmem:s22+$0x8040] =	vst v35  }
0x373: {  	[tilespmem:s22+$0x8050] =	vst v33  }
0x374: {  	v34 =	vld.idx.msk [tilespmem:v34+s3+$0x0], $0xffff  }
0x375: {  	s21 =	sadd.s32 $0x80, s21  }
.Ltmp7:
0x376: {  	s25 =	sadd.s32 $0xFFFFFFE8, s21;
	(pc) =	sbr.rel @p0 .LBB2_16-.Ltmp7, $4  }
0x377: {  	v33 =	vmov s25  }
0x378: {  	v33 =	vshrl.u32 v33, $0x3  }
0x379: {  	v33 =	vshll.u32 v33, v0  }
0x37a: {  	v33 =	vbroadcast v33, $0x0;
	v35 =	vshll.u32 v34, $0x3;
	v34 =	vand.u32 $0x7F, v34  }
0x37b: {  	v35 =	vand.u32 $0xFFFFFC00, v35  }
0x37c: {  	v34 =	vor.u32 v34, v35  }
0x37d: {  	v35 =	vadd.s32 v31, v34  }
0x37e: {  	v34 =	vadd.s32 v32, v34;
	[tilespmem:s22+$0x8060] =	vst v35  }
0x37f: {  	[tilespmem:s22+$0x8070] =	vst v34  }
0x380: {  	v33 =	vld.idx.msk [tilespmem:v33+s3+$0x0], $0xffff  }
0x381: {  	s28 =	sadd.s32 $0xFFFFFFF0, s21  }
0x382: {  	v56 =	vmov s28  }
0x383: {  	v34 =	vshrl.u32 v56, $0x3  }
0x384: {  	v34 =	vshll.u32 v34, v0  }
0x385: {  	v34 =	vbroadcast v34, $0x0;
	v57 =	vshll.u32 v33, $0x3  }
0x386: {  	v33 =	vand.u32 $0x7F, v33;
	v35 =	vand.u32 $0xFFFFFC00, v57  }
0x387: {  	v33 =	vor.u32 v33, v35  }
0x388: {  	s29 =	sshra.s32 s23, $0x2;
	v35 =	vadd.s32 v24, v33  }
0x389: {  	v33 =	vadd.s32 v25, v33;
	[tilespmem:s29+$0x8000] =	vst v35  }
0x38a: {  	[tilespmem:s29+$0x8010] =	vst v33  }
0x38b: {  	v33 =	vld.idx.msk [tilespmem:v34+s3+$0x0], $0xffff  }
0x38c: {  	s30 =	sadd.s32 $0xFFFFFFF8, s21  }
0x38d: {  	v58 =	vmov s30  }
0x38e: {  	v34 =	vshrl.u32 v58, $0x3  }
0x38f: {  	v34 =	vshll.u32 v34, v0  }
0x390: {  	v34 =	vbroadcast v34, $0x0;
	v59 =	vshll.u32 v33, $0x3  }
0x391: {  	v33 =	vand.u32 $0x7F, v33;
	v35 =	vand.u32 $0xFFFFFC00, v59  }
0x392: {  	v33 =	vor.u32 v33, v35  }
0x393: {  	v35 =	vadd.s32 v26, v33  }
0x394: {  	v33 =	vadd.s32 v27, v33;
	[tilespmem:s29+$0x8020] =	vst v35  }
0x395: {  	[tilespmem:s29+$0x8030] =	vst v33  }
0x396: {  	v33 =	vld.idx.msk [tilespmem:v34+s3+$0x0], $0xffff;
	_ =	sdelay $0x1  }
0x397: {  	v60 =	vmov s21  }
0x398: {  	v34 =	vshrl.u32 v60, $0x3  }
0x399: {  	v34 =	vshll.u32 v34, v0  }
0x39a: {  	v34 =	vbroadcast v34, $0x0;
	v61 =	vshll.u32 v33, $0x3  }
0x39b: {  	v33 =	vand.u32 $0x7F, v33;
	v35 =	vand.u32 $0xFFFFFC00, v61  }
0x39c: {  	v33 =	vor.u32 v33, v35  }
0x39d: {  	v35 =	vadd.s32 v28, v33  }
0x39e: {  	v33 =	vadd.s32 v29, v33;
	[tilespmem:s29+$0x8040] =	vst v35  }
0x39f: {  	[tilespmem:s29+$0x8050] =	vst v33  }
0x3a0: {  	v33 =	vld.idx.msk [tilespmem:v34+s3+$0x0], $0xffff;
	_ =	sdelay $0x4  }
0x3a1: {  	v34 =	vshll.u32 v33, $0x3  }
0x3a2: {  	v33 =	vand.u32 $0x7F, v33;
	v34 =	vand.u32 $0xFFFFFC00, v34  }
0x3a3: {  	v33 =	vor.u32 v33, v34  }
0x3a4: {  	v34 =	vadd.s32 v31, v33  }
0x3a5: {  	v33 =	vadd.s32 v32, v33;
	[tilespmem:s29+$0x8060] =	vst v34  }
0x3a6: {  	[tilespmem:s29+$0x8070] =	vst v33  }
0x3a7: {  	[tilespmem:s11], [sflag:$0x1] =	stream.indirect.gather [hbm4b:s0+s7], $0x1, s10, s7, $0xb8;
	[tilespmem:$0x1D020] =	vst v63  }
0x3a8: {  	_ =	swait.ge [sflag:s18], $0x4000  }
0x3a9: {  	[sflag:s18] =	ssyncset.done $0x0  }
0x3aa: {  	s21 =	simm.s32 $0x1C010;
	[sflag:s18] =	ssyncadd.s32 $0xFFFFC000  }
0x3ab: {  	v37 =	vld [tilespmem:s21+$0xFFFFFFF0]  }
0x3ac: {  	s31 =	simm.s32 $0x0;
	v62 =	vld [tilespmem:s21+$0x0]  }
0x3ad: {  	v63 =	vld [tilespmem:s31+$0x18010]  }
0x3ae: {  	v38 =	vld [tilespmem:s31+$0x18000]  }
0x3af: {  	v40 =	vld [tilespmem:s31+$0x18030]  }
0x3b0: {  	v36 =	vld [tilespmem:s31+$0x18020]  }
0x3b1: {  	v34 =	vld [tilespmem:s31+$0x18050]  }
0x3b2: {  	v33 =	vld [tilespmem:s31+$0x18040];
	v41 =	vadd.f32 v63, v62  }
0x3b3: {  	v35 =	vld [tilespmem:s31+$0x18070]  }
0x3b4: {  	s23 =	simm.s32 $0x200;
	s22 =	simm.s32 $0x1C010;
	v39 =	vadd.f32 v38, v37;
	v37 =	vld [tilespmem:s31+$0x18060];
	v38 =	vadd.f32 v40, v41  }
.LBB2_18:
0x3b5: {  	p0 =	sne.s32 s23, $0xFE00  }
0x3b6: {  	v36 =	vadd.f32 v36, v39;
	s21 =	sadd.s32 $0x20, s21;
	s24 =	smov.u32 s23;
	s23 =	sadd.s32 $0x200, s23  }
0x3b7: {  	v34 =	vadd.f32 v34, v38  }
0x3b8: {  	s24 =	sshra.s32 s24, $0x2;
	v38 =	vld [tilespmem:s21+$0xFFFFFFF0];
	v33 =	vadd.f32 v33, v36  }
0x3b9: {  	v34 =	vadd.f32 v35, v34  }
0x3ba: {  	v33 =	vadd.f32 v37, v33  }
0x3bb: {  	[tilespmem:s22+$0x0] =	vst v34  }
0x3bc: {  	[tilespmem:s22+$0xFFFFFFF0] =	vst v33;
	s22 =	smov.u32 s21  }
0x3bd: {  	v33 =	vld [tilespmem:s21+$0x0]  }
0x3be: {  	v35 =	vld [tilespmem:s24+$0x18010]  }
0x3bf: {  	v37 =	vld [tilespmem:s24+$0x18000]  }
0x3c0: {  	v40 =	vld [tilespmem:s24+$0x18030]  }
.Ltmp8:
0x3c1: {  	v36 =	vld [tilespmem:s24+$0x18020];
	(pc) =	sbr.rel @p0 .LBB2_18-.Ltmp8, $4  }
0x3c2: {  	v34 =	vld [tilespmem:s24+$0x18050]  }
0x3c3: {  	v41 =	vadd.f32 v35, v33;
	v33 =	vld [tilespmem:s24+$0x18040]  }
0x3c4: {  	v39 =	vadd.f32 v37, v38;
	v35 =	vld [tilespmem:s24+$0x18070]  }
0x3c5: {  	v38 =	vadd.f32 v40, v41;
	v37 =	vld [tilespmem:s24+$0x18060]  }
0x3c6: {  	s21 =	simm.s32 $0x2060  }
0x3c7: {  	v40 =	vmov s21  }
0x3c8: {  	v40 =	vshrl.u32 v40, $0x3  }
0x3c9: {  	v36 =	vadd.f32 v36, v39;
	v55 =	vshll.u32 v40, v0  }
0x3ca: {  	v34 =	vadd.f32 v34, v38;
	v56 =	vbroadcast v55, $0x0  }
0x3cb: {  	v33 =	vadd.f32 v33, v36  }
0x3cc: {  	v34 =	vadd.f32 v35, v34  }
0x3cd: {  	v33 =	vadd.f32 v37, v33  }
0x3ce: {  	[tilespmem:s22+$0x0] =	vst v34  }
0x3cf: {  	[tilespmem:s22+$0xFFFFFFF0] =	vst v33  }
0x3d0: {  	v33 =	vld.idx.msk [tilespmem:v56+s3+$0x0], $0xffff  }
0x3d1: {  	s28 =	simm.s32 $0x2068  }
0x3d2: {  	v57 =	vmov s28  }
0x3d3: {  	v34 =	vshrl.u32 v57, $0x3  }
0x3d4: {  	v34 =	vshll.u32 v34, v0  }
0x3d5: {  	v34 =	vbroadcast v34, $0x0;
	v58 =	vshll.u32 v33, $0x3  }
0x3d6: {  	v33 =	vand.u32 $0x7F, v33;
	v35 =	vand.u32 $0xFFFFFC00, v58  }
0x3d7: {  	v33 =	vor.u32 v33, v35  }
0x3d8: {  	s22 =	simm.s32 $0x0;
	v35 =	vadd.s32 v24, v33  }
0x3d9: {  	v33 =	vadd.s32 v25, v33;
	[tilespmem:s22+$0xC000] =	vst v35  }
0x3da: {  	[tilespmem:s22+$0xC010] =	vst v33  }
0x3db: {  	v33 =	vld.idx.msk [tilespmem:v34+s3+$0x0], $0xffff  }
0x3dc: {  	s29 =	simm.s32 $0x2070  }
0x3dd: {  	v59 =	vmov s29  }
0x3de: {  	v34 =	vshrl.u32 v59, $0x3  }
0x3df: {  	v34 =	vshll.u32 v34, v0  }
0x3e0: {  	v34 =	vbroadcast v34, $0x0;
	v60 =	vshll.u32 v33, $0x3  }
0x3e1: {  	v33 =	vand.u32 $0x7F, v33;
	v35 =	vand.u32 $0xFFFFFC00, v60  }
0x3e2: {  	v33 =	vor.u32 v33, v35  }
0x3e3: {  	v35 =	vadd.s32 v26, v33  }
0x3e4: {  	v33 =	vadd.s32 v27, v33;
	[tilespmem:s22+$0xC020] =	vst v35  }
0x3e5: {  	[tilespmem:s22+$0xC030] =	vst v33  }
0x3e6: {  	v33 =	vld.idx.msk [tilespmem:v34+s3+$0x0], $0xffff  }
0x3e7: {  	s30 =	simm.s32 $0x2078  }
0x3e8: {  	v61 =	vmov s30  }
0x3e9: {  	v34 =	vshrl.u32 v61, $0x3  }
0x3ea: {  	v34 =	vshll.u32 v34, v0  }
0x3eb: {  	v34 =	vbroadcast v34, $0x0;
	v62 =	vshll.u32 v33, $0x3  }
0x3ec: {  	v33 =	vand.u32 $0x7F, v33;
	v35 =	vand.u32 $0xFFFFFC00, v62  }
0x3ed: {  	v33 =	vor.u32 v33, v35  }
0x3ee: {  	v35 =	vadd.s32 v28, v33  }
0x3ef: {  	v33 =	vadd.s32 v29, v33;
	[tilespmem:s22+$0xC040] =	vst v35  }
0x3f0: {  	[tilespmem:s22+$0xC050] =	vst v33  }
0x3f1: {  	v34 =	vld.idx.msk [tilespmem:v34+s3+$0x0], $0xffff  }
0x3f2: {  	s31 =	simm.s32 $0x20E0  }
0x3f3: {  	v63 =	vmov s31  }
0x3f4: {  	v33 =	vshrl.u32 v63, $0x3  }
0x3f5: {  	v33 =	vshll.u32 v33, v0  }
0x3f6: {  	s23 =	simm.s32 $0x200;
	s24 =	simm.s32 $0x400;
	s21 =	simm.s32 $0x20F8;
	v33 =	vbroadcast v33, $0x0;
	v35 =	vshll.u32 v34, $0x3;
	v34 =	vand.u32 $0x7F, v34  }
.LBB2_20:
0x3f7: {  	p0 =	sne.s32 s24, $0x7E00;
	v35 =	vand.u32 $0xFFFFFC00, v35;
	s25 =	smov.u32 s24;
	s24 =	sadd.s32 $0x200, s24  }
0x3f8: {  	v34 =	vor.u32 v34, v35  }
0x3f9: {  	v35 =	vadd.s32 v31, v34;
	v34 =	vadd.s32 v32, v34  }
0x3fa: {  	[tilespmem:s22+$0xC060] =	vst v35  }
0x3fb: {  	[tilespmem:s22+$0xC070] =	vst v34  }
0x3fc: {  	v33 =	vld.idx.msk [tilespmem:v33+s3+$0x0], $0xffff  }
0x3fd: {  	s22 =	sadd.s32 $0xFFFFFFF0, s21  }
0x3fe: {  	v34 =	vmov s22  }
0x3ff: {  	v34 =	vshrl.u32 v34, $0x3  }
0x400: {  	v34 =	vshll.u32 v34, v0  }
0x401: {  	v34 =	vbroadcast v34, $0x0  }
0x402: {  	v35 =	vshll.u32 v33, $0x3  }
0x403: {  	v33 =	vand.u32 $0x7F, v33;
	v35 =	vand.u32 $0xFFFFFC00, v35  }
0x404: {  	v33 =	vor.u32 v33, v35  }
0x405: {  	s22 =	sshra.s32 s23, $0x2;
	s23 =	smov.u32 s25;
	v35 =	vadd.s32 v24, v33;
	v33 =	vadd.s32 v25, v33  }
0x406: {  	[tilespmem:s22+$0xC000] =	vst v35  }
0x407: {  	[tilespmem:s22+$0xC010] =	vst v33  }
0x408: {  	s25 =	sadd.s32 $0xFFFFFFF8, s21;
	v33 =	vld.idx.msk [tilespmem:v34+s3+$0x0], $0xffff  }
0x409: {  	v34 =	vmov s25  }
0x40a: {  	v34 =	vshrl.u32 v34, $0x3  }
0x40b: {  	v34 =	vshll.u32 v34, v0  }
0x40c: {  	v34 =	vbroadcast v34, $0x0;
	_ =	sdelay $0x1  }
0x40d: {  	v35 =	vshll.u32 v33, $0x3;
	v33 =	vand.u32 $0x7F, v33  }
0x40e: {  	v35 =	vand.u32 $0xFFFFFC00, v35  }
0x40f: {  	v33 =	vor.u32 v33, v35  }
0x410: {  	v35 =	vadd.s32 v26, v33;
	v33 =	vadd.s32 v27, v33  }
0x411: {  	[tilespmem:s22+$0xC020] =	vst v35  }
0x412: {  	[tilespmem:s22+$0xC030] =	vst v33  }
0x413: {  	v33 =	vld.idx.msk [tilespmem:v34+s3+$0x0], $0xffff;
	v34 =	vmov s21  }
0x414: {  	v34 =	vshrl.u32 v34, $0x3  }
0x415: {  	v34 =	vshll.u32 v34, v0  }
0x416: {  	v34 =	vbroadcast v34, $0x0;
	_ =	sdelay $0x2  }
0x417: {  	v35 =	vshll.u32 v33, $0x3;
	v33 =	vand.u32 $0x7F, v33  }
0x418: {  	v35 =	vand.u32 $0xFFFFFC00, v35  }
0x419: {  	v33 =	vor.u32 v33, v35  }
0x41a: {  	v35 =	vadd.s32 v28, v33;
	v33 =	vadd.s32 v29, v33  }
0x41b: {  	[tilespmem:s22+$0xC040] =	vst v35  }
0x41c: {  	[tilespmem:s22+$0xC050] =	vst v33  }
0x41d: {  	v34 =	vld.idx.msk [tilespmem:v34+s3+$0x0], $0xffff  }
0x41e: {  	s21 =	sadd.s32 $0x80, s21  }
.Ltmp9:
0x41f: {  	s25 =	sadd.s32 $0xFFFFFFE8, s21;
	(pc) =	sbr.rel @p0 .LBB2_20-.Ltmp9, $4  }
0x420: {  	v33 =	vmov s25  }
0x421: {  	v33 =	vshrl.u32 v33, $0x3  }
0x422: {  	v33 =	vshll.u32 v33, v0  }
0x423: {  	v33 =	vbroadcast v33, $0x0;
	v35 =	vshll.u32 v34, $0x3;
	v34 =	vand.u32 $0x7F, v34  }
0x424: {  	v35 =	vand.u32 $0xFFFFFC00, v35  }
0x425: {  	v34 =	vor.u32 v34, v35  }
0x426: {  	v35 =	vadd.s32 v31, v34  }
0x427: {  	v34 =	vadd.s32 v32, v34;
	[tilespmem:s22+$0xC060] =	vst v35  }
0x428: {  	[tilespmem:s22+$0xC070] =	vst v34  }
0x429: {  	v33 =	vld.idx.msk [tilespmem:v33+s3+$0x0], $0xffff  }
0x42a: {  	s29 =	sadd.s32 $0xFFFFFFF0, s21  }
0x42b: {  	v56 =	vmov s29  }
0x42c: {  	v34 =	vshrl.u32 v56, $0x3  }
0x42d: {  	v34 =	vshll.u32 v34, v0  }
0x42e: {  	v34 =	vbroadcast v34, $0x0;
	v57 =	vshll.u32 v33, $0x3  }
0x42f: {  	v33 =	vand.u32 $0x7F, v33;
	v35 =	vand.u32 $0xFFFFFC00, v57  }
0x430: {  	v33 =	vor.u32 v33, v35  }
0x431: {  	s30 =	sshra.s32 s23, $0x2;
	v35 =	vadd.s32 v24, v33  }
0x432: {  	v33 =	vadd.s32 v25, v33;
	[tilespmem:s30+$0xC000] =	vst v35  }
0x433: {  	[tilespmem:s30+$0xC010] =	vst v33  }
0x434: {  	v33 =	vld.idx.msk [tilespmem:v34+s3+$0x0], $0xffff  }
0x435: {  	s31 =	sadd.s32 $0xFFFFFFF8, s21  }
0x436: {  	v58 =	vmov s31  }
0x437: {  	v34 =	vshrl.u32 v58, $0x3  }
0x438: {  	v34 =	vshll.u32 v34, v0  }
0x439: {  	v34 =	vbroadcast v34, $0x0;
	v59 =	vshll.u32 v33, $0x3  }
0x43a: {  	v33 =	vand.u32 $0x7F, v33;
	v35 =	vand.u32 $0xFFFFFC00, v59  }
0x43b: {  	v33 =	vor.u32 v33, v35  }
0x43c: {  	v35 =	vadd.s32 v26, v33  }
0x43d: {  	v33 =	vadd.s32 v27, v33;
	[tilespmem:s30+$0xC020] =	vst v35  }
0x43e: {  	[tilespmem:s30+$0xC030] =	vst v33  }
0x43f: {  	v33 =	vld.idx.msk [tilespmem:v34+s3+$0x0], $0xffff;
	_ =	sdelay $0x1  }
0x440: {  	v60 =	vmov s21  }
0x441: {  	v34 =	vshrl.u32 v60, $0x3  }
0x442: {  	v34 =	vshll.u32 v34, v0  }
0x443: {  	v34 =	vbroadcast v34, $0x0;
	v61 =	vshll.u32 v33, $0x3  }
0x444: {  	v33 =	vand.u32 $0x7F, v33;
	v35 =	vand.u32 $0xFFFFFC00, v61  }
0x445: {  	v33 =	vor.u32 v33, v35  }
0x446: {  	v35 =	vadd.s32 v28, v33  }
0x447: {  	v33 =	vadd.s32 v29, v33;
	[tilespmem:s30+$0xC040] =	vst v35  }
0x448: {  	[tilespmem:s30+$0xC050] =	vst v33  }
0x449: {  	v33 =	vld.idx.msk [tilespmem:v34+s3+$0x0], $0xffff;
	_ =	sdelay $0x4  }
0x44a: {  	v34 =	vshll.u32 v33, $0x3  }
0x44b: {  	v33 =	vand.u32 $0x7F, v33;
	v34 =	vand.u32 $0xFFFFFC00, v34  }
0x44c: {  	v33 =	vor.u32 v33, v34  }
0x44d: {  	v34 =	vadd.s32 v31, v33  }
0x44e: {  	v33 =	vadd.s32 v32, v33;
	[tilespmem:s30+$0xC060] =	vst v34  }
0x44f: {  	[tilespmem:s30+$0xC070] =	vst v33  }
0x450: {  	[tilespmem:s13], [sflag:$0x1] =	stream.indirect.gather [hbm4b:s0+s7], $0x1, s12, s7, $0xb8;
	[tilespmem:$0x1D020] =	vst v63  }
0x451: {  	_ =	swait.ge [sflag:s18], $0x4000  }
0x452: {  	[sflag:s18] =	ssyncset.done $0x0  }
0x453: {  	s21 =	simm.s32 $0x0;
	[sflag:s18] =	ssyncadd.s32 $0xFFFFC000  }
0x454: {  	s22 =	simm.s32 $0x10040;
	v62 =	vld [tilespmem:s21+$0x1C000]  }
0x455: {  	v37 =	vld [tilespmem:s22+$0xFFFFFFE0]  }
0x456: {  	v63 =	vld [tilespmem:s22+$0xFFFFFFC0]  }
0x457: {  	v38 =	vld [tilespmem:s22+$0xFFFFFFD0]  }
0x458: {  	v39 =	vld [tilespmem:s21+$0x1C010]  }
0x459: {  	v34 =	vld [tilespmem:s22+$0xFFFFFFF0]  }
0x45a: {  	v36 =	vld [tilespmem:s22+$0x0]  }
0x45b: {  	v33 =	vld [tilespmem:s22+$0x10];
	v40 =	vadd.f32 v63, v62  }
0x45c: {  	v35 =	vld [tilespmem:s22+$0x20]  }
0x45d: {  	s23 =	simm.s32 $0x80;
	v38 =	vadd.f32 v38, v39;
	v39 =	vadd.f32 v37, v40;
	v37 =	vld [tilespmem:s22+$0x30]  }
.LBB2_22:
0x45e: {  	p0 =	sne.s32 s23, $0x3F80  }
0x45f: {  	s22 =	sadd.s32 $0x80, s22;
	s24 =	smov.u32 s23;
	s23 =	sadd.s32 $0x80, s23;
	v34 =	vadd.f32 v34, v38;
	v36 =	vadd.f32 v36, v39  }
0x460: {  	_ = 	snop  }
0x461: {  	v33 =	vadd.f32 v33, v34;
	v34 =	vadd.f32 v35, v36  }
0x462: {  	s24 =	sshra.s32 s24, $0x2  }
0x463: {  	v33 =	vadd.f32 v37, v33;
	[tilespmem:s21+$0x1C000] =	vst v34  }
0x464: {  	v35 =	vld [tilespmem:s24+$0x1C000]  }
0x465: {  	[tilespmem:s21+$0x1C010] =	vst v33;
	s21 =	smov.u32 s24  }
0x466: {  	v37 =	vld [tilespmem:s22+$0xFFFFFFE0]  }
0x467: {  	v33 =	vld [tilespmem:s22+$0xFFFFFFC0]  }
0x468: {  	v38 =	vld [tilespmem:s22+$0xFFFFFFD0]  }
0x469: {  	v39 =	vld [tilespmem:s21+$0x1C010]  }
.Ltmp10:
0x46a: {  	v34 =	vld [tilespmem:s22+$0xFFFFFFF0];
	(pc) =	sbr.rel @p0 .LBB2_22-.Ltmp10, $4  }
0x46b: {  	v36 =	vld [tilespmem:s22+$0x0]  }
0x46c: {  	v40 =	vadd.f32 v33, v35;
	v33 =	vld [tilespmem:s22+$0x10]  }
0x46d: {  	v35 =	vld [tilespmem:s22+$0x20]  }
0x46e: {  	v38 =	vadd.f32 v38, v39;
	v39 =	vadd.f32 v37, v40;
	v37 =	vld [tilespmem:s22+$0x30]  }
0x46f: {  	_ = 	snop  }
0x470: {  	v34 =	vadd.f32 v34, v38  }
0x471: {  	v36 =	vadd.f32 v36, v39  }
0x472: {  	v33 =	vadd.f32 v33, v34  }
0x473: {  	v59 =	vadd.f32 v35, v36  }
0x474: {  	v33 =	vadd.f32 v37, v33  }
0x475: {  	[tilespmem:s21+$0x1C000] =	vst v59  }
0x476: {  	[tilespmem:s21+$0x1C010] =	vst v33  }
0x477: {  	_ =	swait.ge [sflag:s18], $0x2000  }
0x478: {  	[sflag:s18] =	ssyncset.done $0x0  }
0x479: {  	s21 =	simm.s32 $0x1C010;
	[sflag:s18] =	ssyncadd.s32 $0xFFFFE000  }
0x47a: {  	v60 =	vld [tilespmem:s21+$0xFFFFFFF0]  }
0x47b: {  	s22 =	simm.s32 $0x0;
	v61 =	vld [tilespmem:s21+$0x0]  }
0x47c: {  	v62 =	vld [tilespmem:s22+$0x14010]  }
0x47d: {  	v63 =	vld [tilespmem:s22+$0x14000]  }
0x47e: {  	v40 =	vld [tilespmem:s22+$0x14030]  }
0x47f: {  	v36 =	vld [tilespmem:s22+$0x14020]  }
0x480: {  	v33 =	vld [tilespmem:s22+$0x14050]  }
0x481: {  	v34 =	vld [tilespmem:s22+$0x14040];
	v41 =	vadd.f32 v62, v61  }
0x482: {  	v35 =	vld [tilespmem:s22+$0x14070]  }
0x483: {  	s23 =	simm.s32 $0x200;
	v37 =	vld [tilespmem:s22+$0x14060];
	s22 =	simm.s32 $0x1C010;
	v39 =	vadd.f32 v63, v60;
	v38 =	vadd.f32 v40, v41  }
.LBB2_24:
0x484: {  	p0 =	sne.s32 s23, $0x7E00  }
0x485: {  	v36 =	vadd.f32 v36, v39;
	s21 =	sadd.s32 $0x20, s21;
	s24 =	smov.u32 s23;
	s23 =	sadd.s32 $0x200, s23  }
0x486: {  	v33 =	vadd.f32 v33, v38  }
0x487: {  	s24 =	sshra.s32 s24, $0x2;
	v38 =	vld [tilespmem:s21+$0xFFFFFFF0];
	v34 =	vadd.f32 v34, v36  }
0x488: {  	v33 =	vadd.f32 v35, v33  }
0x489: {  	v34 =	vadd.f32 v37, v34  }
0x48a: {  	[tilespmem:s22+$0x0] =	vst v33  }
0x48b: {  	[tilespmem:s22+$0xFFFFFFF0] =	vst v34;
	s22 =	smov.u32 s21  }
0x48c: {  	v34 =	vld [tilespmem:s21+$0x0]  }
0x48d: {  	v35 =	vld [tilespmem:s24+$0x14010]  }
0x48e: {  	v37 =	vld [tilespmem:s24+$0x14000]  }
0x48f: {  	v40 =	vld [tilespmem:s24+$0x14030]  }
.Ltmp11:
0x490: {  	v36 =	vld [tilespmem:s24+$0x14020];
	(pc) =	sbr.rel @p0 .LBB2_24-.Ltmp11, $4  }
0x491: {  	v33 =	vld [tilespmem:s24+$0x14050]  }
0x492: {  	v41 =	vadd.f32 v35, v34;
	v34 =	vld [tilespmem:s24+$0x14040]  }
0x493: {  	v39 =	vadd.f32 v37, v38;
	v35 =	vld [tilespmem:s24+$0x14070]  }
0x494: {  	v38 =	vadd.f32 v40, v41;
	v37 =	vld [tilespmem:s24+$0x14060]  }
0x495: {  	v36 =	vadd.f32 v36, v39  }
0x496: {  	v33 =	vadd.f32 v33, v38  }
0x497: {  	v34 =	vadd.f32 v34, v36  }
0x498: {  	v33 =	vadd.f32 v35, v33  }
0x499: {  	v34 =	vadd.f32 v37, v34  }
0x49a: {  	[tilespmem:s22+$0x0] =	vst v33  }
0x49b: {  	[tilespmem:s22+$0xFFFFFFF0] =	vst v34  }
0x49c: {  	_ =	swait.ge [sflag:s18], $0x2000  }
0x49d: {  	[sflag:s18] =	ssyncset.done $0x0  }
0x49e: {  	s21 =	simm.s32 $0x1C810;
	[sflag:s18] =	ssyncadd.s32 $0xFFFFE000  }
0x49f: {  	v60 =	vld [tilespmem:s21+$0xFFFFFFF0]  }
0x4a0: {  	s31 =	simm.s32 $0x0;
	v61 =	vld [tilespmem:s21+$0x0]  }
0x4a1: {  	v62 =	vld [tilespmem:s31+$0x18010]  }
0x4a2: {  	v63 =	vld [tilespmem:s31+$0x18000]  }
0x4a3: {  	v40 =	vld [tilespmem:s31+$0x18030]  }
0x4a4: {  	v36 =	vld [tilespmem:s31+$0x18020]  }
0x4a5: {  	v33 =	vld [tilespmem:s31+$0x18050]  }
0x4a6: {  	v34 =	vld [tilespmem:s31+$0x18040];
	v41 =	vadd.f32 v62, v61  }
0x4a7: {  	v35 =	vld [tilespmem:s31+$0x18070]  }
0x4a8: {  	s23 =	simm.s32 $0x200;
	s22 =	simm.s32 $0x1C810;
	v37 =	vld [tilespmem:s31+$0x18060];
	v39 =	vadd.f32 v63, v60;
	v38 =	vadd.f32 v40, v41  }
.LBB2_26:
0x4a9: {  	p0 =	sne.s32 s23, $0x7E00  }
0x4aa: {  	v36 =	vadd.f32 v36, v39;
	s21 =	sadd.s32 $0x20, s21;
	s24 =	smov.u32 s23;
	s23 =	sadd.s32 $0x200, s23  }
0x4ab: {  	v33 =	vadd.f32 v33, v38  }
0x4ac: {  	s24 =	sshra.s32 s24, $0x2;
	v38 =	vld [tilespmem:s21+$0xFFFFFFF0];
	v34 =	vadd.f32 v34, v36  }
0x4ad: {  	v33 =	vadd.f32 v35, v33  }
0x4ae: {  	v34 =	vadd.f32 v37, v34  }
0x4af: {  	[tilespmem:s22+$0x0] =	vst v33  }
0x4b0: {  	[tilespmem:s22+$0xFFFFFFF0] =	vst v34;
	s22 =	smov.u32 s21  }
0x4b1: {  	v34 =	vld [tilespmem:s21+$0x0]  }
0x4b2: {  	v35 =	vld [tilespmem:s24+$0x18010]  }
0x4b3: {  	v37 =	vld [tilespmem:s24+$0x18000]  }
0x4b4: {  	v40 =	vld [tilespmem:s24+$0x18030]  }
.Ltmp12:
0x4b5: {  	v36 =	vld [tilespmem:s24+$0x18020];
	(pc) =	sbr.rel @p0 .LBB2_26-.Ltmp12, $4  }
0x4b6: {  	v33 =	vld [tilespmem:s24+$0x18050]  }
0x4b7: {  	v41 =	vadd.f32 v35, v34;
	v34 =	vld [tilespmem:s24+$0x18040]  }
0x4b8: {  	v39 =	vadd.f32 v37, v38;
	v35 =	vld [tilespmem:s24+$0x18070]  }
0x4b9: {  	v38 =	vadd.f32 v40, v41;
	v37 =	vld [tilespmem:s24+$0x18060]  }
0x4ba: {  	v36 =	vadd.f32 v36, v39  }
0x4bb: {  	v33 =	vadd.f32 v33, v38  }
0x4bc: {  	v34 =	vadd.f32 v34, v36  }
0x4bd: {  	v33 =	vadd.f32 v35, v33  }
0x4be: {  	s20 =	sadd.s32 $0x1, s20;
	v34 =	vadd.f32 v37, v34  }
0x4bf: {  	p0 =	sne.s32 s20, s15;
	[tilespmem:s22+$0x0] =	vst v33  }
.Ltmp13:
0x4c0: {  	[tilespmem:s22+$0xFFFFFFF0] =	vst v34;
	(pc) =	sbr.rel @p0 .LBB2_1-.Ltmp13, $4  }
0x4c1: {  	[hbm4b:s14+s3] =	stream.linear.scatter [tilespmem:s19], [sflag:$0x3], $0x1000, $0x38;
	[tilespmem:$0x1D020] =	vst v63  }
0x4c2: {  	_ =	swait.ge [sflag:s16], $0x1000  }
0x4c3: {  	[sflag:s16] =	ssyncset.done $0x0  }
0x4c4: {  	[sflag:s16] =	ssyncadd.s32 $0xFFFFF000  }
0x4c5: {  	_ =	sfence.sel $0x180000  }
0x4c6: {  	[bflag:$0x0] =	sbarrier.arrive $0xFFFF  }
0x4c7: {  	p0 =	sne.s32 s4, $0x0;
	_ =	strace $0x90000047  }
0x4c8: {  	s0 =	sadd.s32 @!p0 $0x100000, s2;
	[bflag:$0x2] =	sbarrier.arrive $0xFFFF  }
0x4c9: {  	[sflag:s0] =	ssyncadd.tile.s32 @!p0 $0x1;
	_ =	shalt  }
.Lfunc_end2:
_tile_overlayer_lowered:
.L_overlay_start_2:
0x4ca: {  	(tag) =	ssettag $0x2  }
0x4cb: {  	s0 =	rddreg [dreg:$0x0];
	s2 =	stileid.u32  }
0x4cc: {  	s1 =	rddreg [dreg:$0x1];
	p0 =	sne.s32 s2, $0x0  }
0x4cd: {  	s3 =	rddreg [dreg:$0x2];
	[bflag:$0x3] =	sbarrier.arrive $0xFFFF;
	s2 =	simm.s32 @!p0 $0x1C03  }
0x4ce: {  	[timem:s3], [sflag:s2] =	dma.local @!p0 [hbm:s0], s1  }
0x4cf: {  	s0 =	simm.s32 @!p0 $0x3  }
0x4d0: {  	_ =	swait.ge @!p0 [sflag:s0], s1  }
0x4d1: {  	s1 =	ssub.s32 @!p0 $0x0, s1;
	[sflag:s0] =	ssyncset.done @!p0 $0x0  }
0x4d2: {  	[sflag:s0] =	ssyncadd.s32 @!p0 s1  }
0x4d3: {  	[bflag:$0x3] =	sbarrier.arrive $0xFFFF  }
0x4d4: {  	_ =	shalt  }

</sc_bundles>
